<compile_context>
chip_gen: v7x
topology: tpu7x:2x2x1
jax: 0.10.2.dev20260603
libtpu: 0.0.44.dev20260713+nightly
codegen_flags: <defaults>
</compile_context>

<pallas_src>
import jax
import jax.numpy as jnp
from jax import lax
from jax.experimental import pallas as pl
from jax.experimental.pallas import tpu as pltpu
from jax.experimental.pallas import tpu_sc as plsc

N = 1024
E = 65536
T = 15
G1 = 8
H1 = 1200
C = 6
TP = 16
NTILES = 32
EPW = E // NTILES
GPW = EPW // 16
NPW = N // NTILES
NB = 16
MSTEPS = N // NB


def _mesh():
    return plsc.VectorSubcoreMesh(core_axis_name="c", subcore_axis_name="s")


def _wid():
    return lax.axis_index("s") * 2 + lax.axis_index("c")



def _deg_body(dst_hbm, degp_hbm, dst_v, deg_v):
    w = _wid()
    pltpu.sync_copy(dst_hbm.at[w], dst_v)

    def zero(n, carry):
        deg_v[pl.ds(n * 16, 16)] = jnp.zeros((16,), jnp.float32)
        return carry

    lax.fori_loop(0, N, zero, 0)

    def body(g, carry):
        d16 = dst_v[pl.ds(g * 16, 16)]
        for j in range(16):
            d = d16[j]
            deg_v[pl.ds(d * 16, 16)] = deg_v[pl.ds(d * 16, 16)] + 1.0
        return carry

    lax.fori_loop(0, GPW, body, 0)
    pltpu.sync_copy(deg_v, degp_hbm.at[w])


def _deg_call(dst2):
    return pl.kernel(
        _deg_body,
        out_type=jax.ShapeDtypeStruct((NTILES, N * 16), jnp.float32),
        scratch_types=[
            pltpu.VMEM((EPW,), jnp.int32),
            pltpu.VMEM((N * 16,), jnp.float32),
        ],
        mesh=_mesh(),
    )(dst2)



def _dinv_body(degp_ref, out_ref):
    deg = jnp.sum(degp_ref[...], axis=0)
    out_ref[...] = lax.rsqrt(deg + 1.0)


def _dinv_call(degp):
    return pl.pallas_call(
        _dinv_body,
        out_shape=jax.ShapeDtypeStruct((N, 16), jnp.float32),
    )(degp)



def _prop_body(src_hbm, dst_hbm, x_hbm, dinv_hbm, aggp_hbm,
               src_v, dst_v, x_v, dinv_v, acc_v):
    w = _wid()
    pltpu.sync_copy(src_hbm.at[w], src_v)
    pltpu.sync_copy(dst_hbm.at[w], dst_v)
    pltpu.sync_copy(x_hbm, x_v)
    pltpu.sync_copy(dinv_hbm, dinv_v)

    def zero(n, carry):
        acc_v[pl.ds(n * 16, 16)] = jnp.zeros((16,), jnp.float32)
        return carry

    lax.fori_loop(0, N, zero, 0)

    def body(g, carry):
        s16 = src_v[pl.ds(g * 16, 16)]
        d16 = dst_v[pl.ds(g * 16, 16)]
        for j in range(16):
            s = s16[j]
            d = d16[j]
            nrm = (dinv_v[pl.ds(s * 16, 16)] * dinv_v[pl.ds(d * 16, 16)])
            acc_v[pl.ds(d * 16, 16)] = (acc_v[pl.ds(d * 16, 16)]
                                        + x_v[pl.ds(s * 16, 16)] * nrm)
        return carry

    lax.fori_loop(0, GPW, body, 0)

    base = w * NPW
    def selfloop(r, carry):
        n = base + r
        dv = dinv_v[pl.ds(n * 16, 16)]
        acc_v[pl.ds(n * 16, 16)] = (acc_v[pl.ds(n * 16, 16)]
                                    + x_v[pl.ds(n * 16, 16)] * (dv * dv))
        return carry

    lax.fori_loop(0, NPW, selfloop, 0)
    pltpu.sync_copy(acc_v, aggp_hbm.at[w])


def _prop_call(src2, dst2, xflat, dinv):
    return pl.kernel(
        _prop_body,
        out_type=jax.ShapeDtypeStruct((NTILES, N * TP), jnp.float32),
        scratch_types=[
            pltpu.VMEM((EPW,), jnp.int32),
            pltpu.VMEM((EPW,), jnp.int32),
            pltpu.VMEM((N * TP,), jnp.float32),
            pltpu.VMEM((N * 16,), jnp.float32),
            pltpu.VMEM((N * TP,), jnp.float32),
        ],
        mesh=_mesh(),
    )(src2, dst2, xflat, dinv)



def _mv_body(aggp_ref, cw_ref, cb_ref, w1_ref, b1_ref, w2_ref, b2_ref,
             out_ref, flat_s, z1_ref):
    k = pl.program_id(0)

    @pl.when(k == 0)
    def _init():
        aggx = jnp.sum(aggp_ref[...], axis=0)
        col = lax.broadcasted_iota(jnp.int32, (TP, T * G1), 1)
        row = lax.broadcasted_iota(jnp.int32, (TP, T * G1), 0)
        sel_t = (col // G1 == row).astype(jnp.float32)
        a2 = jnp.dot(aggx, sel_t, preferred_element_type=jnp.float32)
        colg = lax.broadcasted_iota(jnp.int32, (G1, T * G1), 1)
        rowg = lax.broadcasted_iota(jnp.int32, (G1, T * G1), 0)
        sel_g = (colg % G1 == rowg).astype(jnp.float32)
        wv = jnp.dot(cw_ref[...], sel_g, preferred_element_type=jnp.float32)
        bv = jnp.dot(cb_ref[...], sel_g, preferred_element_type=jnp.float32)
        flat_s[...] = jnp.maximum(a2 * wv + bv, 0.0)
        z1_ref[...] = jnp.zeros_like(z1_ref)
        out_ref[...] = jnp.zeros_like(out_ref)

    fblk = flat_s[pl.ds(k * NB, NB), :]
    acc = z1_ref[...]
    for r in range(NB):
        acc = acc + jnp.dot(fblk[r:r + 1, :].astype(jnp.bfloat16), w1_ref[r],
                            preferred_element_type=jnp.float32)
    z1_ref[...] = acc

    @pl.when(k == pl.num_programs(0) - 1)
    def _final():
        z1 = z1_ref[...] + b1_ref[...]
        z2 = jnp.dot(z1, w2_ref[...], preferred_element_type=jnp.float32)
        z2 = z2 + b2_ref[...]
        m = jnp.max(z2, axis=1, keepdims=True)
        lse = jnp.log(jnp.sum(jnp.exp(z2 - m), axis=1, keepdims=True)) + m
        out_ref[...] = z2 - lse


def _mv_call(aggp, conv_W, conv_b, w13, fc1_b, fc2_W, fc2_b):
    return pl.pallas_call(
        _mv_body,
        grid=(MSTEPS,),
        in_specs=[
            pl.BlockSpec((NTILES, N, TP), lambda k: (0, 0, 0)),
            pl.BlockSpec((1, G1), lambda k: (0, 0)),
            pl.BlockSpec((1, G1), lambda k: (0, 0)),
            pl.BlockSpec((NB, T * G1, H1), lambda k: (k, 0, 0)),
            pl.BlockSpec((1, H1), lambda k: (0, 0)),
            pl.BlockSpec((H1, C), lambda k: (0, 0)),
            pl.BlockSpec((1, C), lambda k: (0, 0)),
        ],
        out_specs=pl.BlockSpec((1, C), lambda k: (0, 0)),
        out_shape=jax.ShapeDtypeStruct((1, C), jnp.float32),
        scratch_shapes=[
            pltpu.VMEM((N, T * G1), jnp.float32),
            pltpu.VMEM((1, H1), jnp.float32),
        ],
    )(aggp, conv_W, conv_b, w13, fc1_b, fc2_W, fc2_b)


def _impl(x, graph_list, conv_W, conv_b, fc1_W, fc1_b, fc2_W, fc2_b):
    src2 = graph_list[0, 0, 0].reshape(NTILES, EPW)
    dst2 = graph_list[0, 0, 1].reshape(NTILES, EPW)
    xflat = jnp.pad(x[0], ((0, 0), (0, TP - T))).reshape(N * TP)
    degp = _deg_call(dst2)
    dinv = _dinv_call(degp.reshape(NTILES, N, 16)).reshape(N * 16)
    aggp = _prop_call(src2, dst2, xflat, dinv)
    w13 = fc1_W.reshape(N, T * G1, H1).astype(jnp.bfloat16)
    return _mv_call(aggp.reshape(NTILES, N, TP), conv_W,
                    conv_b.reshape(1, G1), w13, fc1_b.reshape(1, H1),
                    fc2_W, fc2_b.reshape(1, C))


_pipeline = jax.jit(_impl)


def kernel(x, graph_list, edge_weight_list, mapping_list, conv_W, conv_b,
           fc1_W, fc1_b, fc2_W, fc2_b):
    return _pipeline(x, graph_list, conv_W, conv_b, fc1_W, fc1_b,
                     fc2_W, fc2_b)

# --- scband reference (transcript-rebuilt; emitter-appended) ---
"""Pipeline reference for scband-net-tgcnbasic-60138132079016 (READ-ONLY COPY).

The authoritative reference and input builder live on the scoring server;
editing this copy changes nothing except your own understanding.
"""

import jax, jax.numpy as jnp
import numpy as np

N = 1024
E = 65536
G1 = 8
T = 15
H1 = 1200
C = 6


def setup_inputs(seed: int = 0) -> dict:
    key = jax.random.key(seed)
    ks = jax.random.split(key, 10)
    x = jax.random.normal(ks[0], (1, N, T), dtype=jnp.float32)
    graph_list = jax.random.randint(ks[1], (1, 1, 2, E), 0, N, dtype=jnp.int32)
    edge_weight_list = jax.random.uniform(ks[2], (1, E), dtype=jnp.float32)
    mapping_list = jax.random.randint(ks[3], (1, N), 0, N, dtype=jnp.int32)
    conv_W = jax.random.normal(ks[4], (1, G1), dtype=jnp.float32) * 0.5
    conv_b = jax.random.normal(ks[5], (G1,), dtype=jnp.float32) * 0.05
    fc1_W = jax.random.normal(ks[6], (N * G1 * T, H1), dtype=jnp.float32) * 0.003
    fc1_b = jax.random.normal(ks[7], (H1,), dtype=jnp.float32) * 0.01
    fc2_W = jax.random.normal(ks[8], (H1, C), dtype=jnp.float32) * 0.03
    fc2_b = jax.random.normal(ks[9], (C,), dtype=jnp.float32) * 0.01
    return {
        "x": x,
        "graph_list": graph_list,
        "edge_weight_list": edge_weight_list,
        "mapping_list": mapping_list,
        "conv_W": conv_W,
        "conv_b": conv_b,
        "fc1_W": fc1_W,
        "fc1_b": fc1_b,
        "fc2_W": fc2_W,
        "fc2_b": fc2_b,
    }


def reference(x, graph_list, edge_weight_list, mapping_list, conv_W, conv_b, fc1_W, fc1_b, fc2_W, fc2_b):
    # x: [1, N, T] -> permute(1, 2, 0) -> [N, T, 1]
    xp = jnp.transpose(x, (1, 2, 0))
    n = xp.shape[0]
    edge_index = graph_list[0][0]  # [2, E]
    src = edge_index[0]
    dst = edge_index[1]
    # GCNConv (PyG defaults): add self loops, symmetric normalization, edge_weight=None -> ones
    loop = jnp.arange(n, dtype=src.dtype)
    src = jnp.concatenate([src, loop])
    dst = jnp.concatenate([dst, loop])
    deg = jnp.zeros((n,), dtype=xp.dtype).at[dst].add(1.0)
    dinv = jnp.where(deg > 0, jax.lax.rsqrt(deg), 0.0)
    norm = dinv[src] * dinv[dst]
    # linear transform then propagate (gather from src, scatter-add to dst)
    h = xp @ conv_W  # [N, T, G1]
    msg = h[src] * norm[:, None, None]
    agg = jnp.zeros_like(h).at[dst].add(msg)
    agg = agg + conv_b
    r = jax.nn.relu(agg)
    flat = r.reshape(1, -1)  # [1, N*T*G1]
    z1 = flat @ fc1_W + fc1_b
    z2 = z1 @ fc2_W + fc2_b
    return jax.nn.log_softmax(z2, axis=1)

if __name__ == "__main__":
    import jax
    _d = setup_inputs()
    print(jax.jit(kernel)(*tuple(_d.values())))

</pallas_src>

<mosaic_0001>
#map = affine_map<(d0, d1) -> (0, 0)>
module attributes {stable_mosaic.version = 14 : i64} {
  func.func @_deg_body(%arg0: i32, %arg1: i32, %arg2: memref<32x2048xi32, #tpu.memory_space<hbm>>, %arg3: memref<32x16384xf32, #tpu.memory_space<hbm>>, %arg4: memref<2048xi32, #tpu.memory_space<vmem>>, %arg5: memref<16384xf32, #tpu.memory_space<vmem>>) attributes {dimension_semantics = [#tpu.dimension_semantics<core_parallel>, #tpu.dimension_semantics<subcore_parallel>], iteration_bounds = array<i64: 2, 16>, scalar_prefetch = 0 : i64, scratch_operands = 2 : i64, tpu.core_type = #tpu.core_type<sc_vector_subcore>, window_params = [{transform_indices = #map}, {transform_indices = #map}]} {
    %mul3A = arith.constant 2 : i32
    %mul3A_0 = arith.muli %arg1, %mul3A : i32
    %add3A = arith.addi %mul3A_0, %arg0 : i32
    "tpu.region"() ({
      %run_scoped3A = tpu.sem_alloc : memref<!tpu.dma_semaphore, #tpu.memory_space<semaphore_mem>>
      %dma_start3A = arith.constant 0 : i32
      %dma_start3A_12 = tpu.memref_slice %arg2[%add3A, %dma_start3A] : memref<32x2048xi32, #tpu.memory_space<hbm>> -> memref<1x2048xi32, #tpu.memory_space<hbm>>
      %dma_start3A_13 = tpu.memref_squeeze %dma_start3A_12 : memref<1x2048xi32, #tpu.memory_space<hbm>> -> memref<2048xi32, #tpu.memory_space<hbm>>
      %dma_start3A_14 = arith.constant 0 : i32
      %dma_start3A_15 = tpu.memref_slice %arg2[%add3A, %dma_start3A_14] : memref<32x2048xi32, #tpu.memory_space<hbm>> -> memref<1x2048xi32, #tpu.memory_space<hbm>>
      %dma_start3A_16 = tpu.memref_squeeze %dma_start3A_15 : memref<1x2048xi32, #tpu.memory_space<hbm>> -> memref<2048xi32, #tpu.memory_space<hbm>>
      tpu.enqueue_dma source(%dma_start3A_16 : memref<2048xi32, #tpu.memory_space<hbm>>) target(%arg4 : memref<2048xi32, #tpu.memory_space<vmem>>) target_semaphore(%run_scoped3A : memref<!tpu.dma_semaphore, #tpu.memory_space<semaphore_mem>>)
      %dma_wait3A = arith.constant 0 : i32
      %dma_wait3A_17 = tpu.memref_slice %arg2[%add3A, %dma_wait3A] : memref<32x2048xi32, #tpu.memory_space<hbm>> -> memref<1x2048xi32, #tpu.memory_space<hbm>>
      %dma_wait3A_18 = tpu.memref_squeeze %dma_wait3A_17 : memref<1x2048xi32, #tpu.memory_space<hbm>> -> memref<2048xi32, #tpu.memory_space<hbm>>
      %dma_wait3A_19 = arith.constant 0 : i32
      %dma_wait3A_20 = tpu.memref_slice %arg2[%add3A, %dma_wait3A_19] : memref<32x2048xi32, #tpu.memory_space<hbm>> -> memref<1x2048xi32, #tpu.memory_space<hbm>>
      %dma_wait3A_21 = tpu.memref_squeeze %dma_wait3A_20 : memref<1x2048xi32, #tpu.memory_space<hbm>> -> memref<2048xi32, #tpu.memory_space<hbm>>
      tpu.wait_dma2 semaphore(%run_scoped3A : memref<!tpu.dma_semaphore, #tpu.memory_space<semaphore_mem>>) src(%dma_wait3A_21 : memref<2048xi32, #tpu.memory_space<hbm>>) dst(%arg4 : memref<2048xi32, #tpu.memory_space<vmem>>)
      tpu.yield
    }) : () -> ()
    %scan3A = arith.constant 0 : i32
    %scan3A_1 = arith.constant 0 : i32
    %scan3A_2 = arith.constant 1024 : i32
    %scan3A_3 = arith.addi %scan3A_1, %scan3A_2 : i32
    %scan3A_4 = arith.constant 1 : i32
    scf.for %scan3A_12 = %scan3A_1 to %scan3A_3 step %scan3A_4  : i32 {
      %broadcast_in_dim3A = arith.constant 0.000000e+00 : f32
      %broadcast_in_dim3A_13 = vector.broadcast %broadcast_in_dim3A : f32 to vector<16xf32>
      %mul3A_14 = arith.constant 16 : i32
      %mul3A_15 = arith.muli %scan3A_12, %mul3A_14 : i32
      %swap3A = arith.index_cast %mul3A_15 : i32 to index
      %swap3A_16 = tpu.vector_load %arg5[%swap3A] {strides = array<i32>} : memref<16384xf32, #tpu.memory_space<vmem>>, vector<16xf32>,
      %swap3A_17 = vector.shape_cast %swap3A_16 : vector<16xf32> to vector<16xf32>
      %swap3A_18 = vector.shape_cast %broadcast_in_dim3A_13 : vector<16xf32> to vector<16xf32>
      tpu.vector_store %arg5[%swap3A], %swap3A_18 {strides = array<i32>} : memref<16384xf32, #tpu.memory_space<vmem>>, vector<16xf32>,
    }
    %scan3A_5 = arith.constant 1024 : i32
    %scan3A_6 = arith.constant 0 : i32
    %scan3A_7 = arith.constant 0 : i32
    %scan3A_8 = arith.constant 128 : i32
    %scan3A_9 = arith.addi %scan3A_7, %scan3A_8 : i32
    %scan3A_10 = arith.constant 1 : i32
    scf.for %scan3A_12 = %scan3A_7 to %scan3A_9 step %scan3A_10  : i32 {
      %mul3A_13 = arith.constant 16 : i32
      %mul3A_14 = arith.muli %scan3A_12, %mul3A_13 : i32
      %get3A = arith.index_cast %mul3A_14 : i32 to index
      %get3A_15 = tpu.vector_load %arg4[%get3A] {strides = array<i32>} : memref<2048xi32, #tpu.memory_space<vmem>>, vector<16xi32>,
      %get3A_16 = vector.shape_cast %get3A_15 : vector<16xi32> to vector<16xi32>
      %slice3A = vector.extract_strided_slice %get3A_16 {offsets = [0], sizes = [1], strides = [1]} : vector<16xi32> to vector<1xi32>
      %squeeze3A = vector.extract %slice3A[0] : i32 from vector<1xi32>
      %mul3A_17 = arith.constant 16 : i32
      %mul3A_18 = arith.muli %squeeze3A, %mul3A_17 : i32
      %get3A_19 = arith.index_cast %mul3A_18 : i32 to index
      %get3A_20 = tpu.vector_load %arg5[%get3A_19] {strides = array<i32>} : memref<16384xf32, #tpu.memory_space<vmem>>, vector<16xf32>,
      %get3A_21 = vector.shape_cast %get3A_20 : vector<16xf32> to vector<16xf32>
      %add3A_22 = arith.constant 1.000000e+00 : f32
      %add3A_23 = vector.broadcast %add3A_22 : f32 to vector<16xf32>
      %add3A_24 = arith.addf %get3A_21, %add3A_23 : vector<16xf32>
      %mul3A_25 = arith.constant 16 : i32
      %mul3A_26 = arith.muli %squeeze3A, %mul3A_25 : i32
      %swap3A = arith.index_cast %mul3A_26 : i32 to index
      %swap3A_27 = tpu.vector_load %arg5[%swap3A] {strides = array<i32>} : memref<16384xf32, #tpu.memory_space<vmem>>, vector<16xf32>,
      %swap3A_28 = vector.shape_cast %swap3A_27 : vector<16xf32> to vector<16xf32>
      %swap3A_29 = vector.shape_cast %add3A_24 : vector<16xf32> to vector<16xf32>
      tpu.vector_store %arg5[%swap3A], %swap3A_29 {strides = array<i32>} : memref<16384xf32, #tpu.memory_space<vmem>>, vector<16xf32>,
      %slice3A_30 = vector.extract_strided_slice %get3A_16 {offsets = [1], sizes = [1], strides = [1]} : vector<16xi32> to vector<1xi32>
      %squeeze3A_31 = vector.extract %slice3A_30[0] : i32 from vector<1xi32>
      %mul3A_32 = arith.constant 16 : i32
      %mul3A_33 = arith.muli %squeeze3A_31, %mul3A_32 : i32
      %get3A_34 = arith.index_cast %mul3A_33 : i32 to index
      %get3A_35 = tpu.vector_load %arg5[%get3A_34] {strides = array<i32>} : memref<16384xf32, #tpu.memory_space<vmem>>, vector<16xf32>,
      %get3A_36 = vector.shape_cast %get3A_35 : vector<16xf32> to vector<16xf32>
      %add3A_37 = arith.constant 1.000000e+00 : f32
      %add3A_38 = vector.broadcast %add3A_37 : f32 to vector<16xf32>
      %add3A_39 = arith.addf %get3A_36, %add3A_38 : vector<16xf32>
      %mul3A_40 = arith.constant 16 : i32
      %mul3A_41 = arith.muli %squeeze3A_31, %mul3A_40 : i32
      %swap3A_42 = arith.index_cast %mul3A_41 : i32 to index
      %swap3A_43 = tpu.vector_load %arg5[%swap3A_42] {strides = array<i32>} : memref<16384xf32, #tpu.memory_space<vmem>>, vector<16xf32>,
      %swap3A_44 = vector.shape_cast %swap3A_43 : vector<16xf32> to vector<16xf32>
      %swap3A_45 = vector.shape_cast %add3A_39 : vector<16xf32> to vector<16xf32>
      tpu.vector_store %arg5[%swap3A_42], %swap3A_45 {strides = array<i32>} : memref<16384xf32, #tpu.memory_space<vmem>>, vector<16xf32>,
      %slice3A_46 = vector.extract_strided_slice %get3A_16 {offsets = [2], sizes = [1], strides = [1]} : vector<16xi32> to vector<1xi32>
      %squeeze3A_47 = vector.extract %slice3A_46[0] : i32 from vector<1xi32>
      %mul3A_48 = arith.constant 16 : i32
      %mul3A_49 = arith.muli %squeeze3A_47, %mul3A_48 : i32
      %get3A_50 = arith.index_cast %mul3A_49 : i32 to index
      %get3A_51 = tpu.vector_load %arg5[%get3A_50] {strides = array<i32>} : memref<16384xf32, #tpu.memory_space<vmem>>, vector<16xf32>,
      %get3A_52 = vector.shape_cast %get3A_51 : vector<16xf32> to vector<16xf32>
      %add3A_53 = arith.constant 1.000000e+00 : f32
      %add3A_54 = vector.broadcast %add3A_53 : f32 to vector<16xf32>
      %add3A_55 = arith.addf %get3A_52, %add3A_54 : vector<16xf32>
      %mul3A_56 = arith.constant 16 : i32
      %mul3A_57 = arith.muli %squeeze3A_47, %mul3A_56 : i32
      %swap3A_58 = arith.index_cast %mul3A_57 : i32 to index
      %swap3A_59 = tpu.vector_load %arg5[%swap3A_58] {strides = array<i32>} : memref<16384xf32, #tpu.memory_space<vmem>>, vector<16xf32>,
      %swap3A_60 = vector.shape_cast %swap3A_59 : vector<16xf32> to vector<16xf32>
      %swap3A_61 = vector.shape_cast %add3A_55 : vector<16xf32> to vector<16xf32>
      tpu.vector_store %arg5[%swap3A_58], %swap3A_61 {strides = array<i32>} : memref<16384xf32, #tpu.memory_space<vmem>>, vector<16xf32>,
      %slice3A_62 = vector.extract_strided_slice %get3A_16 {offsets = [3], sizes = [1], strides = [1]} : vector<16xi32> to vector<1xi32>
      %squeeze3A_63 = vector.extract %slice3A_62[0] : i32 from vector<1xi32>
      %mul3A_64 = arith.constant 16 : i32
      %mul3A_65 = arith.muli %squeeze3A_63, %mul3A_64 : i32
      %get3A_66 = arith.index_cast %mul3A_65 : i32 to index
      %get3A_67 = tpu.vector_load %arg5[%get3A_66] {strides = array<i32>} : memref<16384xf32, #tpu.memory_space<vmem>>, vector<16xf32>,
      %get3A_68 = vector.shape_cast %get3A_67 : vector<16xf32> to vector<16xf32>
      %add3A_69 = arith.constant 1.000000e+00 : f32
      %add3A_70 = vector.broadcast %add3A_69 : f32 to vector<16xf32>
      %add3A_71 = arith.addf %get3A_68, %add3A_70 : vector<16xf32>
      %mul3A_72 = arith.constant 16 : i32
      %mul3A_73 = arith.muli %squeeze3A_63, %mul3A_72 : i32
      %swap3A_74 = arith.index_cast %mul3A_73 : i32 to index
      %swap3A_75 = tpu.vector_load %arg5[%swap3A_74] {strides = array<i32>} : memref<16384xf32, #tpu.memory_space<vmem>>, vector<16xf32>,
      %swap3A_76 = vector.shape_cast %swap3A_75 : vector<16xf32> to vector<16xf32>
      %swap3A_77 = vector.shape_cast %add3A_71 : vector<16xf32> to vector<16xf32>
      tpu.vector_store %arg5[%swap3A_74], %swap3A_77 {strides = array<i32>} : memref<16384xf32, #tpu.memory_space<vmem>>, vector<16xf32>,
      %slice3A_78 = vector.extract_strided_slice %get3A_16 {offsets = [4], sizes = [1], strides = [1]} : vector<16xi32> to vector<1xi32>
      %squeeze3A_79 = vector.extract %slice3A_78[0] : i32 from vector<1xi32>
      %mul3A_80 = arith.constant 16 : i32
      %mul3A_81 = arith.muli %squeeze3A_79, %mul3A_80 : i32
      %get3A_82 = arith.index_cast %mul3A_81 : i32 to index
      %get3A_83 = tpu.vector_load %arg5[%get3A_82] {strides = array<i32>} : memref<16384xf32, #tpu.memory_space<vmem>>, vector<16xf32>,
      %get3A_84 = vector.shape_cast %get3A_83 : vector<16xf32> to vector<16xf32>
      %add3A_85 = arith.constant 1.000000e+00 : f32
      %add3A_86 = vector.broadcast %add3A_85 : f32 to vector<16xf32>
      %add3A_87 = arith.addf %get3A_84, %add3A_86 : vector<16xf32>
      %mul3A_88 = arith.constant 16 : i32
      %mul3A_89 = arith.muli %squeeze3A_79, %mul3A_88 : i32
      %swap3A_90 = arith.index_cast %mul3A_89 : i32 to index
      %swap3A_91 = tpu.vector_load %arg5[%swap3A_90] {strides = array<i32>} : memref<16384xf32, #tpu.memory_space<vmem>>, vector<16xf32>,
      %swap3A_92 = vector.shape_cast %swap3A_91 : vector<16xf32> to vector<16xf32>
      %swap3A_93 = vector.shape_cast %add3A_87 : vector<16xf32> to vector<16xf32>
      tpu.vector_store %arg5[%swap3A_90], %swap3A_93 {strides = array<i32>} : memref<16384xf32, #tpu.memory_space<vmem>>, vector<16xf32>,
      %slice3A_94 = vector.extract_strided_slice %get3A_16 {offsets = [5], sizes = [1], strides = [1]} : vector<16xi32> to vector<1xi32>
      %squeeze3A_95 = vector.extract %slice3A_94[0] : i32 from vector<1xi32>
      %mul3A_96 = arith.constant 16 : i32
      %mul3A_97 = arith.muli %squeeze3A_95, %mul3A_96 : i32
      %get3A_98 = arith.index_cast %mul3A_97 : i32 to index
      %get3A_99 = tpu.vector_load %arg5[%get3A_98] {strides = array<i32>} : memref<16384xf32, #tpu.memory_space<vmem>>, vector<16xf32>,
      %get3A_100 = vector.shape_cast %get3A_99 : vector<16xf32> to vector<16xf32>
      %add3A_101 = arith.constant 1.000000e+00 : f32
      %add3A_102 = vector.broadcast %add3A_101 : f32 to vector<16xf32>
      %add3A_103 = arith.addf %get3A_100, %add3A_102 : vector<16xf32>
      %mul3A_104 = arith.constant 16 : i32
      %mul3A_105 = arith.muli %squeeze3A_95, %mul3A_104 : i32
      %swap3A_106 = arith.index_cast %mul3A_105 : i32 to index
      %swap3A_107 = tpu.vector_load %arg5[%swap3A_106] {strides = array<i32>} : memref<16384xf32, #tpu.memory_space<vmem>>, vector<16xf32>,
      %swap3A_108 = vector.shape_cast %swap3A_107 : vector<16xf32> to vector<16xf32>
      %swap3A_109 = vector.shape_cast %add3A_103 : vector<16xf32> to vector<16xf32>
      tpu.vector_store %arg5[%swap3A_106], %swap3A_109 {strides = array<i32>} : memref<16384xf32, #tpu.memory_space<vmem>>, vector<16xf32>,
      %slice3A_110 = vector.extract_strided_slice %get3A_16 {offsets = [6], sizes = [1], strides = [1]} : vector<16xi32> to vector<1xi32>
      %squeeze3A_111 = vector.extract %slice3A_110[0] : i32 from vector<1xi32>
      %mul3A_112 = arith.constant 16 : i32
      %mul3A_113 = arith.muli %squeeze3A_111, %mul3A_112 : i32
      %get3A_114 = arith.index_cast %mul3A_113 : i32 to index
      %get3A_115 = tpu.vector_load %arg5[%get3A_114] {strides = array<i32>} : memref<16384xf32, #tpu.memory_space<vmem>>, vector<16xf32>,
      %get3A_116 = vector.shape_cast %get3A_115 : vector<16xf32> to vector<16xf32>
      %add3A_117 = arith.constant 1.000000e+00 : f32
      %add3A_118 = vector.broadcast %add3A_117 : f32 to vector<16xf32>
      %add3A_119 = arith.addf %get3A_116, %add3A_118 : vector<16xf32>
      %mul3A_120 = arith.constant 16 : i32
      %mul3A_121 = arith.muli %squeeze3A_111, %mul3A_120 : i32
      %swap3A_122 = arith.index_cast %mul3A_121 : i32 to index
      %swap3A_123 = tpu.vector_load %arg5[%swap3A_122] {strides = array<i32>} : memref<16384xf32, #tpu.memory_space<vmem>>, vector<16xf32>,
      %swap3A_124 = vector.shape_cast %swap3A_123 : vector<16xf32> to vector<16xf32>
      %swap3A_125 = vector.shape_cast %add3A_119 : vector<16xf32> to vector<16xf32>
      tpu.vector_store %arg5[%swap3A_122], %swap3A_125 {strides = array<i32>} : memref<16384xf32, #tpu.memory_space<vmem>>, vector<16xf32>,
      %slice3A_126 = vector.extract_strided_slice %get3A_16 {offsets = [7], sizes = [1], strides = [1]} : vector<16xi32> to vector<1xi32>
      %squeeze3A_127 = vector.extract %slice3A_126[0] : i32 from vector<1xi32>
      %mul3A_128 = arith.constant 16 : i32
      %mul3A_129 = arith.muli %squeeze3A_127, %mul3A_128 : i32
      %get3A_130 = arith.index_cast %mul3A_129 : i32 to index
      %get3A_131 = tpu.vector_load %arg5[%get3A_130] {strides = array<i32>} : memref<16384xf32, #tpu.memory_space<vmem>>, vector<16xf32>,
      %get3A_132 = vector.shape_cast %get3A_131 : vector<16xf32> to vector<16xf32>
      %add3A_133 = arith.constant 1.000000e+00 : f32
      %add3A_134 = vector.broadcast %add3A_133 : f32 to vector<16xf32>
      %add3A_135 = arith.addf %get3A_132, %add3A_134 : vector<16xf32>
      %mul3A_136 = arith.constant 16 : i32
      %mul3A_137 = arith.muli %squeeze3A_127, %mul3A_136 : i32
      %swap3A_138 = arith.index_cast %mul3A_137 : i32 to index
      %swap3A_139 = tpu.vector_load %arg5[%swap3A_138] {strides = array<i32>} : memref<16384xf32, #tpu.memory_space<vmem>>, vector<16xf32>,
      %swap3A_140 = vector.shape_cast %swap3A_139 : vector<16xf32> to vector<16xf32>
      %swap3A_141 = vector.shape_cast %add3A_135 : vector<16xf32> to vector<16xf32>
      tpu.vector_store %arg5[%swap3A_138], %swap3A_141 {strides = array<i32>} : memref<16384xf32, #tpu.memory_space<vmem>>, vector<16xf32>,
      %slice3A_142 = vector.extract_strided_slice %get3A_16 {offsets = [8], sizes = [1], strides = [1]} : vector<16xi32> to vector<1xi32>
      %squeeze3A_143 = vector.extract %slice3A_142[0] : i32 from vector<1xi32>
      %mul3A_144 = arith.constant 16 : i32
      %mul3A_145 = arith.muli %squeeze3A_143, %mul3A_144 : i32
      %get3A_146 = arith.index_cast %mul3A_145 : i32 to index
      %get3A_147 = tpu.vector_load %arg5[%get3A_146] {strides = array<i32>} : memref<16384xf32, #tpu.memory_space<vmem>>, vector<16xf32>,
      %get3A_148 = vector.shape_cast %get3A_147 : vector<16xf32> to vector<16xf32>
      %add3A_149 = arith.constant 1.000000e+00 : f32
      %add3A_150 = vector.broadcast %add3A_149 : f32 to vector<16xf32>
      %add3A_151 = arith.addf %get3A_148, %add3A_150 : vector<16xf32>
      %mul3A_152 = arith.constant 16 : i32
      %mul3A_153 = arith.muli %squeeze3A_143, %mul3A_152 : i32
      %swap3A_154 = arith.index_cast %mul3A_153 : i32 to index
      %swap3A_155 = tpu.vector_load %arg5[%swap3A_154] {strides = array<i32>} : memref<16384xf32, #tpu.memory_space<vmem>>, vector<16xf32>,
      %swap3A_156 = vector.shape_cast %swap3A_155 : vector<16xf32> to vector<16xf32>
      %swap3A_157 = vector.shape_cast %add3A_151 : vector<16xf32> to vector<16xf32>
      tpu.vector_store %arg5[%swap3A_154], %swap3A_157 {strides = array<i32>} : memref<16384xf32, #tpu.memory_space<vmem>>, vector<16xf32>,
      %slice3A_158 = vector.extract_strided_slice %get3A_16 {offsets = [9], sizes = [1], strides = [1]} : vector<16xi32> to vector<1xi32>
      %squeeze3A_159 = vector.extract %slice3A_158[0] : i32 from vector<1xi32>
      %mul3A_160 = arith.constant 16 : i32
      %mul3A_161 = arith.muli %squeeze3A_159, %mul3A_160 : i32
      %get3A_162 = arith.index_cast %mul3A_161 : i32 to index
      %get3A_163 = tpu.vector_load %arg5[%get3A_162] {strides = array<i32>} : memref<16384xf32, #tpu.memory_space<vmem>>, vector<16xf32>,
      %get3A_164 = vector.shape_cast %get3A_163 : vector<16xf32> to vector<16xf32>
      %add3A_165 = arith.constant 1.000000e+00 : f32
      %add3A_166 = vector.broadcast %add3A_165 : f32 to vector<16xf32>
      %add3A_167 = arith.addf %get3A_164, %add3A_166 : vector<16xf32>
      %mul3A_168 = arith.constant 16 : i32
      %mul3A_169 = arith.muli %squeeze3A_159, %mul3A_168 : i32
      %swap3A_170 = arith.index_cast %mul3A_169 : i32 to index
      %swap3A_171 = tpu.vector_load %arg5[%swap3A_170] {strides = array<i32>} : memref<16384xf32, #tpu.memory_space<vmem>>, vector<16xf32>,
      %swap3A_172 = vector.shape_cast %swap3A_171 : vector<16xf32> to vector<16xf32>
      %swap3A_173 = vector.shape_cast %add3A_167 : vector<16xf32> to vector<16xf32>
      tpu.vector_store %arg5[%swap3A_170], %swap3A_173 {strides = array<i32>} : memref<16384xf32, #tpu.memory_space<vmem>>, vector<16xf32>,
      %slice3A_174 = vector.extract_strided_slice %get3A_16 {offsets = [10], sizes = [1], strides = [1]} : vector<16xi32> to vector<1xi32>
      %squeeze3A_175 = vector.extract %slice3A_174[0] : i32 from vector<1xi32>
      %mul3A_176 = arith.constant 16 : i32
      %mul3A_177 = arith.muli %squeeze3A_175, %mul3A_176 : i32
      %get3A_178 = arith.index_cast %mul3A_177 : i32 to index
      %get3A_179 = tpu.vector_load %arg5[%get3A_178] {strides = array<i32>} : memref<16384xf32, #tpu.memory_space<vmem>>, vector<16xf32>,
      %get3A_180 = vector.shape_cast %get3A_179 : vector<16xf32> to vector<16xf32>
      %add3A_181 = arith.constant 1.000000e+00 : f32
      %add3A_182 = vector.broadcast %add3A_181 : f32 to vector<16xf32>
      %add3A_183 = arith.addf %get3A_180, %add3A_182 : vector<16xf32>
      %mul3A_184 = arith.constant 16 : i32
      %mul3A_185 = arith.muli %squeeze3A_175, %mul3A_184 : i32
      %swap3A_186 = arith.index_cast %mul3A_185 : i32 to index
      %swap3A_187 = tpu.vector_load %arg5[%swap3A_186] {strides = array<i32>} : memref<16384xf32, #tpu.memory_space<vmem>>, vector<16xf32>,
      %swap3A_188 = vector.shape_cast %swap3A_187 : vector<16xf32> to vector<16xf32>
      %swap3A_189 = vector.shape_cast %add3A_183 : vector<16xf32> to vector<16xf32>
      tpu.vector_store %arg5[%swap3A_186], %swap3A_189 {strides = array<i32>} : memref<16384xf32, #tpu.memory_space<vmem>>, vector<16xf32>,
      %slice3A_190 = vector.extract_strided_slice %get3A_16 {offsets = [11], sizes = [1], strides = [1]} : vector<16xi32> to vector<1xi32>
      %squeeze3A_191 = vector.extract %slice3A_190[0] : i32 from vector<1xi32>
      %mul3A_192 = arith.constant 16 : i32
      %mul3A_193 = arith.muli %squeeze3A_191, %mul3A_192 : i32
      %get3A_194 = arith.index_cast %mul3A_193 : i32 to index
      %get3A_195 = tpu.vector_load %arg5[%get3A_194] {strides = array<i32>} : memref<16384xf32, #tpu.memory_space<vmem>>, vector<16xf32>,
      %get3A_196 = vector.shape_cast %get3A_195 : vector<16xf32> to vector<16xf32>
      %add3A_197 = arith.constant 1.000000e+00 : f32
      %add3A_198 = vector.broadcast %add3A_197 : f32 to vector<16xf32>
      %add3A_199 = arith.addf %get3A_196, %add3A_198 : vector<16xf32>
      %mul3A_200 = arith.constant 16 : i32
      %mul3A_201 = arith.muli %squeeze3A_191, %mul3A_200 : i32
      %swap3A_202 = arith.index_cast %mul3A_201 : i32 to index
      %swap3A_203 = tpu.vector_load %arg5[%swap3A_202] {strides = array<i32>} : memref<16384xf32, #tpu.memory_space<vmem>>, vector<16xf32>,
      %swap3A_204 = vector.shape_cast %swap3A_203 : vector<16xf32> to vector<16xf32>
      %swap3A_205 = vector.shape_cast %add3A_199 : vector<16xf32> to vector<16xf32>
      tpu.vector_store %arg5[%swap3A_202], %swap3A_205 {strides = array<i32>} : memref<16384xf32, #tpu.memory_space<vmem>>, vector<16xf32>,
      %slice3A_206 = vector.extract_strided_slice %get3A_16 {offsets = [12], sizes = [1], strides = [1]} : vector<16xi32> to vector<1xi32>
      %squeeze3A_207 = vector.extract %slice3A_206[0] : i32 from vector<1xi32>
      %mul3A_208 = arith.constant 16 : i32
      %mul3A_209 = arith.muli %squeeze3A_207, %mul3A_208 : i32
      %get3A_210 = arith.index_cast %mul3A_209 : i32 to index
      %get3A_211 = tpu.vector_load %arg5[%get3A_210] {strides = array<i32>} : memref<16384xf32, #tpu.memory_space<vmem>>, vector<16xf32>,
      %get3A_212 = vector.shape_cast %get3A_211 : vector<16xf32> to vector<16xf32>
      %add3A_213 = arith.constant 1.000000e+00 : f32
      %add3A_214 = vector.broadcast %add3A_213 : f32 to vector<16xf32>
      %add3A_215 = arith.addf %get3A_212, %add3A_214 : vector<16xf32>
      %mul3A_216 = arith.constant 16 : i32
      %mul3A_217 = arith.muli %squeeze3A_207, %mul3A_216 : i32
      %swap3A_218 = arith.index_cast %mul3A_217 : i32 to index
      %swap3A_219 = tpu.vector_load %arg5[%swap3A_218] {strides = array<i32>} : memref<16384xf32, #tpu.memory_space<vmem>>, vector<16xf32>,
      %swap3A_220 = vector.shape_cast %swap3A_219 : vector<16xf32> to vector<16xf32>
      %swap3A_221 = vector.shape_cast %add3A_215 : vector<16xf32> to vector<16xf32>
      tpu.vector_store %arg5[%swap3A_218], %swap3A_221 {strides = array<i32>} : memref<16384xf32, #tpu.memory_space<vmem>>, vector<16xf32>,
      %slice3A_222 = vector.extract_strided_slice %get3A_16 {offsets = [13], sizes = [1], strides = [1]} : vector<16xi32> to vector<1xi32>
      %squeeze3A_223 = vector.extract %slice3A_222[0] : i32 from vector<1xi32>
      %mul3A_224 = arith.constant 16 : i32
      %mul3A_225 = arith.muli %squeeze3A_223, %mul3A_224 : i32
      %get3A_226 = arith.index_cast %mul3A_225 : i32 to index
      %get3A_227 = tpu.vector_load %arg5[%get3A_226] {strides = array<i32>} : memref<16384xf32, #tpu.memory_space<vmem>>, vector<16xf32>,
      %get3A_228 = vector.shape_cast %get3A_227 : vector<16xf32> to vector<16xf32>
      %add3A_229 = arith.constant 1.000000e+00 : f32
      %add3A_230 = vector.broadcast %add3A_229 : f32 to vector<16xf32>
      %add3A_231 = arith.addf %get3A_228, %add3A_230 : vector<16xf32>
      %mul3A_232 = arith.constant 16 : i32
      %mul3A_233 = arith.muli %squeeze3A_223, %mul3A_232 : i32
      %swap3A_234 = arith.index_cast %mul3A_233 : i32 to index
      %swap3A_235 = tpu.vector_load %arg5[%swap3A_234] {strides = array<i32>} : memref<16384xf32, #tpu.memory_space<vmem>>, vector<16xf32>,
      %swap3A_236 = vector.shape_cast %swap3A_235 : vector<16xf32> to vector<16xf32>
      %swap3A_237 = vector.shape_cast %add3A_231 : vector<16xf32> to vector<16xf32>
      tpu.vector_store %arg5[%swap3A_234], %swap3A_237 {strides = array<i32>} : memref<16384xf32, #tpu.memory_space<vmem>>, vector<16xf32>,
      %slice3A_238 = vector.extract_strided_slice %get3A_16 {offsets = [14], sizes = [1], strides = [1]} : vector<16xi32> to vector<1xi32>
      %squeeze3A_239 = vector.extract %slice3A_238[0] : i32 from vector<1xi32>
      %mul3A_240 = arith.constant 16 : i32
      %mul3A_241 = arith.muli %squeeze3A_239, %mul3A_240 : i32
      %get3A_242 = arith.index_cast %mul3A_241 : i32 to index
      %get3A_243 = tpu.vector_load %arg5[%get3A_242] {strides = array<i32>} : memref<16384xf32, #tpu.memory_space<vmem>>, vector<16xf32>,
      %get3A_244 = vector.shape_cast %get3A_243 : vector<16xf32> to vector<16xf32>
      %add3A_245 = arith.constant 1.000000e+00 : f32
      %add3A_246 = vector.broadcast %add3A_245 : f32 to vector<16xf32>
      %add3A_247 = arith.addf %get3A_244, %add3A_246 : vector<16xf32>
      %mul3A_248 = arith.constant 16 : i32
      %mul3A_249 = arith.muli %squeeze3A_239, %mul3A_248 : i32
      %swap3A_250 = arith.index_cast %mul3A_249 : i32 to index
      %swap3A_251 = tpu.vector_load %arg5[%swap3A_250] {strides = array<i32>} : memref<16384xf32, #tpu.memory_space<vmem>>, vector<16xf32>,
      %swap3A_252 = vector.shape_cast %swap3A_251 : vector<16xf32> to vector<16xf32>
      %swap3A_253 = vector.shape_cast %add3A_247 : vector<16xf32> to vector<16xf32>
      tpu.vector_store %arg5[%swap3A_250], %swap3A_253 {strides = array<i32>} : memref<16384xf32, #tpu.memory_space<vmem>>, vector<16xf32>,
      %slice3A_254 = vector.extract_strided_slice %get3A_16 {offsets = [15], sizes = [1], strides = [1]} : vector<16xi32> to vector<1xi32>
      %squeeze3A_255 = vector.extract %slice3A_254[0] : i32 from vector<1xi32>
      %mul3A_256 = arith.constant 16 : i32
      %mul3A_257 = arith.muli %squeeze3A_255, %mul3A_256 : i32
      %get3A_258 = arith.index_cast %mul3A_257 : i32 to index
      %get3A_259 = tpu.vector_load %arg5[%get3A_258] {strides = array<i32>} : memref<16384xf32, #tpu.memory_space<vmem>>, vector<16xf32>,
      %get3A_260 = vector.shape_cast %get3A_259 : vector<16xf32> to vector<16xf32>
      %add3A_261 = arith.constant 1.000000e+00 : f32
      %add3A_262 = vector.broadcast %add3A_261 : f32 to vector<16xf32>
      %add3A_263 = arith.addf %get3A_260, %add3A_262 : vector<16xf32>
      %mul3A_264 = arith.constant 16 : i32
      %mul3A_265 = arith.muli %squeeze3A_255, %mul3A_264 : i32
      %swap3A_266 = arith.index_cast %mul3A_265 : i32 to index
      %swap3A_267 = tpu.vector_load %arg5[%swap3A_266] {strides = array<i32>} : memref<16384xf32, #tpu.memory_space<vmem>>, vector<16xf32>,
      %swap3A_268 = vector.shape_cast %swap3A_267 : vector<16xf32> to vector<16xf32>
      %swap3A_269 = vector.shape_cast %add3A_263 : vector<16xf32> to vector<16xf32>
      tpu.vector_store %arg5[%swap3A_266], %swap3A_269 {strides = array<i32>} : memref<16384xf32, #tpu.memory_space<vmem>>, vector<16xf32>,
    }
    %scan3A_11 = arith.constant 128 : i32
    "tpu.region"() ({
      %run_scoped3A = tpu.sem_alloc : memref<!tpu.dma_semaphore, #tpu.memory_space<semaphore_mem>>
      %dma_start3A = arith.constant 0 : i32
      %dma_start3A_12 = tpu.memref_slice %arg3[%add3A, %dma_start3A] : memref<32x16384xf32, #tpu.memory_space<hbm>> -> memref<1x16384xf32, #tpu.memory_space<hbm>>
      %dma_start3A_13 = tpu.memref_squeeze %dma_start3A_12 : memref<1x16384xf32, #tpu.memory_space<hbm>> -> memref<16384xf32, #tpu.memory_space<hbm>>
      %dma_start3A_14 = arith.constant 0 : i32
      %dma_start3A_15 = tpu.memref_slice %arg3[%add3A, %dma_start3A_14] : memref<32x16384xf32, #tpu.memory_space<hbm>> -> memref<1x16384xf32, #tpu.memory_space<hbm>>
      %dma_start3A_16 = tpu.memref_squeeze %dma_start3A_15 : memref<1x16384xf32, #tpu.memory_space<hbm>> -> memref<16384xf32, #tpu.memory_space<hbm>>
      tpu.enqueue_dma source(%arg5 : memref<16384xf32, #tpu.memory_space<vmem>>) target(%dma_start3A_16 : memref<16384xf32, #tpu.memory_space<hbm>>) target_semaphore(%run_scoped3A : memref<!tpu.dma_semaphore, #tpu.memory_space<semaphore_mem>>)
      %dma_wait3A = arith.constant 0 : i32
      %dma_wait3A_17 = tpu.memref_slice %arg3[%add3A, %dma_wait3A] : memref<32x16384xf32, #tpu.memory_space<hbm>> -> memref<1x16384xf32, #tpu.memory_space<hbm>>
      %dma_wait3A_18 = tpu.memref_squeeze %dma_wait3A_17 : memref<1x16384xf32, #tpu.memory_space<hbm>> -> memref<16384xf32, #tpu.memory_space<hbm>>
      %dma_wait3A_19 = arith.constant 0 : i32
      %dma_wait3A_20 = tpu.memref_slice %arg3[%add3A, %dma_wait3A_19] : memref<32x16384xf32, #tpu.memory_space<hbm>> -> memref<1x16384xf32, #tpu.memory_space<hbm>>
      %dma_wait3A_21 = tpu.memref_squeeze %dma_wait3A_20 : memref<1x16384xf32, #tpu.memory_space<hbm>> -> memref<16384xf32, #tpu.memory_space<hbm>>
      tpu.wait_dma2 semaphore(%run_scoped3A : memref<!tpu.dma_semaphore, #tpu.memory_space<semaphore_mem>>) src(%arg5 : memref<16384xf32, #tpu.memory_space<vmem>>) dst(%dma_wait3A_21 : memref<16384xf32, #tpu.memory_space<hbm>>)
      tpu.yield
    }) : () -> ()
    return
  }
}

#map = affine_map<(d0, d1) -> (0, 0)>
#map1 = affine_map<(d0, d1) -> (0)>
module attributes {stable_mosaic.version = 14 : i64} {
  func.func @_prop_body(%arg0: i32, %arg1: i32, %arg2: memref<32x2048xi32, #tpu.memory_space<hbm>>, %arg3: memref<32x2048xi32, #tpu.memory_space<hbm>>, %arg4: memref<16384xf32, #tpu.memory_space<hbm>>, %arg5: memref<16384xf32, #tpu.memory_space<hbm>>, %arg6: memref<32x16384xf32, #tpu.memory_space<hbm>>, %arg7: memref<2048xi32, #tpu.memory_space<vmem>>, %arg8: memref<2048xi32, #tpu.memory_space<vmem>>, %arg9: memref<16384xf32, #tpu.memory_space<vmem>>, %arg10: memref<16384xf32, #tpu.memory_space<vmem>>, %arg11: memref<16384xf32, #tpu.memory_space<vmem>>) attributes {dimension_semantics = [#tpu.dimension_semantics<core_parallel>, #tpu.dimension_semantics<subcore_parallel>], iteration_bounds = array<i64: 2, 16>, scalar_prefetch = 0 : i64, scratch_operands = 5 : i64, tpu.core_type = #tpu.core_type<sc_vector_subcore>, window_params = [{transform_indices = #map}, {transform_indices = #map}, {transform_indices = #map1}, {transform_indices = #map1}, {transform_indices = #map}]} {
    %mul3A = arith.constant 2 : i32
    %mul3A_0 = arith.muli %arg1, %mul3A : i32
    %add3A = arith.addi %mul3A_0, %arg0 : i32
    "tpu.region"() ({
      %run_scoped3A = tpu.sem_alloc : memref<!tpu.dma_semaphore, #tpu.memory_space<semaphore_mem>>
      %dma_start3A = arith.constant 0 : i32
      %dma_start3A_20 = tpu.memref_slice %arg2[%add3A, %dma_start3A] : memref<32x2048xi32, #tpu.memory_space<hbm>> -> memref<1x2048xi32, #tpu.memory_space<hbm>>
      %dma_start3A_21 = tpu.memref_squeeze %dma_start3A_20 : memref<1x2048xi32, #tpu.memory_space<hbm>> -> memref<2048xi32, #tpu.memory_space<hbm>>
      %dma_start3A_22 = arith.constant 0 : i32
      %dma_start3A_23 = tpu.memref_slice %arg2[%add3A, %dma_start3A_22] : memref<32x2048xi32, #tpu.memory_space<hbm>> -> memref<1x2048xi32, #tpu.memory_space<hbm>>
      %dma_start3A_24 = tpu.memref_squeeze %dma_start3A_23 : memref<1x2048xi32, #tpu.memory_space<hbm>> -> memref<2048xi32, #tpu.memory_space<hbm>>
      tpu.enqueue_dma source(%dma_start3A_24 : memref<2048xi32, #tpu.memory_space<hbm>>) target(%arg7 : memref<2048xi32, #tpu.memory_space<vmem>>) target_semaphore(%run_scoped3A : memref<!tpu.dma_semaphore, #tpu.memory_space<semaphore_mem>>)
      %dma_wait3A = arith.constant 0 : i32
      %dma_wait3A_25 = tpu.memref_slice %arg2[%add3A, %dma_wait3A] : memref<32x2048xi32, #tpu.memory_space<hbm>> -> memref<1x2048xi32, #tpu.memory_space<hbm>>
      %dma_wait3A_26 = tpu.memref_squeeze %dma_wait3A_25 : memref<1x2048xi32, #tpu.memory_space<hbm>> -> memref<2048xi32, #tpu.memory_space<hbm>>
      %dma_wait3A_27 = arith.constant 0 : i32
      %dma_wait3A_28 = tpu.memref_slice %arg2[%add3A, %dma_wait3A_27] : memref<32x2048xi32, #tpu.memory_space<hbm>> -> memref<1x2048xi32, #tpu.memory_space<hbm>>
      %dma_wait3A_29 = tpu.memref_squeeze %dma_wait3A_28 : memref<1x2048xi32, #tpu.memory_space<hbm>> -> memref<2048xi32, #tpu.memory_space<hbm>>
      tpu.wait_dma2 semaphore(%run_scoped3A : memref<!tpu.dma_semaphore, #tpu.memory_space<semaphore_mem>>) src(%dma_wait3A_29 : memref<2048xi32, #tpu.memory_space<hbm>>) dst(%arg7 : memref<2048xi32, #tpu.memory_space<vmem>>)
      tpu.yield
    }) : () -> ()
    "tpu.region"() ({
      %run_scoped3A = tpu.sem_alloc : memref<!tpu.dma_semaphore, #tpu.memory_space<semaphore_mem>>
      %dma_start3A = arith.constant 0 : i32
      %dma_start3A_20 = tpu.memref_slice %arg3[%add3A, %dma_start3A] : memref<32x2048xi32, #tpu.memory_space<hbm>> -> memref<1x2048xi32, #tpu.memory_space<hbm>>
      %dma_start3A_21 = tpu.memref_squeeze %dma_start3A_20 : memref<1x2048xi32, #tpu.memory_space<hbm>> -> memref<2048xi32, #tpu.memory_space<hbm>>
      %dma_start3A_22 = arith.constant 0 : i32
      %dma_start3A_23 = tpu.memref_slice %arg3[%add3A, %dma_start3A_22] : memref<32x2048xi32, #tpu.memory_space<hbm>> -> memref<1x2048xi32, #tpu.memory_space<hbm>>
      %dma_start3A_24 = tpu.memref_squeeze %dma_start3A_23 : memref<1x2048xi32, #tpu.memory_space<hbm>> -> memref<2048xi32, #tpu.memory_space<hbm>>
      tpu.enqueue_dma source(%dma_start3A_24 : memref<2048xi32, #tpu.memory_space<hbm>>) target(%arg8 : memref<2048xi32, #tpu.memory_space<vmem>>) target_semaphore(%run_scoped3A : memref<!tpu.dma_semaphore, #tpu.memory_space<semaphore_mem>>)
      %dma_wait3A = arith.constant 0 : i32
      %dma_wait3A_25 = tpu.memref_slice %arg3[%add3A, %dma_wait3A] : memref<32x2048xi32, #tpu.memory_space<hbm>> -> memref<1x2048xi32, #tpu.memory_space<hbm>>
      %dma_wait3A_26 = tpu.memref_squeeze %dma_wait3A_25 : memref<1x2048xi32, #tpu.memory_space<hbm>> -> memref<2048xi32, #tpu.memory_space<hbm>>
      %dma_wait3A_27 = arith.constant 0 : i32
      %dma_wait3A_28 = tpu.memref_slice %arg3[%add3A, %dma_wait3A_27] : memref<32x2048xi32, #tpu.memory_space<hbm>> -> memref<1x2048xi32, #tpu.memory_space<hbm>>
      %dma_wait3A_29 = tpu.memref_squeeze %dma_wait3A_28 : memref<1x2048xi32, #tpu.memory_space<hbm>> -> memref<2048xi32, #tpu.memory_space<hbm>>
      tpu.wait_dma2 semaphore(%run_scoped3A : memref<!tpu.dma_semaphore, #tpu.memory_space<semaphore_mem>>) src(%dma_wait3A_29 : memref<2048xi32, #tpu.memory_space<hbm>>) dst(%arg8 : memref<2048xi32, #tpu.memory_space<vmem>>)
      tpu.yield
    }) : () -> ()
    "tpu.region"() ({
      %run_scoped3A = tpu.sem_alloc : memref<!tpu.dma_semaphore, #tpu.memory_space<semaphore_mem>>
      tpu.enqueue_dma source(%arg4 : memref<16384xf32, #tpu.memory_space<hbm>>) target(%arg9 : memref<16384xf32, #tpu.memory_space<vmem>>) target_semaphore(%run_scoped3A : memref<!tpu.dma_semaphore, #tpu.memory_space<semaphore_mem>>)
      tpu.wait_dma2 semaphore(%run_scoped3A : memref<!tpu.dma_semaphore, #tpu.memory_space<semaphore_mem>>) src(%arg4 : memref<16384xf32, #tpu.memory_space<hbm>>) dst(%arg9 : memref<16384xf32, #tpu.memory_space<vmem>>)
      tpu.yield
    }) : () -> ()
    "tpu.region"() ({
      %run_scoped3A = tpu.sem_alloc : memref<!tpu.dma_semaphore, #tpu.memory_space<semaphore_mem>>
      tpu.enqueue_dma source(%arg5 : memref<16384xf32, #tpu.memory_space<hbm>>) target(%arg10 : memref<16384xf32, #tpu.memory_space<vmem>>) target_semaphore(%run_scoped3A : memref<!tpu.dma_semaphore, #tpu.memory_space<semaphore_mem>>)
      tpu.wait_dma2 semaphore(%run_scoped3A : memref<!tpu.dma_semaphore, #tpu.memory_space<semaphore_mem>>) src(%arg5 : memref<16384xf32, #tpu.memory_space<hbm>>) dst(%arg10 : memref<16384xf32, #tpu.memory_space<vmem>>)
      tpu.yield
    }) : () -> ()
    %scan3A = arith.constant 0 : i32
    %scan3A_1 = arith.constant 0 : i32
    %scan3A_2 = arith.constant 1024 : i32
    %scan3A_3 = arith.addi %scan3A_1, %scan3A_2 : i32
    %scan3A_4 = arith.constant 1 : i32
    scf.for %scan3A_20 = %scan3A_1 to %scan3A_3 step %scan3A_4  : i32 {
      %broadcast_in_dim3A = arith.constant 0.000000e+00 : f32
      %broadcast_in_dim3A_21 = vector.broadcast %broadcast_in_dim3A : f32 to vector<16xf32>
      %mul3A_22 = arith.constant 16 : i32
      %mul3A_23 = arith.muli %scan3A_20, %mul3A_22 : i32
      %swap3A = arith.index_cast %mul3A_23 : i32 to index
      %swap3A_24 = tpu.vector_load %arg11[%swap3A] {strides = array<i32>} : memref<16384xf32, #tpu.memory_space<vmem>>, vector<16xf32>,
      %swap3A_25 = vector.shape_cast %swap3A_24 : vector<16xf32> to vector<16xf32>
      %swap3A_26 = vector.shape_cast %broadcast_in_dim3A_21 : vector<16xf32> to vector<16xf32>
      tpu.vector_store %arg11[%swap3A], %swap3A_26 {strides = array<i32>} : memref<16384xf32, #tpu.memory_space<vmem>>, vector<16xf32>,
    }
    %scan3A_5 = arith.constant 1024 : i32
    %scan3A_6 = arith.constant 0 : i32
    %scan3A_7 = arith.constant 0 : i32
    %scan3A_8 = arith.constant 128 : i32
    %scan3A_9 = arith.addi %scan3A_7, %scan3A_8 : i32
    %scan3A_10 = arith.constant 1 : i32
    scf.for %scan3A_20 = %scan3A_7 to %scan3A_9 step %scan3A_10  : i32 {
      %mul3A_21 = arith.constant 16 : i32
      %mul3A_22 = arith.muli %scan3A_20, %mul3A_21 : i32
      %get3A = arith.index_cast %mul3A_22 : i32 to index
      %get3A_23 = tpu.vector_load %arg7[%get3A] {strides = array<i32>} : memref<2048xi32, #tpu.memory_space<vmem>>, vector<16xi32>,
      %get3A_24 = vector.shape_cast %get3A_23 : vector<16xi32> to vector<16xi32>
      %mul3A_25 = arith.constant 16 : i32
      %mul3A_26 = arith.muli %scan3A_20, %mul3A_25 : i32
      %get3A_27 = arith.index_cast %mul3A_26 : i32 to index
      %get3A_28 = tpu.vector_load %arg8[%get3A_27] {strides = array<i32>} : memref<2048xi32, #tpu.memory_space<vmem>>, vector<16xi32>,
      %get3A_29 = vector.shape_cast %get3A_28 : vector<16xi32> to vector<16xi32>
      %slice3A = vector.extract_strided_slice %get3A_24 {offsets = [0], sizes = [1], strides = [1]} : vector<16xi32> to vector<1xi32>
      %squeeze3A = vector.extract %slice3A[0] : i32 from vector<1xi32>
      %slice3A_30 = vector.extract_strided_slice %get3A_29 {offsets = [0], sizes = [1], strides = [1]} : vector<16xi32> to vector<1xi32>
      %squeeze3A_31 = vector.extract %slice3A_30[0] : i32 from vector<1xi32>
      %mul3A_32 = arith.constant 16 : i32
      %mul3A_33 = arith.muli %squeeze3A, %mul3A_32 : i32
      %get3A_34 = arith.index_cast %mul3A_33 : i32 to index
      %get3A_35 = tpu.vector_load %arg10[%get3A_34] {strides = array<i32>} : memref<16384xf32, #tpu.memory_space<vmem>>, vector<16xf32>,
      %get3A_36 = vector.shape_cast %get3A_35 : vector<16xf32> to vector<16xf32>
      %mul3A_37 = arith.constant 16 : i32
      %mul3A_38 = arith.muli %squeeze3A_31, %mul3A_37 : i32
      %get3A_39 = arith.index_cast %mul3A_38 : i32 to index
      %get3A_40 = tpu.vector_load %arg10[%get3A_39] {strides = array<i32>} : memref<16384xf32, #tpu.memory_space<vmem>>, vector<16xf32>,
      %get3A_41 = vector.shape_cast %get3A_40 : vector<16xf32> to vector<16xf32>
      %mul3A_42 = arith.mulf %get3A_36, %get3A_41 : vector<16xf32>
      %mul3A_43 = arith.constant 16 : i32
      %mul3A_44 = arith.muli %squeeze3A_31, %mul3A_43 : i32
      %get3A_45 = arith.index_cast %mul3A_44 : i32 to index
      %get3A_46 = tpu.vector_load %arg11[%get3A_45] {strides = array<i32>} : memref<16384xf32, #tpu.memory_space<vmem>>, vector<16xf32>,
      %get3A_47 = vector.shape_cast %get3A_46 : vector<16xf32> to vector<16xf32>
      %mul3A_48 = arith.constant 16 : i32
      %mul3A_49 = arith.muli %squeeze3A, %mul3A_48 : i32
      %get3A_50 = arith.index_cast %mul3A_49 : i32 to index
      %get3A_51 = tpu.vector_load %arg9[%get3A_50] {strides = array<i32>} : memref<16384xf32, #tpu.memory_space<vmem>>, vector<16xf32>,
      %get3A_52 = vector.shape_cast %get3A_51 : vector<16xf32> to vector<16xf32>
      %mul3A_53 = arith.mulf %get3A_52, %mul3A_42 : vector<16xf32>
      %add3A_54 = arith.addf %get3A_47, %mul3A_53 : vector<16xf32>
      %mul3A_55 = arith.constant 16 : i32
      %mul3A_56 = arith.muli %squeeze3A_31, %mul3A_55 : i32
      %swap3A = arith.index_cast %mul3A_56 : i32 to index
      %swap3A_57 = tpu.vector_load %arg11[%swap3A] {strides = array<i32>} : memref<16384xf32, #tpu.memory_space<vmem>>, vector<16xf32>,
      %swap3A_58 = vector.shape_cast %swap3A_57 : vector<16xf32> to vector<16xf32>
      %swap3A_59 = vector.shape_cast %add3A_54 : vector<16xf32> to vector<16xf32>
      tpu.vector_store %arg11[%swap3A], %swap3A_59 {strides = array<i32>} : memref<16384xf32, #tpu.memory_space<vmem>>, vector<16xf32>,
      %slice3A_60 = vector.extract_strided_slice %get3A_24 {offsets = [1], sizes = [1], strides = [1]} : vector<16xi32> to vector<1xi32>
      %squeeze3A_61 = vector.extract %slice3A_60[0] : i32 from vector<1xi32>
      %slice3A_62 = vector.extract_strided_slice %get3A_29 {offsets = [1], sizes = [1], strides = [1]} : vector<16xi32> to vector<1xi32>
      %squeeze3A_63 = vector.extract %slice3A_62[0] : i32 from vector<1xi32>
      %mul3A_64 = arith.constant 16 : i32
      %mul3A_65 = arith.muli %squeeze3A_61, %mul3A_64 : i32
      %get3A_66 = arith.index_cast %mul3A_65 : i32 to index
      %get3A_67 = tpu.vector_load %arg10[%get3A_66] {strides = array<i32>} : memref<16384xf32, #tpu.memory_space<vmem>>, vector<16xf32>,
      %get3A_68 = vector.shape_cast %get3A_67 : vector<16xf32> to vector<16xf32>
      %mul3A_69 = arith.constant 16 : i32
      %mul3A_70 = arith.muli %squeeze3A_63, %mul3A_69 : i32
      %get3A_71 = arith.index_cast %mul3A_70 : i32 to index
      %get3A_72 = tpu.vector_load %arg10[%get3A_71] {strides = array<i32>} : memref<16384xf32, #tpu.memory_space<vmem>>, vector<16xf32>,
      %get3A_73 = vector.shape_cast %get3A_72 : vector<16xf32> to vector<16xf32>
      %mul3A_74 = arith.mulf %get3A_68, %get3A_73 : vector<16xf32>
      %mul3A_75 = arith.constant 16 : i32
      %mul3A_76 = arith.muli %squeeze3A_63, %mul3A_75 : i32
      %get3A_77 = arith.index_cast %mul3A_76 : i32 to index
      %get3A_78 = tpu.vector_load %arg11[%get3A_77] {strides = array<i32>} : memref<16384xf32, #tpu.memory_space<vmem>>, vector<16xf32>,
      %get3A_79 = vector.shape_cast %get3A_78 : vector<16xf32> to vector<16xf32>
      %mul3A_80 = arith.constant 16 : i32
      %mul3A_81 = arith.muli %squeeze3A_61, %mul3A_80 : i32
      %get3A_82 = arith.index_cast %mul3A_81 : i32 to index
      %get3A_83 = tpu.vector_load %arg9[%get3A_82] {strides = array<i32>} : memref<16384xf32, #tpu.memory_space<vmem>>, vector<16xf32>,
      %get3A_84 = vector.shape_cast %get3A_83 : vector<16xf32> to vector<16xf32>
      %mul3A_85 = arith.mulf %get3A_84, %mul3A_74 : vector<16xf32>
      %add3A_86 = arith.addf %get3A_79, %mul3A_85 : vector<16xf32>
      %mul3A_87 = arith.constant 16 : i32
      %mul3A_88 = arith.muli %squeeze3A_63, %mul3A_87 : i32
      %swap3A_89 = arith.index_cast %mul3A_88 : i32 to index
      %swap3A_90 = tpu.vector_load %arg11[%swap3A_89] {strides = array<i32>} : memref<16384xf32, #tpu.memory_space<vmem>>, vector<16xf32>,
      %swap3A_91 = vector.shape_cast %swap3A_90 : vector<16xf32> to vector<16xf32>
      %swap3A_92 = vector.shape_cast %add3A_86 : vector<16xf32> to vector<16xf32>
      tpu.vector_store %arg11[%swap3A_89], %swap3A_92 {strides = array<i32>} : memref<16384xf32, #tpu.memory_space<vmem>>, vector<16xf32>,
      %slice3A_93 = vector.extract_strided_slice %get3A_24 {offsets = [2], sizes = [1], strides = [1]} : vector<16xi32> to vector<1xi32>
      %squeeze3A_94 = vector.extract %slice3A_93[0] : i32 from vector<1xi32>
      %slice3A_95 = vector.extract_strided_slice %get3A_29 {offsets = [2], sizes = [1], strides = [1]} : vector<16xi32> to vector<1xi32>
      %squeeze3A_96 = vector.extract %slice3A_95[0] : i32 from vector<1xi32>
      %mul3A_97 = arith.constant 16 : i32
      %mul3A_98 = arith.muli %squeeze3A_94, %mul3A_97 : i32
      %get3A_99 = arith.index_cast %mul3A_98 : i32 to index
      %get3A_100 = tpu.vector_load %arg10[%get3A_99] {strides = array<i32>} : memref<16384xf32, #tpu.memory_space<vmem>>, vector<16xf32>,
      %get3A_101 = vector.shape_cast %get3A_100 : vector<16xf32> to vector<16xf32>
      %mul3A_102 = arith.constant 16 : i32
      %mul3A_103 = arith.muli %squeeze3A_96, %mul3A_102 : i32
      %get3A_104 = arith.index_cast %mul3A_103 : i32 to index
      %get3A_105 = tpu.vector_load %arg10[%get3A_104] {strides = array<i32>} : memref<16384xf32, #tpu.memory_space<vmem>>, vector<16xf32>,
      %get3A_106 = vector.shape_cast %get3A_105 : vector<16xf32> to vector<16xf32>
      %mul3A_107 = arith.mulf %get3A_101, %get3A_106 : vector<16xf32>
      %mul3A_108 = arith.constant 16 : i32
      %mul3A_109 = arith.muli %squeeze3A_96, %mul3A_108 : i32
      %get3A_110 = arith.index_cast %mul3A_109 : i32 to index
      %get3A_111 = tpu.vector_load %arg11[%get3A_110] {strides = array<i32>} : memref<16384xf32, #tpu.memory_space<vmem>>, vector<16xf32>,
      %get3A_112 = vector.shape_cast %get3A_111 : vector<16xf32> to vector<16xf32>
      %mul3A_113 = arith.constant 16 : i32
      %mul3A_114 = arith.muli %squeeze3A_94, %mul3A_113 : i32
      %get3A_115 = arith.index_cast %mul3A_114 : i32 to index
      %get3A_116 = tpu.vector_load %arg9[%get3A_115] {strides = array<i32>} : memref<16384xf32, #tpu.memory_space<vmem>>, vector<16xf32>,
      %get3A_117 = vector.shape_cast %get3A_116 : vector<16xf32> to vector<16xf32>
      %mul3A_118 = arith.mulf %get3A_117, %mul3A_107 : vector<16xf32>
      %add3A_119 = arith.addf %get3A_112, %mul3A_118 : vector<16xf32>
      %mul3A_120 = arith.constant 16 : i32
      %mul3A_121 = arith.muli %squeeze3A_96, %mul3A_120 : i32
      %swap3A_122 = arith.index_cast %mul3A_121 : i32 to index
      %swap3A_123 = tpu.vector_load %arg11[%swap3A_122] {strides = array<i32>} : memref<16384xf32, #tpu.memory_space<vmem>>, vector<16xf32>,
      %swap3A_124 = vector.shape_cast %swap3A_123 : vector<16xf32> to vector<16xf32>
      %swap3A_125 = vector.shape_cast %add3A_119 : vector<16xf32> to vector<16xf32>
      tpu.vector_store %arg11[%swap3A_122], %swap3A_125 {strides = array<i32>} : memref<16384xf32, #tpu.memory_space<vmem>>, vector<16xf32>,
      %slice3A_126 = vector.extract_strided_slice %get3A_24 {offsets = [3], sizes = [1], strides = [1]} : vector<16xi32> to vector<1xi32>
      %squeeze3A_127 = vector.extract %slice3A_126[0] : i32 from vector<1xi32>
      %slice3A_128 = vector.extract_strided_slice %get3A_29 {offsets = [3], sizes = [1], strides = [1]} : vector<16xi32> to vector<1xi32>
      %squeeze3A_129 = vector.extract %slice3A_128[0] : i32 from vector<1xi32>
      %mul3A_130 = arith.constant 16 : i32
      %mul3A_131 = arith.muli %squeeze3A_127, %mul3A_130 : i32
      %get3A_132 = arith.index_cast %mul3A_131 : i32 to index
      %get3A_133 = tpu.vector_load %arg10[%get3A_132] {strides = array<i32>} : memref<16384xf32, #tpu.memory_space<vmem>>, vector<16xf32>,
      %get3A_134 = vector.shape_cast %get3A_133 : vector<16xf32> to vector<16xf32>
      %mul3A_135 = arith.constant 16 : i32
      %mul3A_136 = arith.muli %squeeze3A_129, %mul3A_135 : i32
      %get3A_137 = arith.index_cast %mul3A_136 : i32 to index
      %get3A_138 = tpu.vector_load %arg10[%get3A_137] {strides = array<i32>} : memref<16384xf32, #tpu.memory_space<vmem>>, vector<16xf32>,
      %get3A_139 = vector.shape_cast %get3A_138 : vector<16xf32> to vector<16xf32>
      %mul3A_140 = arith.mulf %get3A_134, %get3A_139 : vector<16xf32>
      %mul3A_141 = arith.constant 16 : i32
      %mul3A_142 = arith.muli %squeeze3A_129, %mul3A_141 : i32
      %get3A_143 = arith.index_cast %mul3A_142 : i32 to index
      %get3A_144 = tpu.vector_load %arg11[%get3A_143] {strides = array<i32>} : memref<16384xf32, #tpu.memory_space<vmem>>, vector<16xf32>,
      %get3A_145 = vector.shape_cast %get3A_144 : vector<16xf32> to vector<16xf32>
      %mul3A_146 = arith.constant 16 : i32
      %mul3A_147 = arith.muli %squeeze3A_127, %mul3A_146 : i32
      %get3A_148 = arith.index_cast %mul3A_147 : i32 to index
      %get3A_149 = tpu.vector_load %arg9[%get3A_148] {strides = array<i32>} : memref<16384xf32, #tpu.memory_space<vmem>>, vector<16xf32>,
      %get3A_150 = vector.shape_cast %get3A_149 : vector<16xf32> to vector<16xf32>
      %mul3A_151 = arith.mulf %get3A_150, %mul3A_140 : vector<16xf32>
      %add3A_152 = arith.addf %get3A_145, %mul3A_151 : vector<16xf32>
      %mul3A_153 = arith.constant 16 : i32
      %mul3A_154 = arith.muli %squeeze3A_129, %mul3A_153 : i32
      %swap3A_155 = arith.index_cast %mul3A_154 : i32 to index
      %swap3A_156 = tpu.vector_load %arg11[%swap3A_155] {strides = array<i32>} : memref<16384xf32, #tpu.memory_space<vmem>>, vector<16xf32>,
      %swap3A_157 = vector.shape_cast %swap3A_156 : vector<16xf32> to vector<16xf32>
      %swap3A_158 = vector.shape_cast %add3A_152 : vector<16xf32> to vector<16xf32>
      tpu.vector_store %arg11[%swap3A_155], %swap3A_158 {strides = array<i32>} : memref<16384xf32, #tpu.memory_space<vmem>>, vector<16xf32>,
      %slice3A_159 = vector.extract_strided_slice %get3A_24 {offsets = [4], sizes = [1], strides = [1]} : vector<16xi32> to vector<1xi32>
      %squeeze3A_160 = vector.extract %slice3A_159[0] : i32 from vector<1xi32>
      %slice3A_161 = vector.extract_strided_slice %get3A_29 {offsets = [4], sizes = [1], strides = [1]} : vector<16xi32> to vector<1xi32>
      %squeeze3A_162 = vector.extract %slice3A_161[0] : i32 from vector<1xi32>
      %mul3A_163 = arith.constant 16 : i32
      %mul3A_164 = arith.muli %squeeze3A_160, %mul3A_163 : i32
      %get3A_165 = arith.index_cast %mul3A_164 : i32 to index
      %get3A_166 = tpu.vector_load %arg10[%get3A_165] {strides = array<i32>} : memref<16384xf32, #tpu.memory_space<vmem>>, vector<16xf32>,
      %get3A_167 = vector.shape_cast %get3A_166 : vector<16xf32> to vector<16xf32>
      %mul3A_168 = arith.constant 16 : i32
      %mul3A_169 = arith.muli %squeeze3A_162, %mul3A_168 : i32
      %get3A_170 = arith.index_cast %mul3A_169 : i32 to index
      %get3A_171 = tpu.vector_load %arg10[%get3A_170] {strides = array<i32>} : memref<16384xf32, #tpu.memory_space<vmem>>, vector<16xf32>,
      %get3A_172 = vector.shape_cast %get3A_171 : vector<16xf32> to vector<16xf32>
      %mul3A_173 = arith.mulf %get3A_167, %get3A_172 : vector<16xf32>
      %mul3A_174 = arith.constant 16 : i32
      %mul3A_175 = arith.muli %squeeze3A_162, %mul3A_174 : i32
      %get3A_176 = arith.index_cast %mul3A_175 : i32 to index
      %get3A_177 = tpu.vector_load %arg11[%get3A_176] {strides = array<i32>} : memref<16384xf32, #tpu.memory_space<vmem>>, vector<16xf32>,
      %get3A_178 = vector.shape_cast %get3A_177 : vector<16xf32> to vector<16xf32>
      %mul3A_179 = arith.constant 16 : i32
      %mul3A_180 = arith.muli %squeeze3A_160, %mul3A_179 : i32
      %get3A_181 = arith.index_cast %mul3A_180 : i32 to index
      %get3A_182 = tpu.vector_load %arg9[%get3A_181] {strides = array<i32>} : memref<16384xf32, #tpu.memory_space<vmem>>, vector<16xf32>,
      %get3A_183 = vector.shape_cast %get3A_182 : vector<16xf32> to vector<16xf32>
      %mul3A_184 = arith.mulf %get3A_183, %mul3A_173 : vector<16xf32>
      %add3A_185 = arith.addf %get3A_178, %mul3A_184 : vector<16xf32>
      %mul3A_186 = arith.constant 16 : i32
      %mul3A_187 = arith.muli %squeeze3A_162, %mul3A_186 : i32
      %swap3A_188 = arith.index_cast %mul3A_187 : i32 to index
      %swap3A_189 = tpu.vector_load %arg11[%swap3A_188] {strides = array<i32>} : memref<16384xf32, #tpu.memory_space<vmem>>, vector<16xf32>,
      %swap3A_190 = vector.shape_cast %swap3A_189 : vector<16xf32> to vector<16xf32>
      %swap3A_191 = vector.shape_cast %add3A_185 : vector<16xf32> to vector<16xf32>
      tpu.vector_store %arg11[%swap3A_188], %swap3A_191 {strides = array<i32>} : memref<16384xf32, #tpu.memory_space<vmem>>, vector<16xf32>,
      %slice3A_192 = vector.extract_strided_slice %get3A_24 {offsets = [5], sizes = [1], strides = [1]} : vector<16xi32> to vector<1xi32>
      %squeeze3A_193 = vector.extract %slice3A_192[0] : i32 from vector<1xi32>
      %slice3A_194 = vector.extract_strided_slice %get3A_29 {offsets = [5], sizes = [1], strides = [1]} : vector<16xi32> to vector<1xi32>
      %squeeze3A_195 = vector.extract %slice3A_194[0] : i32 from vector<1xi32>
      %mul3A_196 = arith.constant 16 : i32
      %mul3A_197 = arith.muli %squeeze3A_193, %mul3A_196 : i32
      %get3A_198 = arith.index_cast %mul3A_197 : i32 to index
      %get3A_199 = tpu.vector_load %arg10[%get3A_198] {strides = array<i32>} : memref<16384xf32, #tpu.memory_space<vmem>>, vector<16xf32>,
      %get3A_200 = vector.shape_cast %get3A_199 : vector<16xf32> to vector<16xf32>
      %mul3A_201 = arith.constant 16 : i32
      %mul3A_202 = arith.muli %squeeze3A_195, %mul3A_201 : i32
      %get3A_203 = arith.index_cast %mul3A_202 : i32 to index
      %get3A_204 = tpu.vector_load %arg10[%get3A_203] {strides = array<i32>} : memref<16384xf32, #tpu.memory_space<vmem>>, vector<16xf32>,
      %get3A_205 = vector.shape_cast %get3A_204 : vector<16xf32> to vector<16xf32>
      %mul3A_206 = arith.mulf %get3A_200, %get3A_205 : vector<16xf32>
      %mul3A_207 = arith.constant 16 : i32
      %mul3A_208 = arith.muli %squeeze3A_195, %mul3A_207 : i32
      %get3A_209 = arith.index_cast %mul3A_208 : i32 to index
      %get3A_210 = tpu.vector_load %arg11[%get3A_209] {strides = array<i32>} : memref<16384xf32, #tpu.memory_space<vmem>>, vector<16xf32>,
      %get3A_211 = vector.shape_cast %get3A_210 : vector<16xf32> to vector<16xf32>
      %mul3A_212 = arith.constant 16 : i32
      %mul3A_213 = arith.muli %squeeze3A_193, %mul3A_212 : i32
      %get3A_214 = arith.index_cast %mul3A_213 : i32 to index
      %get3A_215 = tpu.vector_load %arg9[%get3A_214] {strides = array<i32>} : memref<16384xf32, #tpu.memory_space<vmem>>, vector<16xf32>,
      %get3A_216 = vector.shape_cast %get3A_215 : vector<16xf32> to vector<16xf32>
      %mul3A_217 = arith.mulf %get3A_216, %mul3A_206 : vector<16xf32>
      %add3A_218 = arith.addf %get3A_211, %mul3A_217 : vector<16xf32>
      %mul3A_219 = arith.constant 16 : i32
      %mul3A_220 = arith.muli %squeeze3A_195, %mul3A_219 : i32
      %swap3A_221 = arith.index_cast %mul3A_220 : i32 to index
      %swap3A_222 = tpu.vector_load %arg11[%swap3A_221] {strides = array<i32>} : memref<16384xf32, #tpu.memory_space<vmem>>, vector<16xf32>,
      %swap3A_223 = vector.shape_cast %swap3A_222 : vector<16xf32> to vector<16xf32>
      %swap3A_224 = vector.shape_cast %add3A_218 : vector<16xf32> to vector<16xf32>
      tpu.vector_store %arg11[%swap3A_221], %swap3A_224 {strides = array<i32>} : memref<16384xf32, #tpu.memory_space<vmem>>, vector<16xf32>,
      %slice3A_225 = vector.extract_strided_slice %get3A_24 {offsets = [6], sizes = [1], strides = [1]} : vector<16xi32> to vector<1xi32>
      %squeeze3A_226 = vector.extract %slice3A_225[0] : i32 from vector<1xi32>
      %slice3A_227 = vector.extract_strided_slice %get3A_29 {offsets = [6], sizes = [1], strides = [1]} : vector<16xi32> to vector<1xi32>
      %squeeze3A_228 = vector.extract %slice3A_227[0] : i32 from vector<1xi32>
      %mul3A_229 = arith.constant 16 : i32
      %mul3A_230 = arith.muli %squeeze3A_226, %mul3A_229 : i32
      %get3A_231 = arith.index_cast %mul3A_230 : i32 to index
      %get3A_232 = tpu.vector_load %arg10[%get3A_231] {strides = array<i32>} : memref<16384xf32, #tpu.memory_space<vmem>>, vector<16xf32>,
      %get3A_233 = vector.shape_cast %get3A_232 : vector<16xf32> to vector<16xf32>
      %mul3A_234 = arith.constant 16 : i32
      %mul3A_235 = arith.muli %squeeze3A_228, %mul3A_234 : i32
      %get3A_236 = arith.index_cast %mul3A_235 : i32 to index
      %get3A_237 = tpu.vector_load %arg10[%get3A_236] {strides = array<i32>} : memref<16384xf32, #tpu.memory_space<vmem>>, vector<16xf32>,
      %get3A_238 = vector.shape_cast %get3A_237 : vector<16xf32> to vector<16xf32>
      %mul3A_239 = arith.mulf %get3A_233, %get3A_238 : vector<16xf32>
      %mul3A_240 = arith.constant 16 : i32
      %mul3A_241 = arith.muli %squeeze3A_228, %mul3A_240 : i32
      %get3A_242 = arith.index_cast %mul3A_241 : i32 to index
      %get3A_243 = tpu.vector_load %arg11[%get3A_242] {strides = array<i32>} : memref<16384xf32, #tpu.memory_space<vmem>>, vector<16xf32>,
      %get3A_244 = vector.shape_cast %get3A_243 : vector<16xf32> to vector<16xf32>
      %mul3A_245 = arith.constant 16 : i32
      %mul3A_246 = arith.muli %squeeze3A_226, %mul3A_245 : i32
      %get3A_247 = arith.index_cast %mul3A_246 : i32 to index
      %get3A_248 = tpu.vector_load %arg9[%get3A_247] {strides = array<i32>} : memref<16384xf32, #tpu.memory_space<vmem>>, vector<16xf32>,
      %get3A_249 = vector.shape_cast %get3A_248 : vector<16xf32> to vector<16xf32>
      %mul3A_250 = arith.mulf %get3A_249, %mul3A_239 : vector<16xf32>
      %add3A_251 = arith.addf %get3A_244, %mul3A_250 : vector<16xf32>
      %mul3A_252 = arith.constant 16 : i32
      %mul3A_253 = arith.muli %squeeze3A_228, %mul3A_252 : i32
      %swap3A_254 = arith.index_cast %mul3A_253 : i32 to index
      %swap3A_255 = tpu.vector_load %arg11[%swap3A_254] {strides = array<i32>} : memref<16384xf32, #tpu.memory_space<vmem>>, vector<16xf32>,
      %swap3A_256 = vector.shape_cast %swap3A_255 : vector<16xf32> to vector<16xf32>
      %swap3A_257 = vector.shape_cast %add3A_251 : vector<16xf32> to vector<16xf32>
      tpu.vector_store %arg11[%swap3A_254], %swap3A_257 {strides = array<i32>} : memref<16384xf32, #tpu.memory_space<vmem>>, vector<16xf32>,
      %slice3A_258 = vector.extract_strided_slice %get3A_24 {offsets = [7], sizes = [1], strides = [1]} : vector<16xi32> to vector<1xi32>
      %squeeze3A_259 = vector.extract %slice3A_258[0] : i32 from vector<1xi32>
      %slice3A_260 = vector.extract_strided_slice %get3A_29 {offsets = [7], sizes = [1], strides = [1]} : vector<16xi32> to vector<1xi32>
      %squeeze3A_261 = vector.extract %slice3A_260[0] : i32 from vector<1xi32>
      %mul3A_262 = arith.constant 16 : i32
      %mul3A_263 = arith.muli %squeeze3A_259, %mul3A_262 : i32
      %get3A_264 = arith.index_cast %mul3A_263 : i32 to index
      %get3A_265 = tpu.vector_load %arg10[%get3A_264] {strides = array<i32>} : memref<16384xf32, #tpu.memory_space<vmem>>, vector<16xf32>,
      %get3A_266 = vector.shape_cast %get3A_265 : vector<16xf32> to vector<16xf32>
      %mul3A_267 = arith.constant 16 : i32
      %mul3A_268 = arith.muli %squeeze3A_261, %mul3A_267 : i32
      %get3A_269 = arith.index_cast %mul3A_268 : i32 to index
      %get3A_270 = tpu.vector_load %arg10[%get3A_269] {strides = array<i32>} : memref<16384xf32, #tpu.memory_space<vmem>>, vector<16xf32>,
      %get3A_271 = vector.shape_cast %get3A_270 : vector<16xf32> to vector<16xf32>
      %mul3A_272 = arith.mulf %get3A_266, %get3A_271 : vector<16xf32>
      %mul3A_273 = arith.constant 16 : i32
      %mul3A_274 = arith.muli %squeeze3A_261, %mul3A_273 : i32
      %get3A_275 = arith.index_cast %mul3A_274 : i32 to index
      %get3A_276 = tpu.vector_load %arg11[%get3A_275] {strides = array<i32>} : memref<16384xf32, #tpu.memory_space<vmem>>, vector<16xf32>,
      %get3A_277 = vector.shape_cast %get3A_276 : vector<16xf32> to vector<16xf32>
      %mul3A_278 = arith.constant 16 : i32
      %mul3A_279 = arith.muli %squeeze3A_259, %mul3A_278 : i32
      %get3A_280 = arith.index_cast %mul3A_279 : i32 to index
      %get3A_281 = tpu.vector_load %arg9[%get3A_280] {strides = array<i32>} : memref<16384xf32, #tpu.memory_space<vmem>>, vector<16xf32>,
      %get3A_282 = vector.shape_cast %get3A_281 : vector<16xf32> to vector<16xf32>
      %mul3A_283 = arith.mulf %get3A_282, %mul3A_272 : vector<16xf32>
      %add3A_284 = arith.addf %get3A_277, %mul3A_283 : vector<16xf32>
      %mul3A_285 = arith.constant 16 : i32
      %mul3A_286 = arith.muli %squeeze3A_261, %mul3A_285 : i32
      %swap3A_287 = arith.index_cast %mul3A_286 : i32 to index
      %swap3A_288 = tpu.vector_load %arg11[%swap3A_287] {strides = array<i32>} : memref<16384xf32, #tpu.memory_space<vmem>>, vector<16xf32>,
      %swap3A_289 = vector.shape_cast %swap3A_288 : vector<16xf32> to vector<16xf32>
      %swap3A_290 = vector.shape_cast %add3A_284 : vector<16xf32> to vector<16xf32>
      tpu.vector_store %arg11[%swap3A_287], %swap3A_290 {strides = array<i32>} : memref<16384xf32, #tpu.memory_space<vmem>>, vector<16xf32>,
      %slice3A_291 = vector.extract_strided_slice %get3A_24 {offsets = [8], sizes = [1], strides = [1]} : vector<16xi32> to vector<1xi32>
      %squeeze3A_292 = vector.extract %slice3A_291[0] : i32 from vector<1xi32>
      %slice3A_293 = vector.extract_strided_slice %get3A_29 {offsets = [8], sizes = [1], strides = [1]} : vector<16xi32> to vector<1xi32>
      %squeeze3A_294 = vector.extract %slice3A_293[0] : i32 from vector<1xi32>
      %mul3A_295 = arith.constant 16 : i32
      %mul3A_296 = arith.muli %squeeze3A_292, %mul3A_295 : i32
      %get3A_297 = arith.index_cast %mul3A_296 : i32 to index
      %get3A_298 = tpu.vector_load %arg10[%get3A_297] {strides = array<i32>} : memref<16384xf32, #tpu.memory_space<vmem>>, vector<16xf32>,
      %get3A_299 = vector.shape_cast %get3A_298 : vector<16xf32> to vector<16xf32>
      %mul3A_300 = arith.constant 16 : i32
      %mul3A_301 = arith.muli %squeeze3A_294, %mul3A_300 : i32
      %get3A_302 = arith.index_cast %mul3A_301 : i32 to index
      %get3A_303 = tpu.vector_load %arg10[%get3A_302] {strides = array<i32>} : memref<16384xf32, #tpu.memory_space<vmem>>, vector<16xf32>,
      %get3A_304 = vector.shape_cast %get3A_303 : vector<16xf32> to vector<16xf32>
      %mul3A_305 = arith.mulf %get3A_299, %get3A_304 : vector<16xf32>
      %mul3A_306 = arith.constant 16 : i32
      %mul3A_307 = arith.muli %squeeze3A_294, %mul3A_306 : i32
      %get3A_308 = arith.index_cast %mul3A_307 : i32 to index
      %get3A_309 = tpu.vector_load %arg11[%get3A_308] {strides = array<i32>} : memref<16384xf32, #tpu.memory_space<vmem>>, vector<16xf32>,
      %get3A_310 = vector.shape_cast %get3A_309 : vector<16xf32> to vector<16xf32>
      %mul3A_311 = arith.constant 16 : i32
      %mul3A_312 = arith.muli %squeeze3A_292, %mul3A_311 : i32
      %get3A_313 = arith.index_cast %mul3A_312 : i32 to index
      %get3A_314 = tpu.vector_load %arg9[%get3A_313] {strides = array<i32>} : memref<16384xf32, #tpu.memory_space<vmem>>, vector<16xf32>,
      %get3A_315 = vector.shape_cast %get3A_314 : vector<16xf32> to vector<16xf32>
      %mul3A_316 = arith.mulf %get3A_315, %mul3A_305 : vector<16xf32>
      %add3A_317 = arith.addf %get3A_310, %mul3A_316 : vector<16xf32>
      %mul3A_318 = arith.constant 16 : i32
      %mul3A_319 = arith.muli %squeeze3A_294, %mul3A_318 : i32
      %swap3A_320 = arith.index_cast %mul3A_319 : i32 to index
      %swap3A_321 = tpu.vector_load %arg11[%swap3A_320] {strides = array<i32>} : memref<16384xf32, #tpu.memory_space<vmem>>, vector<16xf32>,
      %swap3A_322 = vector.shape_cast %swap3A_321 : vector<16xf32> to vector<16xf32>
      %swap3A_323 = vector.shape_cast %add3A_317 : vector<16xf32> to vector<16xf32>
      tpu.vector_store %arg11[%swap3A_320], %swap3A_323 {strides = array<i32>} : memref<16384xf32, #tpu.memory_space<vmem>>, vector<16xf32>,
      %slice3A_324 = vector.extract_strided_slice %get3A_24 {offsets = [9], sizes = [1], strides = [1]} : vector<16xi32> to vector<1xi32>
      %squeeze3A_325 = vector.extract %slice3A_324[0] : i32 from vector<1xi32>
      %slice3A_326 = vector.extract_strided_slice %get3A_29 {offsets = [9], sizes = [1], strides = [1]} : vector<16xi32> to vector<1xi32>
      %squeeze3A_327 = vector.extract %slice3A_326[0] : i32 from vector<1xi32>
      %mul3A_328 = arith.constant 16 : i32
      %mul3A_329 = arith.muli %squeeze3A_325, %mul3A_328 : i32
      %get3A_330 = arith.index_cast %mul3A_329 : i32 to index
      %get3A_331 = tpu.vector_load %arg10[%get3A_330] {strides = array<i32>} : memref<16384xf32, #tpu.memory_space<vmem>>, vector<16xf32>,
      %get3A_332 = vector.shape_cast %get3A_331 : vector<16xf32> to vector<16xf32>
      %mul3A_333 = arith.constant 16 : i32
      %mul3A_334 = arith.muli %squeeze3A_327, %mul3A_333 : i32
      %get3A_335 = arith.index_cast %mul3A_334 : i32 to index
      %get3A_336 = tpu.vector_load %arg10[%get3A_335] {strides = array<i32>} : memref<16384xf32, #tpu.memory_space<vmem>>, vector<16xf32>,
      %get3A_337 = vector.shape_cast %get3A_336 : vector<16xf32> to vector<16xf32>
      %mul3A_338 = arith.mulf %get3A_332, %get3A_337 : vector<16xf32>
      %mul3A_339 = arith.constant 16 : i32
      %mul3A_340 = arith.muli %squeeze3A_327, %mul3A_339 : i32
      %get3A_341 = arith.index_cast %mul3A_340 : i32 to index
      %get3A_342 = tpu.vector_load %arg11[%get3A_341] {strides = array<i32>} : memref<16384xf32, #tpu.memory_space<vmem>>, vector<16xf32>,
      %get3A_343 = vector.shape_cast %get3A_342 : vector<16xf32> to vector<16xf32>
      %mul3A_344 = arith.constant 16 : i32
      %mul3A_345 = arith.muli %squeeze3A_325, %mul3A_344 : i32
      %get3A_346 = arith.index_cast %mul3A_345 : i32 to index
      %get3A_347 = tpu.vector_load %arg9[%get3A_346] {strides = array<i32>} : memref<16384xf32, #tpu.memory_space<vmem>>, vector<16xf32>,
      %get3A_348 = vector.shape_cast %get3A_347 : vector<16xf32> to vector<16xf32>
      %mul3A_349 = arith.mulf %get3A_348, %mul3A_338 : vector<16xf32>
      %add3A_350 = arith.addf %get3A_343, %mul3A_349 : vector<16xf32>
      %mul3A_351 = arith.constant 16 : i32
      %mul3A_352 = arith.muli %squeeze3A_327, %mul3A_351 : i32
      %swap3A_353 = arith.index_cast %mul3A_352 : i32 to index
      %swap3A_354 = tpu.vector_load %arg11[%swap3A_353] {strides = array<i32>} : memref<16384xf32, #tpu.memory_space<vmem>>, vector<16xf32>,
      %swap3A_355 = vector.shape_cast %swap3A_354 : vector<16xf32> to vector<16xf32>
      %swap3A_356 = vector.shape_cast %add3A_350 : vector<16xf32> to vector<16xf32>
      tpu.vector_store %arg11[%swap3A_353], %swap3A_356 {strides = array<i32>} : memref<16384xf32, #tpu.memory_space<vmem>>, vector<16xf32>,
      %slice3A_357 = vector.extract_strided_slice %get3A_24 {offsets = [10], sizes = [1], strides = [1]} : vector<16xi32> to vector<1xi32>
      %squeeze3A_358 = vector.extract %slice3A_357[0] : i32 from vector<1xi32>
      %slice3A_359 = vector.extract_strided_slice %get3A_29 {offsets = [10], sizes = [1], strides = [1]} : vector<16xi32> to vector<1xi32>
      %squeeze3A_360 = vector.extract %slice3A_359[0] : i32 from vector<1xi32>
      %mul3A_361 = arith.constant 16 : i32
      %mul3A_362 = arith.muli %squeeze3A_358, %mul3A_361 : i32
      %get3A_363 = arith.index_cast %mul3A_362 : i32 to index
      %get3A_364 = tpu.vector_load %arg10[%get3A_363] {strides = array<i32>} : memref<16384xf32, #tpu.memory_space<vmem>>, vector<16xf32>,
      %get3A_365 = vector.shape_cast %get3A_364 : vector<16xf32> to vector<16xf32>
      %mul3A_366 = arith.constant 16 : i32
      %mul3A_367 = arith.muli %squeeze3A_360, %mul3A_366 : i32
      %get3A_368 = arith.index_cast %mul3A_367 : i32 to index
      %get3A_369 = tpu.vector_load %arg10[%get3A_368] {strides = array<i32>} : memref<16384xf32, #tpu.memory_space<vmem>>, vector<16xf32>,
      %get3A_370 = vector.shape_cast %get3A_369 : vector<16xf32> to vector<16xf32>
      %mul3A_371 = arith.mulf %get3A_365, %get3A_370 : vector<16xf32>
      %mul3A_372 = arith.constant 16 : i32
      %mul3A_373 = arith.muli %squeeze3A_360, %mul3A_372 : i32
      %get3A_374 = arith.index_cast %mul3A_373 : i32 to index
      %get3A_375 = tpu.vector_load %arg11[%get3A_374] {strides = array<i32>} : memref<16384xf32, #tpu.memory_space<vmem>>, vector<16xf32>,
      %get3A_376 = vector.shape_cast %get3A_375 : vector<16xf32> to vector<16xf32>
      %mul3A_377 = arith.constant 16 : i32
      %mul3A_378 = arith.muli %squeeze3A_358, %mul3A_377 : i32
      %get3A_379 = arith.index_cast %mul3A_378 : i32 to index
      %get3A_380 = tpu.vector_load %arg9[%get3A_379] {strides = array<i32>} : memref<16384xf32, #tpu.memory_space<vmem>>, vector<16xf32>,
      %get3A_381 = vector.shape_cast %get3A_380 : vector<16xf32> to vector<16xf32>
      %mul3A_382 = arith.mulf %get3A_381, %mul3A_371 : vector<16xf32>
      %add3A_383 = arith.addf %get3A_376, %mul3A_382 : vector<16xf32>
      %mul3A_384 = arith.constant 16 : i32
      %mul3A_385 = arith.muli %squeeze3A_360, %mul3A_384 : i32
      %swap3A_386 = arith.index_cast %mul3A_385 : i32 to index
      %swap3A_387 = tpu.vector_load %arg11[%swap3A_386] {strides = array<i32>} : memref<16384xf32, #tpu.memory_space<vmem>>, vector<16xf32>,
      %swap3A_388 = vector.shape_cast %swap3A_387 : vector<16xf32> to vector<16xf32>
      %swap3A_389 = vector.shape_cast %add3A_383 : vector<16xf32> to vector<16xf32>
      tpu.vector_store %arg11[%swap3A_386], %swap3A_389 {strides = array<i32>} : memref<16384xf32, #tpu.memory_space<vmem>>, vector<16xf32>,
      %slice3A_390 = vector.extract_strided_slice %get3A_24 {offsets = [11], sizes = [1], strides = [1]} : vector<16xi32> to vector<1xi32>
      %squeeze3A_391 = vector.extract %slice3A_390[0] : i32 from vector<1xi32>
      %slice3A_392 = vector.extract_strided_slice %get3A_29 {offsets = [11], sizes = [1], strides = [1]} : vector<16xi32> to vector<1xi32>
      %squeeze3A_393 = vector.extract %slice3A_392[0] : i32 from vector<1xi32>
      %mul3A_394 = arith.constant 16 : i32
      %mul3A_395 = arith.muli %squeeze3A_391, %mul3A_394 : i32
      %get3A_396 = arith.index_cast %mul3A_395 : i32 to index
      %get3A_397 = tpu.vector_load %arg10[%get3A_396] {strides = array<i32>} : memref<16384xf32, #tpu.memory_space<vmem>>, vector<16xf32>,
      %get3A_398 = vector.shape_cast %get3A_397 : vector<16xf32> to vector<16xf32>
      %mul3A_399 = arith.constant 16 : i32
      %mul3A_400 = arith.muli %squeeze3A_393, %mul3A_399 : i32
      %get3A_401 = arith.index_cast %mul3A_400 : i32 to index
      %get3A_402 = tpu.vector_load %arg10[%get3A_401] {strides = array<i32>} : memref<16384xf32, #tpu.memory_space<vmem>>, vector<16xf32>,
      %get3A_403 = vector.shape_cast %get3A_402 : vector<16xf32> to vector<16xf32>
      %mul3A_404 = arith.mulf %get3A_398, %get3A_403 : vector<16xf32>
      %mul3A_405 = arith.constant 16 : i32
      %mul3A_406 = arith.muli %squeeze3A_393, %mul3A_405 : i32
      %get3A_407 = arith.index_cast %mul3A_406 : i32 to index
      %get3A_408 = tpu.vector_load %arg11[%get3A_407] {strides = array<i32>} : memref<16384xf32, #tpu.memory_space<vmem>>, vector<16xf32>,
      %get3A_409 = vector.shape_cast %get3A_408 : vector<16xf32> to vector<16xf32>
      %mul3A_410 = arith.constant 16 : i32
      %mul3A_411 = arith.muli %squeeze3A_391, %mul3A_410 : i32
      %get3A_412 = arith.index_cast %mul3A_411 : i32 to index
      %get3A_413 = tpu.vector_load %arg9[%get3A_412] {strides = array<i32>} : memref<16384xf32, #tpu.memory_space<vmem>>, vector<16xf32>,
      %get3A_414 = vector.shape_cast %get3A_413 : vector<16xf32> to vector<16xf32>
      %mul3A_415 = arith.mulf %get3A_414, %mul3A_404 : vector<16xf32>
      %add3A_416 = arith.addf %get3A_409, %mul3A_415 : vector<16xf32>
      %mul3A_417 = arith.constant 16 : i32
      %mul3A_418 = arith.muli %squeeze3A_393, %mul3A_417 : i32
      %swap3A_419 = arith.index_cast %mul3A_418 : i32 to index
      %swap3A_420 = tpu.vector_load %arg11[%swap3A_419] {strides = array<i32>} : memref<16384xf32, #tpu.memory_space<vmem>>, vector<16xf32>,
      %swap3A_421 = vector.shape_cast %swap3A_420 : vector<16xf32> to vector<16xf32>
      %swap3A_422 = vector.shape_cast %add3A_416 : vector<16xf32> to vector<16xf32>
      tpu.vector_store %arg11[%swap3A_419], %swap3A_422 {strides = array<i32>} : memref<16384xf32, #tpu.memory_space<vmem>>, vector<16xf32>,
      %slice3A_423 = vector.extract_strided_slice %get3A_24 {offsets = [12], sizes = [1], strides = [1]} : vector<16xi32> to vector<1xi32>
      %squeeze3A_424 = vector.extract %slice3A_423[0] : i32 from vector<1xi32>
      %slice3A_425 = vector.extract_strided_slice %get3A_29 {offsets = [12], sizes = [1], strides = [1]} : vector<16xi32> to vector<1xi32>
      %squeeze3A_426 = vector.extract %slice3A_425[0] : i32 from vector<1xi32>
      %mul3A_427 = arith.constant 16 : i32
      %mul3A_428 = arith.muli %squeeze3A_424, %mul3A_427 : i32
      %get3A_429 = arith.index_cast %mul3A_428 : i32 to index
      %get3A_430 = tpu.vector_load %arg10[%get3A_429] {strides = array<i32>} : memref<16384xf32, #tpu.memory_space<vmem>>, vector<16xf32>,
      %get3A_431 = vector.shape_cast %get3A_430 : vector<16xf32> to vector<16xf32>
      %mul3A_432 = arith.constant 16 : i32
      %mul3A_433 = arith.muli %squeeze3A_426, %mul3A_432 : i32
      %get3A_434 = arith.index_cast %mul3A_433 : i32 to index
      %get3A_435 = tpu.vector_load %arg10[%get3A_434] {strides = array<i32>} : memref<16384xf32, #tpu.memory_space<vmem>>, vector<16xf32>,
      %get3A_436 = vector.shape_cast %get3A_435 : vector<16xf32> to vector<16xf32>
      %mul3A_437 = arith.mulf %get3A_431, %get3A_436 : vector<16xf32>
      %mul3A_438 = arith.constant 16 : i32
      %mul3A_439 = arith.muli %squeeze3A_426, %mul3A_438 : i32
      %get3A_440 = arith.index_cast %mul3A_439 : i32 to index
      %get3A_441 = tpu.vector_load %arg11[%get3A_440] {strides = array<i32>} : memref<16384xf32, #tpu.memory_space<vmem>>, vector<16xf32>,
      %get3A_442 = vector.shape_cast %get3A_441 : vector<16xf32> to vector<16xf32>
      %mul3A_443 = arith.constant 16 : i32
      %mul3A_444 = arith.muli %squeeze3A_424, %mul3A_443 : i32
      %get3A_445 = arith.index_cast %mul3A_444 : i32 to index
      %get3A_446 = tpu.vector_load %arg9[%get3A_445] {strides = array<i32>} : memref<16384xf32, #tpu.memory_space<vmem>>, vector<16xf32>,
      %get3A_447 = vector.shape_cast %get3A_446 : vector<16xf32> to vector<16xf32>
      %mul3A_448 = arith.mulf %get3A_447, %mul3A_437 : vector<16xf32>
      %add3A_449 = arith.addf %get3A_442, %mul3A_448 : vector<16xf32>
      %mul3A_450 = arith.constant 16 : i32
      %mul3A_451 = arith.muli %squeeze3A_426, %mul3A_450 : i32
      %swap3A_452 = arith.index_cast %mul3A_451 : i32 to index
      %swap3A_453 = tpu.vector_load %arg11[%swap3A_452] {strides = array<i32>} : memref<16384xf32, #tpu.memory_space<vmem>>, vector<16xf32>,
      %swap3A_454 = vector.shape_cast %swap3A_453 : vector<16xf32> to vector<16xf32>
      %swap3A_455 = vector.shape_cast %add3A_449 : vector<16xf32> to vector<16xf32>
      tpu.vector_store %arg11[%swap3A_452], %swap3A_455 {strides = array<i32>} : memref<16384xf32, #tpu.memory_space<vmem>>, vector<16xf32>,
      %slice3A_456 = vector.extract_strided_slice %get3A_24 {offsets = [13], sizes = [1], strides = [1]} : vector<16xi32> to vector<1xi32>
      %squeeze3A_457 = vector.extract %slice3A_456[0] : i32 from vector<1xi32>
      %slice3A_458 = vector.extract_strided_slice %get3A_29 {offsets = [13], sizes = [1], strides = [1]} : vector<16xi32> to vector<1xi32>
      %squeeze3A_459 = vector.extract %slice3A_458[0] : i32 from vector<1xi32>
      %mul3A_460 = arith.constant 16 : i32
      %mul3A_461 = arith.muli %squeeze3A_457, %mul3A_460 : i32
      %get3A_462 = arith.index_cast %mul3A_461 : i32 to index
      %get3A_463 = tpu.vector_load %arg10[%get3A_462] {strides = array<i32>} : memref<16384xf32, #tpu.memory_space<vmem>>, vector<16xf32>,
      %get3A_464 = vector.shape_cast %get3A_463 : vector<16xf32> to vector<16xf32>
      %mul3A_465 = arith.constant 16 : i32
      %mul3A_466 = arith.muli %squeeze3A_459, %mul3A_465 : i32
      %get3A_467 = arith.index_cast %mul3A_466 : i32 to index
      %get3A_468 = tpu.vector_load %arg10[%get3A_467] {strides = array<i32>} : memref<16384xf32, #tpu.memory_space<vmem>>, vector<16xf32>,
      %get3A_469 = vector.shape_cast %get3A_468 : vector<16xf32> to vector<16xf32>
      %mul3A_470 = arith.mulf %get3A_464, %get3A_469 : vector<16xf32>
      %mul3A_471 = arith.constant 16 : i32
      %mul3A_472 = arith.muli %squeeze3A_459, %mul3A_471 : i32
      %get3A_473 = arith.index_cast %mul3A_472 : i32 to index
      %get3A_474 = tpu.vector_load %arg11[%get3A_473] {strides = array<i32>} : memref<16384xf32, #tpu.memory_space<vmem>>, vector<16xf32>,
      %get3A_475 = vector.shape_cast %get3A_474 : vector<16xf32> to vector<16xf32>
      %mul3A_476 = arith.constant 16 : i32
      %mul3A_477 = arith.muli %squeeze3A_457, %mul3A_476 : i32
      %get3A_478 = arith.index_cast %mul3A_477 : i32 to index
      %get3A_479 = tpu.vector_load %arg9[%get3A_478] {strides = array<i32>} : memref<16384xf32, #tpu.memory_space<vmem>>, vector<16xf32>,
      %get3A_480 = vector.shape_cast %get3A_479 : vector<16xf32> to vector<16xf32>
      %mul3A_481 = arith.mulf %get3A_480, %mul3A_470 : vector<16xf32>
      %add3A_482 = arith.addf %get3A_475, %mul3A_481 : vector<16xf32>
      %mul3A_483 = arith.constant 16 : i32
      %mul3A_484 = arith.muli %squeeze3A_459, %mul3A_483 : i32
      %swap3A_485 = arith.index_cast %mul3A_484 : i32 to index
      %swap3A_486 = tpu.vector_load %arg11[%swap3A_485] {strides = array<i32>} : memref<16384xf32, #tpu.memory_space<vmem>>, vector<16xf32>,
      %swap3A_487 = vector.shape_cast %swap3A_486 : vector<16xf32> to vector<16xf32>
      %swap3A_488 = vector.shape_cast %add3A_482 : vector<16xf32> to vector<16xf32>
      tpu.vector_store %arg11[%swap3A_485], %swap3A_488 {strides = array<i32>} : memref<16384xf32, #tpu.memory_space<vmem>>, vector<16xf32>,
      %slice3A_489 = vector.extract_strided_slice %get3A_24 {offsets = [14], sizes = [1], strides = [1]} : vector<16xi32> to vector<1xi32>
      %squeeze3A_490 = vector.extract %slice3A_489[0] : i32 from vector<1xi32>
      %slice3A_491 = vector.extract_strided_slice %get3A_29 {offsets = [14], sizes = [1], strides = [1]} : vector<16xi32> to vector<1xi32>
      %squeeze3A_492 = vector.extract %slice3A_491[0] : i32 from vector<1xi32>
      %mul3A_493 = arith.constant 16 : i32
      %mul3A_494 = arith.muli %squeeze3A_490, %mul3A_493 : i32
      %get3A_495 = arith.index_cast %mul3A_494 : i32 to index
      %get3A_496 = tpu.vector_load %arg10[%get3A_495] {strides = array<i32>} : memref<16384xf32, #tpu.memory_space<vmem>>, vector<16xf32>,
      %get3A_497 = vector.shape_cast %get3A_496 : vector<16xf32> to vector<16xf32>
      %mul3A_498 = arith.constant 16 : i32
      %mul3A_499 = arith.muli %squeeze3A_492, %mul3A_498 : i32
      %get3A_500 = arith.index_cast %mul3A_499 : i32 to index
      %get3A_501 = tpu.vector_load %arg10[%get3A_500] {strides = array<i32>} : memref<16384xf32, #tpu.memory_space<vmem>>, vector<16xf32>,
      %get3A_502 = vector.shape_cast %get3A_501 : vector<16xf32> to vector<16xf32>
      %mul3A_503 = arith.mulf %get3A_497, %get3A_502 : vector<16xf32>
      %mul3A_504 = arith.constant 16 : i32
      %mul3A_505 = arith.muli %squeeze3A_492, %mul3A_504 : i32
      %get3A_506 = arith.index_cast %mul3A_505 : i32 to index
      %get3A_507 = tpu.vector_load %arg11[%get3A_506] {strides = array<i32>} : memref<16384xf32, #tpu.memory_space<vmem>>, vector<16xf32>,
      %get3A_508 = vector.shape_cast %get3A_507 : vector<16xf32> to vector<16xf32>
      %mul3A_509 = arith.constant 16 : i32
      %mul3A_510 = arith.muli %squeeze3A_490, %mul3A_509 : i32
      %get3A_511 = arith.index_cast %mul3A_510 : i32 to index
      %get3A_512 = tpu.vector_load %arg9[%get3A_511] {strides = array<i32>} : memref<16384xf32, #tpu.memory_space<vmem>>, vector<16xf32>,
      %get3A_513 = vector.shape_cast %get3A_512 : vector<16xf32> to vector<16xf32>
      %mul3A_514 = arith.mulf %get3A_513, %mul3A_503 : vector<16xf32>
      %add3A_515 = arith.addf %get3A_508, %mul3A_514 : vector<16xf32>
      %mul3A_516 = arith.constant 16 : i32
      %mul3A_517 = arith.muli %squeeze3A_492, %mul3A_516 : i32
      %swap3A_518 = arith.index_cast %mul3A_517 : i32 to index
      %swap3A_519 = tpu.vector_load %arg11[%swap3A_518] {strides = array<i32>} : memref<16384xf32, #tpu.memory_space<vmem>>, vector<16xf32>,
      %swap3A_520 = vector.shape_cast %swap3A_519 : vector<16xf32> to vector<16xf32>
      %swap3A_521 = vector.shape_cast %add3A_515 : vector<16xf32> to vector<16xf32>
      tpu.vector_store %arg11[%swap3A_518], %swap3A_521 {strides = array<i32>} : memref<16384xf32, #tpu.memory_space<vmem>>, vector<16xf32>,
      %slice3A_522 = vector.extract_strided_slice %get3A_24 {offsets = [15], sizes = [1], strides = [1]} : vector<16xi32> to vector<1xi32>
      %squeeze3A_523 = vector.extract %slice3A_522[0] : i32 from vector<1xi32>
      %slice3A_524 = vector.extract_strided_slice %get3A_29 {offsets = [15], sizes = [1], strides = [1]} : vector<16xi32> to vector<1xi32>
      %squeeze3A_525 = vector.extract %slice3A_524[0] : i32 from vector<1xi32>
      %mul3A_526 = arith.constant 16 : i32
      %mul3A_527 = arith.muli %squeeze3A_523, %mul3A_526 : i32
      %get3A_528 = arith.index_cast %mul3A_527 : i32 to index
      %get3A_529 = tpu.vector_load %arg10[%get3A_528] {strides = array<i32>} : memref<16384xf32, #tpu.memory_space<vmem>>, vector<16xf32>,
      %get3A_530 = vector.shape_cast %get3A_529 : vector<16xf32> to vector<16xf32>
      %mul3A_531 = arith.constant 16 : i32
      %mul3A_532 = arith.muli %squeeze3A_525, %mul3A_531 : i32
      %get3A_533 = arith.index_cast %mul3A_532 : i32 to index
      %get3A_534 = tpu.vector_load %arg10[%get3A_533] {strides = array<i32>} : memref<16384xf32, #tpu.memory_space<vmem>>, vector<16xf32>,
      %get3A_535 = vector.shape_cast %get3A_534 : vector<16xf32> to vector<16xf32>
      %mul3A_536 = arith.mulf %get3A_530, %get3A_535 : vector<16xf32>
      %mul3A_537 = arith.constant 16 : i32
      %mul3A_538 = arith.muli %squeeze3A_525, %mul3A_537 : i32
      %get3A_539 = arith.index_cast %mul3A_538 : i32 to index
      %get3A_540 = tpu.vector_load %arg11[%get3A_539] {strides = array<i32>} : memref<16384xf32, #tpu.memory_space<vmem>>, vector<16xf32>,
      %get3A_541 = vector.shape_cast %get3A_540 : vector<16xf32> to vector<16xf32>
      %mul3A_542 = arith.constant 16 : i32
      %mul3A_543 = arith.muli %squeeze3A_523, %mul3A_542 : i32
      %get3A_544 = arith.index_cast %mul3A_543 : i32 to index
      %get3A_545 = tpu.vector_load %arg9[%get3A_544] {strides = array<i32>} : memref<16384xf32, #tpu.memory_space<vmem>>, vector<16xf32>,
      %get3A_546 = vector.shape_cast %get3A_545 : vector<16xf32> to vector<16xf32>
      %mul3A_547 = arith.mulf %get3A_546, %mul3A_536 : vector<16xf32>
      %add3A_548 = arith.addf %get3A_541, %mul3A_547 : vector<16xf32>
      %mul3A_549 = arith.constant 16 : i32
      %mul3A_550 = arith.muli %squeeze3A_525, %mul3A_549 : i32
      %swap3A_551 = arith.index_cast %mul3A_550 : i32 to index
      %swap3A_552 = tpu.vector_load %arg11[%swap3A_551] {strides = array<i32>} : memref<16384xf32, #tpu.memory_space<vmem>>, vector<16xf32>,
      %swap3A_553 = vector.shape_cast %swap3A_552 : vector<16xf32> to vector<16xf32>
      %swap3A_554 = vector.shape_cast %add3A_548 : vector<16xf32> to vector<16xf32>
      tpu.vector_store %arg11[%swap3A_551], %swap3A_554 {strides = array<i32>} : memref<16384xf32, #tpu.memory_space<vmem>>, vector<16xf32>,
    }
    %scan3A_11 = arith.constant 128 : i32
    %mul3A_12 = arith.constant 32 : i32
    %mul3A_13 = arith.muli %add3A, %mul3A_12 : i32
    %scan3A_14 = arith.constant 0 : i32
    %scan3A_15 = arith.constant 0 : i32
    %scan3A_16 = arith.constant 32 : i32
    %scan3A_17 = arith.addi %scan3A_15, %scan3A_16 : i32
    %scan3A_18 = arith.constant 1 : i32
    scf.for %scan3A_20 = %scan3A_15 to %scan3A_17 step %scan3A_18  : i32 {
      %add3A_21 = arith.addi %mul3A_13, %scan3A_20 : i32
      %mul3A_22 = arith.constant 16 : i32
      %mul3A_23 = arith.muli %add3A_21, %mul3A_22 : i32
      %get3A = arith.index_cast %mul3A_23 : i32 to index
      %get3A_24 = tpu.vector_load %arg10[%get3A] {strides = array<i32>} : memref<16384xf32, #tpu.memory_space<vmem>>, vector<16xf32>,
      %get3A_25 = vector.shape_cast %get3A_24 : vector<16xf32> to vector<16xf32>
      %mul3A_26 = arith.constant 16 : i32
      %mul3A_27 = arith.muli %add3A_21, %mul3A_26 : i32
      %get3A_28 = arith.index_cast %mul3A_27 : i32 to index
      %get3A_29 = tpu.vector_load %arg11[%get3A_28] {strides = array<i32>} : memref<16384xf32, #tpu.memory_space<vmem>>, vector<16xf32>,
      %get3A_30 = vector.shape_cast %get3A_29 : vector<16xf32> to vector<16xf32>
      %mul3A_31 = arith.constant 16 : i32
      %mul3A_32 = arith.muli %add3A_21, %mul3A_31 : i32
      %get3A_33 = arith.index_cast %mul3A_32 : i32 to index
      %get3A_34 = tpu.vector_load %arg9[%get3A_33] {strides = array<i32>} : memref<16384xf32, #tpu.memory_space<vmem>>, vector<16xf32>,
      %get3A_35 = vector.shape_cast %get3A_34 : vector<16xf32> to vector<16xf32>
      %mul3A_36 = arith.mulf %get3A_25, %get3A_25 : vector<16xf32>
      %mul3A_37 = arith.mulf %get3A_35, %mul3A_36 : vector<16xf32>
      %add3A_38 = arith.addf %get3A_30, %mul3A_37 : vector<16xf32>
      %mul3A_39 = arith.constant 16 : i32
      %mul3A_40 = arith.muli %add3A_21, %mul3A_39 : i32
      %swap3A = arith.index_cast %mul3A_40 : i32 to index
      %swap3A_41 = tpu.vector_load %arg11[%swap3A] {strides = array<i32>} : memref<16384xf32, #tpu.memory_space<vmem>>, vector<16xf32>,
      %swap3A_42 = vector.shape_cast %swap3A_41 : vector<16xf32> to vector<16xf32>
      %swap3A_43 = vector.shape_cast %add3A_38 : vector<16xf32> to vector<16xf32>
      tpu.vector_store %arg11[%swap3A], %swap3A_43 {strides = array<i32>} : memref<16384xf32, #tpu.memory_space<vmem>>, vector<16xf32>,
    }
    %scan3A_19 = arith.constant 32 : i32
    "tpu.region"() ({
      %run_scoped3A = tpu.sem_alloc : memref<!tpu.dma_semaphore, #tpu.memory_space<semaphore_mem>>
      %dma_start3A = arith.constant 0 : i32
      %dma_start3A_20 = tpu.memref_slice %arg6[%add3A, %dma_start3A] : memref<32x16384xf32, #tpu.memory_space<hbm>> -> memref<1x16384xf32, #tpu.memory_space<hbm>>
      %dma_start3A_21 = tpu.memref_squeeze %dma_start3A_20 : memref<1x16384xf32, #tpu.memory_space<hbm>> -> memref<16384xf32, #tpu.memory_space<hbm>>
      %dma_start3A_22 = arith.constant 0 : i32
      %dma_start3A_23 = tpu.memref_slice %arg6[%add3A, %dma_start3A_22] : memref<32x16384xf32, #tpu.memory_space<hbm>> -> memref<1x16384xf32, #tpu.memory_space<hbm>>
      %dma_start3A_24 = tpu.memref_squeeze %dma_start3A_23 : memref<1x16384xf32, #tpu.memory_space<hbm>> -> memref<16384xf32, #tpu.memory_space<hbm>>
      tpu.enqueue_dma source(%arg11 : memref<16384xf32, #tpu.memory_space<vmem>>) target(%dma_start3A_24 : memref<16384xf32, #tpu.memory_space<hbm>>) target_semaphore(%run_scoped3A : memref<!tpu.dma_semaphore, #tpu.memory_space<semaphore_mem>>)
      %dma_wait3A = arith.constant 0 : i32
      %dma_wait3A_25 = tpu.memref_slice %arg6[%add3A, %dma_wait3A] : memref<32x16384xf32, #tpu.memory_space<hbm>> -> memref<1x16384xf32, #tpu.memory_space<hbm>>
      %dma_wait3A_26 = tpu.memref_squeeze %dma_wait3A_25 : memref<1x16384xf32, #tpu.memory_space<hbm>> -> memref<16384xf32, #tpu.memory_space<hbm>>
      %dma_wait3A_27 = arith.constant 0 : i32
      %dma_wait3A_28 = tpu.memref_slice %arg6[%add3A, %dma_wait3A_27] : memref<32x16384xf32, #tpu.memory_space<hbm>> -> memref<1x16384xf32, #tpu.memory_space<hbm>>
      %dma_wait3A_29 = tpu.memref_squeeze %dma_wait3A_28 : memref<1x16384xf32, #tpu.memory_space<hbm>> -> memref<16384xf32, #tpu.memory_space<hbm>>
      tpu.wait_dma2 semaphore(%run_scoped3A : memref<!tpu.dma_semaphore, #tpu.memory_space<semaphore_mem>>) src(%arg11 : memref<16384xf32, #tpu.memory_space<vmem>>) dst(%dma_wait3A_29 : memref<16384xf32, #tpu.memory_space<hbm>>)
      tpu.yield
    }) : () -> ()
    return
  }
}

module attributes {stable_mosaic.version = 14 : i64} {
  func.func @_dinv_body(%arg0: memref<32x1024x16xf32, #tpu.memory_space<vmem>>, %arg1: memref<1024x16xf32, #tpu.memory_space<vmem>>) attributes {dimension_semantics = [], scalar_prefetch = 0 : i64, scratch_operands = 0 : i64, tpu.core_type = #tpu.core_type<tc>} {
    %get3A = arith.constant 0 : index
    %get3A_0 = arith.constant 0 : index
    %get3A_1 = arith.constant 0 : index
    %get3A_2 = vector.load %arg0[%get3A, %get3A_0, %get3A_1] : memref<32x1024x16xf32, #tpu.memory_space<vmem>>, vector<32x1024x16xf32>
    %reduce_sum3A = arith.constant dense<0.000000e+00> : vector<1024x16xf32>
    %reduce_sum3A_3 = vector.multi_reduction <add>, %get3A_2, %reduce_sum3A [0] : vector<32x1024x16xf32> to vector<1024x16xf32>
    %add3A = arith.constant 1.000000e+00 : f32
    %add3A_4 = vector.broadcast %add3A : f32 to vector<1024x16xf32>
    %add3A_5 = arith.addf %reduce_sum3A_3, %add3A_4 : vector<1024x16xf32>
    %rsqrt3A = math.rsqrt %add3A_5 : vector<1024x16xf32>
    %swap3A = arith.constant 0 : index
    %swap3A_6 = arith.constant 0 : index
    %swap3A_7 = vector.load %arg1[%swap3A, %swap3A_6] : memref<1024x16xf32, #tpu.memory_space<vmem>>, vector<1024x16xf32>
    tpu.vector_store %arg1[%swap3A, %swap3A_6], %rsqrt3A {strides = array<i32>} : memref<1024x16xf32, #tpu.memory_space<vmem>>, vector<1024x16xf32>,
    return
  }
}

module attributes {stable_mosaic.version = 14 : i64} {
  func.func @_mv_body(%arg0: i32, %arg1: memref<32x1024x16xf32, #tpu.memory_space<vmem>>, %arg2: memref<1x8xf32, #tpu.memory_space<vmem>>, %arg3: memref<1x8xf32, #tpu.memory_space<vmem>>, %arg4: memref<16x120x1200xbf16, #tpu.memory_space<vmem>>, %arg5: memref<1x1200xf32, #tpu.memory_space<vmem>>, %arg6: memref<1200x6xf32, #tpu.memory_space<vmem>>, %arg7: memref<1x6xf32, #tpu.memory_space<vmem>>, %arg8: memref<1x6xf32, #tpu.memory_space<vmem>>, %arg9: memref<1024x120xf32, #tpu.memory_space<vmem>>, %arg10: memref<1x1200xf32, #tpu.memory_space<vmem>>) attributes {dimension_semantics = [#tpu.dimension_semantics<arbitrary>], iteration_bounds = array<i64: 64>, scalar_prefetch = 0 : i64, scratch_operands = 2 : i64, tpu.core_type = #tpu.core_type<tc>, window_params = [{pipeline_mode = #tpu.pipeline_mode<synchronous>, transform_indices = @transform_0, window_bounds = array<i64: 32, 1024, 16>}, {pipeline_mode = #tpu.pipeline_mode<synchronous>, transform_indices = @transform_1, window_bounds = array<i64: 1, 8>}, {pipeline_mode = #tpu.pipeline_mode<synchronous>, transform_indices = @transform_2, window_bounds = array<i64: 1, 8>}, {transform_indices = @transform_3, window_bounds = array<i64: 16, 120, 1200>}, {pipeline_mode = #tpu.pipeline_mode<synchronous>, transform_indices = @transform_4, window_bounds = array<i64: 1, 1200>}, {pipeline_mode = #tpu.pipeline_mode<synchronous>, transform_indices = @transform_5, window_bounds = array<i64: 1200, 6>}, {pipeline_mode = #tpu.pipeline_mode<synchronous>, transform_indices = @transform_6, window_bounds = array<i64: 1, 6>}, {pipeline_mode = #tpu.pipeline_mode<synchronous>, transform_indices = @transform_7, window_bounds = array<i64: 1, 6>}]} {
    %eq3A = arith.constant 0 : i32
    %eq3A_0 = arith.cmpi eq, %arg0, %eq3A : i32
    %convert_element_type3A = arith.extui %eq3A_0 : i1 to i32
    %cond3A = arith.constant 0 : i32
    %cond3A_1 = arith.cmpi ne, %convert_element_type3A, %cond3A : i32
    scf.if %cond3A_1 {
      %get3A_172 = arith.constant 0 : index
      %get3A_173 = arith.constant 0 : index
      %get3A_174 = arith.constant 0 : index
      %get3A_175 = vector.load %arg1[%get3A_172, %get3A_173, %get3A_174] : memref<32x1024x16xf32, #tpu.memory_space<vmem>>, vector<32x1024x16xf32>
      %reduce_sum3A = arith.constant dense<0.000000e+00> : vector<1024x16xf32>
      %reduce_sum3A_176 = vector.multi_reduction <add>, %get3A_175, %reduce_sum3A [0] : vector<32x1024x16xf32> to vector<1024x16xf32>
      %iota3A = tpu.iota {dimensions = array<i32: 1>} : vector<16x120xi32>
      %iota3A_177 = tpu.iota {dimensions = array<i32: 0>} : vector<16x120xi32>
      %jit3A = arith.constant 8 : i32
      %div3A = vector.broadcast %jit3A : i32 to vector<16x120xi32>
      %div3A_178 = arith.divsi %iota3A, %div3A : vector<16x120xi32>
      %sign3A = arith.constant 0 : i32
      %sign3A_179 = vector.broadcast %sign3A : i32 to vector<16x120xi32>
      %sign3A_180 = arith.cmpi sgt, %iota3A, %sign3A_179 : vector<16x120xi32>
      %sign3A_181 = arith.extui %sign3A_180 : vector<16x120xi1> to vector<16x120xi32>
      %sign3A_182 = arith.constant 0 : i32
      %sign3A_183 = vector.broadcast %sign3A_182 : i32 to vector<16x120xi32>
      %sign3A_184 = arith.cmpi slt, %iota3A, %sign3A_183 : vector<16x120xi32>
      %sign3A_185 = arith.extui %sign3A_184 : vector<16x120xi1> to vector<16x120xi32>
      %sign3A_186 = arith.subi %sign3A_181, %sign3A_185 : vector<16x120xi32>
      %sign3A_187 = arith.constant 0 : i32
      %sign3A_188 = arith.cmpi sgt, %jit3A, %sign3A_187 : i32
      %sign3A_189 = arith.extui %sign3A_188 : i1 to i32
      %sign3A_190 = arith.constant 0 : i32
      %sign3A_191 = arith.cmpi slt, %jit3A, %sign3A_190 : i32
      %sign3A_192 = arith.extui %sign3A_191 : i1 to i32
      %sign3A_193 = arith.subi %sign3A_189, %sign3A_192 : i32
      %ne3A = vector.broadcast %sign3A_193 : i32 to vector<16x120xi32>
      %ne3A_194 = arith.cmpi ne, %sign3A_186, %ne3A : vector<16x120xi32>
      %rem3A = vector.broadcast %jit3A : i32 to vector<16x120xi32>
      %rem3A_195 = arith.remsi %iota3A, %rem3A : vector<16x120xi32>
      %ne3A_196 = arith.constant 0 : i32
      %ne3A_197 = vector.broadcast %ne3A_196 : i32 to vector<16x120xi32>
      %ne3A_198 = arith.cmpi ne, %rem3A_195, %ne3A_197 : vector<16x120xi32>
      %and3A = arith.andi %ne3A_194, %ne3A_198 : vector<16x120xi1>
      %sub3A = arith.constant 1 : i32
      %sub3A_199 = vector.broadcast %sub3A : i32 to vector<16x120xi32>
      %sub3A_200 = arith.subi %div3A_178, %sub3A_199 : vector<16x120xi32>
      %select_n3A = arith.select %and3A, %sub3A_200, %div3A_178 : vector<16x120xi1>, vector<16x120xi32>
      %eq3A_201 = arith.cmpi eq, %select_n3A, %iota3A_177 : vector<16x120xi32>
      %convert_element_type3A_202 = arith.extui %eq3A_201 : vector<16x120xi1> to vector<16x120xi32>
      %convert_element_type3A_203 = arith.sitofp %convert_element_type3A_202 : vector<16x120xi32> to vector<16x120xf32>
      %dot_general3A_204 = arith.constant dense<0.000000e+00> : vector<1024x120xf32>
      %dot_general3A_205 = tpu.matmul %reduce_sum3A_176, %convert_element_type3A_203, %dot_general3A_204 {dimension_numbers = #tpu.dot_dimension_numbers<[1], [0], [0], [1], [0, 0, 1, 1], [], []>, transpose_lhs_hint = false} : vector<1024x16xf32>, vector<16x120xf32>, vector<1024x120xf32> -> vector<1024x120xf32>
      %iota3A_206 = tpu.iota {dimensions = array<i32: 1>} : vector<8x120xi32>
      %iota3A_207 = tpu.iota {dimensions = array<i32: 0>} : vector<8x120xi32>
      %jit3A_208 = arith.constant 8 : i32
      %eq3A_209 = arith.constant 0 : i32
      %eq3A_210 = arith.cmpi eq, %jit3A_208, %eq3A_209 : i32
      %jit3A_211 = arith.constant 1 : i32
      %select_n3A_212 = arith.select %eq3A_210, %jit3A_211, %jit3A_208 : i32
      %rem3A_213 = vector.broadcast %select_n3A_212 : i32 to vector<8x120xi32>
      %rem3A_214 = arith.remsi %iota3A_206, %rem3A_213 : vector<8x120xi32>
      %ne3A_215 = arith.constant 0 : i32
      %ne3A_216 = vector.broadcast %ne3A_215 : i32 to vector<8x120xi32>
      %ne3A_217 = arith.cmpi ne, %rem3A_214, %ne3A_216 : vector<8x120xi32>
      %lt3A = arith.constant 0 : i32
      %lt3A_218 = vector.broadcast %lt3A : i32 to vector<8x120xi32>
      %lt3A_219 = arith.cmpi slt, %rem3A_214, %lt3A_218 : vector<8x120xi32>
      %lt3A_220 = arith.constant 0 : i32
      %lt3A_221 = arith.cmpi slt, %select_n3A_212, %lt3A_220 : i32
      %ne3A_222 = vector.broadcast %lt3A_221 : i1 to vector<8x120xi1>
      %ne3A_223 = vector.broadcast %ne3A_222 : vector<8x120xi1> to vector<8x120xi1>
      %ne3A_224 = arith.xori %lt3A_219, %ne3A_223 : vector<8x120xi1>
      %and3A_225 = arith.andi %ne3A_224, %ne3A_217 : vector<8x120xi1>
      %add3A_226 = vector.broadcast %select_n3A_212 : i32 to vector<8x120xi32>
      %add3A_227 = arith.addi %rem3A_214, %add3A_226 : vector<8x120xi32>
      %select_n3A_228 = arith.select %and3A_225, %add3A_227, %rem3A_214 : vector<8x120xi1>, vector<8x120xi32>
      %eq3A_229 = arith.cmpi eq, %select_n3A_228, %iota3A_207 : vector<8x120xi32>
      %convert_element_type3A_230 = arith.extui %eq3A_229 : vector<8x120xi1> to vector<8x120xi32>
      %convert_element_type3A_231 = arith.sitofp %convert_element_type3A_230 : vector<8x120xi32> to vector<8x120xf32>
      %get3A_232 = arith.constant 0 : index
      %get3A_233 = arith.constant 0 : index
      %get3A_234 = vector.load %arg2[%get3A_232, %get3A_233] : memref<1x8xf32, #tpu.memory_space<vmem>>, vector<1x8xf32>
      %dot_general3A_235 = arith.constant dense<0.000000e+00> : vector<1x120xf32>
      %dot_general3A_236 = tpu.matmul %get3A_234, %convert_element_type3A_231, %dot_general3A_235 {dimension_numbers = #tpu.dot_dimension_numbers<[1], [0], [0], [1], [0, 0, 1, 1], [], []>, transpose_lhs_hint = false} : vector<1x8xf32>, vector<8x120xf32>, vector<1x120xf32> -> vector<1x120xf32>
      %get3A_237 = arith.constant 0 : index
      %get3A_238 = arith.constant 0 : index
      %get3A_239 = vector.load %arg3[%get3A_237, %get3A_238] : memref<1x8xf32, #tpu.memory_space<vmem>>, vector<1x8xf32>
      %dot_general3A_240 = arith.constant dense<0.000000e+00> : vector<1x120xf32>
      %dot_general3A_241 = tpu.matmul %get3A_239, %convert_element_type3A_231, %dot_general3A_240 {dimension_numbers = #tpu.dot_dimension_numbers<[1], [0], [0], [1], [0, 0, 1, 1], [], []>, transpose_lhs_hint = false} : vector<1x8xf32>, vector<8x120xf32>, vector<1x120xf32> -> vector<1x120xf32>
      %mul3A_242 = vector.broadcast %dot_general3A_236 : vector<1x120xf32> to vector<1024x120xf32>
      %mul3A_243 = arith.mulf %dot_general3A_205, %mul3A_242 : vector<1024x120xf32>
      %add3A_244 = vector.broadcast %dot_general3A_241 : vector<1x120xf32> to vector<1024x120xf32>
      %add3A_245 = arith.addf %mul3A_243, %add3A_244 : vector<1024x120xf32>
      %max3A = arith.constant 0.000000e+00 : f32
      %max3A_246 = vector.broadcast %max3A : f32 to vector<1024x120xf32>
      %max3A_247 = arith.maximumf %add3A_245, %max3A_246 : vector<1024x120xf32>
      %swap3A_248 = arith.constant 0 : index
      %swap3A_249 = arith.constant 0 : index
      %swap3A_250 = vector.load %arg9[%swap3A_248, %swap3A_249] : memref<1024x120xf32, #tpu.memory_space<vmem>>, vector<1024x120xf32>
      tpu.vector_store %arg9[%swap3A_248, %swap3A_249], %max3A_247 {strides = array<i32>} : memref<1024x120xf32, #tpu.memory_space<vmem>>, vector<1024x120xf32>,
      %broadcast_in_dim3A = arith.constant 0.000000e+00 : f32
      %broadcast_in_dim3A_251 = vector.broadcast %broadcast_in_dim3A : f32 to vector<1x1200xf32>
      %swap3A_252 = arith.constant 0 : index
      %swap3A_253 = arith.constant 0 : index
      %swap3A_254 = vector.load %arg10[%swap3A_252, %swap3A_253] : memref<1x1200xf32, #tpu.memory_space<vmem>>, vector<1x1200xf32>
      tpu.vector_store %arg10[%swap3A_252, %swap3A_253], %broadcast_in_dim3A_251 {strides = array<i32>} : memref<1x1200xf32, #tpu.memory_space<vmem>>, vector<1x1200xf32>,
      %broadcast_in_dim3A_255 = arith.constant 0.000000e+00 : f32
      %broadcast_in_dim3A_256 = vector.broadcast %broadcast_in_dim3A_255 : f32 to vector<1x6xf32>
      %swap3A_257 = arith.constant 0 : index
      %swap3A_258 = arith.constant 0 : index
      %swap3A_259 = vector.load %arg8[%swap3A_257, %swap3A_258] : memref<1x6xf32, #tpu.memory_space<vmem>>, vector<1x6xf32>
      tpu.vector_store %arg8[%swap3A_257, %swap3A_258], %broadcast_in_dim3A_256 {strides = array<i32>} : memref<1x6xf32, #tpu.memory_space<vmem>>, vector<1x6xf32>,
    } else {
    }
    %mul3A = arith.constant 16 : i32
    %mul3A_2 = arith.muli %arg0, %mul3A : i32
    %get3A = arith.index_cast %mul3A_2 : i32 to index
    %get3A_3 = arith.constant 0 : index
    %get3A_4 = vector.load %arg9[%get3A, %get3A_3] : memref<1024x120xf32, #tpu.memory_space<vmem>>, vector<16x120xf32>
    %get3A_5 = arith.constant 0 : index
    %get3A_6 = arith.constant 0 : index
    %get3A_7 = vector.load %arg10[%get3A_5, %get3A_6] : memref<1x1200xf32, #tpu.memory_space<vmem>>, vector<1x1200xf32>
    %slice3A = vector.extract_strided_slice %get3A_4 {offsets = [0, 0], sizes = [1, 120], strides = [1, 1]} : vector<16x120xf32> to vector<1x120xf32>
    %convert_element_type3A_8 = arith.truncf %slice3A : vector<1x120xf32> to vector<1x120xbf16>
    %get3A_9 = arith.constant 0 : index
    %get3A_10 = arith.constant 0 : index
    %get3A_11 = arith.constant 0 : index
    %get3A_12 = vector.load %arg4[%get3A_9, %get3A_10, %get3A_11] : memref<16x120x1200xbf16, #tpu.memory_space<vmem>>, vector<1x120x1200xbf16>
    %get3A_13 = vector.shape_cast %get3A_12 : vector<1x120x1200xbf16> to vector<120x1200xbf16>
    %dot_general3A = arith.constant dense<0.000000e+00> : vector<1x1200xf32>
    %dot_general3A_14 = tpu.matmul %convert_element_type3A_8, %get3A_13, %dot_general3A {dimension_numbers = #tpu.dot_dimension_numbers<[1], [0], [0], [1], [0, 0, 1, 1], [], []>, transpose_lhs_hint = false} : vector<1x120xbf16>, vector<120x1200xbf16>, vector<1x1200xf32> -> vector<1x1200xf32>
    %add3A = arith.addf %get3A_7, %dot_general3A_14 : vector<1x1200xf32>
    %slice3A_15 = vector.extract_strided_slice %get3A_4 {offsets = [1, 0], sizes = [1, 120], strides = [1, 1]} : vector<16x120xf32> to vector<1x120xf32>
    %convert_element_type3A_16 = arith.truncf %slice3A_15 : vector<1x120xf32> to vector<1x120xbf16>
    %get3A_17 = arith.constant 1 : index
    %get3A_18 = arith.constant 0 : index
    %get3A_19 = arith.constant 0 : index
    %get3A_20 = vector.load %arg4[%get3A_17, %get3A_18, %get3A_19] : memref<16x120x1200xbf16, #tpu.memory_space<vmem>>, vector<1x120x1200xbf16>
    %get3A_21 = vector.shape_cast %get3A_20 : vector<1x120x1200xbf16> to vector<120x1200xbf16>
    %dot_general3A_22 = arith.constant dense<0.000000e+00> : vector<1x1200xf32>
    %dot_general3A_23 = tpu.matmul %convert_element_type3A_16, %get3A_21, %dot_general3A_22 {dimension_numbers = #tpu.dot_dimension_numbers<[1], [0], [0], [1], [0, 0, 1, 1], [], []>, transpose_lhs_hint = false} : vector<1x120xbf16>, vector<120x1200xbf16>, vector<1x1200xf32> -> vector<1x1200xf32>
    %add3A_24 = arith.addf %add3A, %dot_general3A_23 : vector<1x1200xf32>
    %slice3A_25 = vector.extract_strided_slice %get3A_4 {offsets = [2, 0], sizes = [1, 120], strides = [1, 1]} : vector<16x120xf32> to vector<1x120xf32>
    %convert_element_type3A_26 = arith.truncf %slice3A_25 : vector<1x120xf32> to vector<1x120xbf16>
    %get3A_27 = arith.constant 2 : index
    %get3A_28 = arith.constant 0 : index
    %get3A_29 = arith.constant 0 : index
    %get3A_30 = vector.load %arg4[%get3A_27, %get3A_28, %get3A_29] : memref<16x120x1200xbf16, #tpu.memory_space<vmem>>, vector<1x120x1200xbf16>
    %get3A_31 = vector.shape_cast %get3A_30 : vector<1x120x1200xbf16> to vector<120x1200xbf16>
    %dot_general3A_32 = arith.constant dense<0.000000e+00> : vector<1x1200xf32>
    %dot_general3A_33 = tpu.matmul %convert_element_type3A_26, %get3A_31, %dot_general3A_32 {dimension_numbers = #tpu.dot_dimension_numbers<[1], [0], [0], [1], [0, 0, 1, 1], [], []>, transpose_lhs_hint = false} : vector<1x120xbf16>, vector<120x1200xbf16>, vector<1x1200xf32> -> vector<1x1200xf32>
    %add3A_34 = arith.addf %add3A_24, %dot_general3A_33 : vector<1x1200xf32>
    %slice3A_35 = vector.extract_strided_slice %get3A_4 {offsets = [3, 0], sizes = [1, 120], strides = [1, 1]} : vector<16x120xf32> to vector<1x120xf32>
    %convert_element_type3A_36 = arith.truncf %slice3A_35 : vector<1x120xf32> to vector<1x120xbf16>
    %get3A_37 = arith.constant 3 : index
    %get3A_38 = arith.constant 0 : index
    %get3A_39 = arith.constant 0 : index
    %get3A_40 = vector.load %arg4[%get3A_37, %get3A_38, %get3A_39] : memref<16x120x1200xbf16, #tpu.memory_space<vmem>>, vector<1x120x1200xbf16>
    %get3A_41 = vector.shape_cast %get3A_40 : vector<1x120x1200xbf16> to vector<120x1200xbf16>
    %dot_general3A_42 = arith.constant dense<0.000000e+00> : vector<1x1200xf32>
    %dot_general3A_43 = tpu.matmul %convert_element_type3A_36, %get3A_41, %dot_general3A_42 {dimension_numbers = #tpu.dot_dimension_numbers<[1], [0], [0], [1], [0, 0, 1, 1], [], []>, transpose_lhs_hint = false} : vector<1x120xbf16>, vector<120x1200xbf16>, vector<1x1200xf32> -> vector<1x1200xf32>
    %add3A_44 = arith.addf %add3A_34, %dot_general3A_43 : vector<1x1200xf32>
    %slice3A_45 = vector.extract_strided_slice %get3A_4 {offsets = [4, 0], sizes = [1, 120], strides = [1, 1]} : vector<16x120xf32> to vector<1x120xf32>
    %convert_element_type3A_46 = arith.truncf %slice3A_45 : vector<1x120xf32> to vector<1x120xbf16>
    %get3A_47 = arith.constant 4 : index
    %get3A_48 = arith.constant 0 : index
    %get3A_49 = arith.constant 0 : index
    %get3A_50 = vector.load %arg4[%get3A_47, %get3A_48, %get3A_49] : memref<16x120x1200xbf16, #tpu.memory_space<vmem>>, vector<1x120x1200xbf16>
    %get3A_51 = vector.shape_cast %get3A_50 : vector<1x120x1200xbf16> to vector<120x1200xbf16>
    %dot_general3A_52 = arith.constant dense<0.000000e+00> : vector<1x1200xf32>
    %dot_general3A_53 = tpu.matmul %convert_element_type3A_46, %get3A_51, %dot_general3A_52 {dimension_numbers = #tpu.dot_dimension_numbers<[1], [0], [0], [1], [0, 0, 1, 1], [], []>, transpose_lhs_hint = false} : vector<1x120xbf16>, vector<120x1200xbf16>, vector<1x1200xf32> -> vector<1x1200xf32>
    %add3A_54 = arith.addf %add3A_44, %dot_general3A_53 : vector<1x1200xf32>
    %slice3A_55 = vector.extract_strided_slice %get3A_4 {offsets = [5, 0], sizes = [1, 120], strides = [1, 1]} : vector<16x120xf32> to vector<1x120xf32>
    %convert_element_type3A_56 = arith.truncf %slice3A_55 : vector<1x120xf32> to vector<1x120xbf16>
    %get3A_57 = arith.constant 5 : index
    %get3A_58 = arith.constant 0 : index
    %get3A_59 = arith.constant 0 : index
    %get3A_60 = vector.load %arg4[%get3A_57, %get3A_58, %get3A_59] : memref<16x120x1200xbf16, #tpu.memory_space<vmem>>, vector<1x120x1200xbf16>
    %get3A_61 = vector.shape_cast %get3A_60 : vector<1x120x1200xbf16> to vector<120x1200xbf16>
    %dot_general3A_62 = arith.constant dense<0.000000e+00> : vector<1x1200xf32>
    %dot_general3A_63 = tpu.matmul %convert_element_type3A_56, %get3A_61, %dot_general3A_62 {dimension_numbers = #tpu.dot_dimension_numbers<[1], [0], [0], [1], [0, 0, 1, 1], [], []>, transpose_lhs_hint = false} : vector<1x120xbf16>, vector<120x1200xbf16>, vector<1x1200xf32> -> vector<1x1200xf32>
    %add3A_64 = arith.addf %add3A_54, %dot_general3A_63 : vector<1x1200xf32>
    %slice3A_65 = vector.extract_strided_slice %get3A_4 {offsets = [6, 0], sizes = [1, 120], strides = [1, 1]} : vector<16x120xf32> to vector<1x120xf32>
    %convert_element_type3A_66 = arith.truncf %slice3A_65 : vector<1x120xf32> to vector<1x120xbf16>
    %get3A_67 = arith.constant 6 : index
    %get3A_68 = arith.constant 0 : index
    %get3A_69 = arith.constant 0 : index
    %get3A_70 = vector.load %arg4[%get3A_67, %get3A_68, %get3A_69] : memref<16x120x1200xbf16, #tpu.memory_space<vmem>>, vector<1x120x1200xbf16>
    %get3A_71 = vector.shape_cast %get3A_70 : vector<1x120x1200xbf16> to vector<120x1200xbf16>
    %dot_general3A_72 = arith.constant dense<0.000000e+00> : vector<1x1200xf32>
    %dot_general3A_73 = tpu.matmul %convert_element_type3A_66, %get3A_71, %dot_general3A_72 {dimension_numbers = #tpu.dot_dimension_numbers<[1], [0], [0], [1], [0, 0, 1, 1], [], []>, transpose_lhs_hint = false} : vector<1x120xbf16>, vector<120x1200xbf16>, vector<1x1200xf32> -> vector<1x1200xf32>
    %add3A_74 = arith.addf %add3A_64, %dot_general3A_73 : vector<1x1200xf32>
    %slice3A_75 = vector.extract_strided_slice %get3A_4 {offsets = [7, 0], sizes = [1, 120], strides = [1, 1]} : vector<16x120xf32> to vector<1x120xf32>
    %convert_element_type3A_76 = arith.truncf %slice3A_75 : vector<1x120xf32> to vector<1x120xbf16>
    %get3A_77 = arith.constant 7 : index
    %get3A_78 = arith.constant 0 : index
    %get3A_79 = arith.constant 0 : index
    %get3A_80 = vector.load %arg4[%get3A_77, %get3A_78, %get3A_79] : memref<16x120x1200xbf16, #tpu.memory_space<vmem>>, vector<1x120x1200xbf16>
    %get3A_81 = vector.shape_cast %get3A_80 : vector<1x120x1200xbf16> to vector<120x1200xbf16>
    %dot_general3A_82 = arith.constant dense<0.000000e+00> : vector<1x1200xf32>
    %dot_general3A_83 = tpu.matmul %convert_element_type3A_76, %get3A_81, %dot_general3A_82 {dimension_numbers = #tpu.dot_dimension_numbers<[1], [0], [0], [1], [0, 0, 1, 1], [], []>, transpose_lhs_hint = false} : vector<1x120xbf16>, vector<120x1200xbf16>, vector<1x1200xf32> -> vector<1x1200xf32>
    %add3A_84 = arith.addf %add3A_74, %dot_general3A_83 : vector<1x1200xf32>
    %slice3A_85 = vector.extract_strided_slice %get3A_4 {offsets = [8, 0], sizes = [1, 120], strides = [1, 1]} : vector<16x120xf32> to vector<1x120xf32>
    %convert_element_type3A_86 = arith.truncf %slice3A_85 : vector<1x120xf32> to vector<1x120xbf16>
    %get3A_87 = arith.constant 8 : index
    %get3A_88 = arith.constant 0 : index
    %get3A_89 = arith.constant 0 : index
    %get3A_90 = vector.load %arg4[%get3A_87, %get3A_88, %get3A_89] : memref<16x120x1200xbf16, #tpu.memory_space<vmem>>, vector<1x120x1200xbf16>
    %get3A_91 = vector.shape_cast %get3A_90 : vector<1x120x1200xbf16> to vector<120x1200xbf16>
    %dot_general3A_92 = arith.constant dense<0.000000e+00> : vector<1x1200xf32>
    %dot_general3A_93 = tpu.matmul %convert_element_type3A_86, %get3A_91, %dot_general3A_92 {dimension_numbers = #tpu.dot_dimension_numbers<[1], [0], [0], [1], [0, 0, 1, 1], [], []>, transpose_lhs_hint = false} : vector<1x120xbf16>, vector<120x1200xbf16>, vector<1x1200xf32> -> vector<1x1200xf32>
    %add3A_94 = arith.addf %add3A_84, %dot_general3A_93 : vector<1x1200xf32>
    %slice3A_95 = vector.extract_strided_slice %get3A_4 {offsets = [9, 0], sizes = [1, 120], strides = [1, 1]} : vector<16x120xf32> to vector<1x120xf32>
    %convert_element_type3A_96 = arith.truncf %slice3A_95 : vector<1x120xf32> to vector<1x120xbf16>
    %get3A_97 = arith.constant 9 : index
    %get3A_98 = arith.constant 0 : index
    %get3A_99 = arith.constant 0 : index
    %get3A_100 = vector.load %arg4[%get3A_97, %get3A_98, %get3A_99] : memref<16x120x1200xbf16, #tpu.memory_space<vmem>>, vector<1x120x1200xbf16>
    %get3A_101 = vector.shape_cast %get3A_100 : vector<1x120x1200xbf16> to vector<120x1200xbf16>
    %dot_general3A_102 = arith.constant dense<0.000000e+00> : vector<1x1200xf32>
    %dot_general3A_103 = tpu.matmul %convert_element_type3A_96, %get3A_101, %dot_general3A_102 {dimension_numbers = #tpu.dot_dimension_numbers<[1], [0], [0], [1], [0, 0, 1, 1], [], []>, transpose_lhs_hint = false} : vector<1x120xbf16>, vector<120x1200xbf16>, vector<1x1200xf32> -> vector<1x1200xf32>
    %add3A_104 = arith.addf %add3A_94, %dot_general3A_103 : vector<1x1200xf32>
    %slice3A_105 = vector.extract_strided_slice %get3A_4 {offsets = [10, 0], sizes = [1, 120], strides = [1, 1]} : vector<16x120xf32> to vector<1x120xf32>
    %convert_element_type3A_106 = arith.truncf %slice3A_105 : vector<1x120xf32> to vector<1x120xbf16>
    %get3A_107 = arith.constant 10 : index
    %get3A_108 = arith.constant 0 : index
    %get3A_109 = arith.constant 0 : index
    %get3A_110 = vector.load %arg4[%get3A_107, %get3A_108, %get3A_109] : memref<16x120x1200xbf16, #tpu.memory_space<vmem>>, vector<1x120x1200xbf16>
    %get3A_111 = vector.shape_cast %get3A_110 : vector<1x120x1200xbf16> to vector<120x1200xbf16>
    %dot_general3A_112 = arith.constant dense<0.000000e+00> : vector<1x1200xf32>
    %dot_general3A_113 = tpu.matmul %convert_element_type3A_106, %get3A_111, %dot_general3A_112 {dimension_numbers = #tpu.dot_dimension_numbers<[1], [0], [0], [1], [0, 0, 1, 1], [], []>, transpose_lhs_hint = false} : vector<1x120xbf16>, vector<120x1200xbf16>, vector<1x1200xf32> -> vector<1x1200xf32>
    %add3A_114 = arith.addf %add3A_104, %dot_general3A_113 : vector<1x1200xf32>
    %slice3A_115 = vector.extract_strided_slice %get3A_4 {offsets = [11, 0], sizes = [1, 120], strides = [1, 1]} : vector<16x120xf32> to vector<1x120xf32>
    %convert_element_type3A_116 = arith.truncf %slice3A_115 : vector<1x120xf32> to vector<1x120xbf16>
    %get3A_117 = arith.constant 11 : index
    %get3A_118 = arith.constant 0 : index
    %get3A_119 = arith.constant 0 : index
    %get3A_120 = vector.load %arg4[%get3A_117, %get3A_118, %get3A_119] : memref<16x120x1200xbf16, #tpu.memory_space<vmem>>, vector<1x120x1200xbf16>
    %get3A_121 = vector.shape_cast %get3A_120 : vector<1x120x1200xbf16> to vector<120x1200xbf16>
    %dot_general3A_122 = arith.constant dense<0.000000e+00> : vector<1x1200xf32>
    %dot_general3A_123 = tpu.matmul %convert_element_type3A_116, %get3A_121, %dot_general3A_122 {dimension_numbers = #tpu.dot_dimension_numbers<[1], [0], [0], [1], [0, 0, 1, 1], [], []>, transpose_lhs_hint = false} : vector<1x120xbf16>, vector<120x1200xbf16>, vector<1x1200xf32> -> vector<1x1200xf32>
    %add3A_124 = arith.addf %add3A_114, %dot_general3A_123 : vector<1x1200xf32>
    %slice3A_125 = vector.extract_strided_slice %get3A_4 {offsets = [12, 0], sizes = [1, 120], strides = [1, 1]} : vector<16x120xf32> to vector<1x120xf32>
    %convert_element_type3A_126 = arith.truncf %slice3A_125 : vector<1x120xf32> to vector<1x120xbf16>
    %get3A_127 = arith.constant 12 : index
    %get3A_128 = arith.constant 0 : index
    %get3A_129 = arith.constant 0 : index
    %get3A_130 = vector.load %arg4[%get3A_127, %get3A_128, %get3A_129] : memref<16x120x1200xbf16, #tpu.memory_space<vmem>>, vector<1x120x1200xbf16>
    %get3A_131 = vector.shape_cast %get3A_130 : vector<1x120x1200xbf16> to vector<120x1200xbf16>
    %dot_general3A_132 = arith.constant dense<0.000000e+00> : vector<1x1200xf32>
    %dot_general3A_133 = tpu.matmul %convert_element_type3A_126, %get3A_131, %dot_general3A_132 {dimension_numbers = #tpu.dot_dimension_numbers<[1], [0], [0], [1], [0, 0, 1, 1], [], []>, transpose_lhs_hint = false} : vector<1x120xbf16>, vector<120x1200xbf16>, vector<1x1200xf32> -> vector<1x1200xf32>
    %add3A_134 = arith.addf %add3A_124, %dot_general3A_133 : vector<1x1200xf32>
    %slice3A_135 = vector.extract_strided_slice %get3A_4 {offsets = [13, 0], sizes = [1, 120], strides = [1, 1]} : vector<16x120xf32> to vector<1x120xf32>
    %convert_element_type3A_136 = arith.truncf %slice3A_135 : vector<1x120xf32> to vector<1x120xbf16>
    %get3A_137 = arith.constant 13 : index
    %get3A_138 = arith.constant 0 : index
    %get3A_139 = arith.constant 0 : index
    %get3A_140 = vector.load %arg4[%get3A_137, %get3A_138, %get3A_139] : memref<16x120x1200xbf16, #tpu.memory_space<vmem>>, vector<1x120x1200xbf16>
    %get3A_141 = vector.shape_cast %get3A_140 : vector<1x120x1200xbf16> to vector<120x1200xbf16>
    %dot_general3A_142 = arith.constant dense<0.000000e+00> : vector<1x1200xf32>
    %dot_general3A_143 = tpu.matmul %convert_element_type3A_136, %get3A_141, %dot_general3A_142 {dimension_numbers = #tpu.dot_dimension_numbers<[1], [0], [0], [1], [0, 0, 1, 1], [], []>, transpose_lhs_hint = false} : vector<1x120xbf16>, vector<120x1200xbf16>, vector<1x1200xf32> -> vector<1x1200xf32>
    %add3A_144 = arith.addf %add3A_134, %dot_general3A_143 : vector<1x1200xf32>
    %slice3A_145 = vector.extract_strided_slice %get3A_4 {offsets = [14, 0], sizes = [1, 120], strides = [1, 1]} : vector<16x120xf32> to vector<1x120xf32>
    %convert_element_type3A_146 = arith.truncf %slice3A_145 : vector<1x120xf32> to vector<1x120xbf16>
    %get3A_147 = arith.constant 14 : index
    %get3A_148 = arith.constant 0 : index
    %get3A_149 = arith.constant 0 : index
    %get3A_150 = vector.load %arg4[%get3A_147, %get3A_148, %get3A_149] : memref<16x120x1200xbf16, #tpu.memory_space<vmem>>, vector<1x120x1200xbf16>
    %get3A_151 = vector.shape_cast %get3A_150 : vector<1x120x1200xbf16> to vector<120x1200xbf16>
    %dot_general3A_152 = arith.constant dense<0.000000e+00> : vector<1x1200xf32>
    %dot_general3A_153 = tpu.matmul %convert_element_type3A_146, %get3A_151, %dot_general3A_152 {dimension_numbers = #tpu.dot_dimension_numbers<[1], [0], [0], [1], [0, 0, 1, 1], [], []>, transpose_lhs_hint = false} : vector<1x120xbf16>, vector<120x1200xbf16>, vector<1x1200xf32> -> vector<1x1200xf32>
    %add3A_154 = arith.addf %add3A_144, %dot_general3A_153 : vector<1x1200xf32>
    %slice3A_155 = vector.extract_strided_slice %get3A_4 {offsets = [15, 0], sizes = [1, 120], strides = [1, 1]} : vector<16x120xf32> to vector<1x120xf32>
    %convert_element_type3A_156 = arith.truncf %slice3A_155 : vector<1x120xf32> to vector<1x120xbf16>
    %get3A_157 = arith.constant 15 : index
    %get3A_158 = arith.constant 0 : index
    %get3A_159 = arith.constant 0 : index
    %get3A_160 = vector.load %arg4[%get3A_157, %get3A_158, %get3A_159] : memref<16x120x1200xbf16, #tpu.memory_space<vmem>>, vector<1x120x1200xbf16>
    %get3A_161 = vector.shape_cast %get3A_160 : vector<1x120x1200xbf16> to vector<120x1200xbf16>
    %dot_general3A_162 = arith.constant dense<0.000000e+00> : vector<1x1200xf32>
    %dot_general3A_163 = tpu.matmul %convert_element_type3A_156, %get3A_161, %dot_general3A_162 {dimension_numbers = #tpu.dot_dimension_numbers<[1], [0], [0], [1], [0, 0, 1, 1], [], []>, transpose_lhs_hint = false} : vector<1x120xbf16>, vector<120x1200xbf16>, vector<1x1200xf32> -> vector<1x1200xf32>
    %add3A_164 = arith.addf %add3A_154, %dot_general3A_163 : vector<1x1200xf32>
    %swap3A = arith.constant 0 : index
    %swap3A_165 = arith.constant 0 : index
    %swap3A_166 = vector.load %arg10[%swap3A, %swap3A_165] : memref<1x1200xf32, #tpu.memory_space<vmem>>, vector<1x1200xf32>
    tpu.vector_store %arg10[%swap3A, %swap3A_165], %add3A_164 {strides = array<i32>} : memref<1x1200xf32, #tpu.memory_space<vmem>>, vector<1x1200xf32>,
    %eq3A_167 = arith.constant 63 : i32
    %eq3A_168 = arith.cmpi eq, %arg0, %eq3A_167 : i32
    %convert_element_type3A_169 = arith.extui %eq3A_168 : i1 to i32
    %cond3A_170 = arith.constant 0 : i32
    %cond3A_171 = arith.cmpi ne, %convert_element_type3A_169, %cond3A_170 : i32
    scf.if %cond3A_171 {
      %get3A_172 = arith.constant 0 : index
      %get3A_173 = arith.constant 0 : index
      %get3A_174 = vector.load %arg10[%get3A_172, %get3A_173] : memref<1x1200xf32, #tpu.memory_space<vmem>>, vector<1x1200xf32>
      %get3A_175 = arith.constant 0 : index
      %get3A_176 = arith.constant 0 : index
      %get3A_177 = vector.load %arg5[%get3A_175, %get3A_176] : memref<1x1200xf32, #tpu.memory_space<vmem>>, vector<1x1200xf32>
      %add3A_178 = arith.addf %get3A_174, %get3A_177 : vector<1x1200xf32>
      %get3A_179 = arith.constant 0 : index
      %get3A_180 = arith.constant 0 : index
      %get3A_181 = vector.load %arg6[%get3A_179, %get3A_180] : memref<1200x6xf32, #tpu.memory_space<vmem>>, vector<1200x6xf32>
      %dot_general3A_182 = arith.constant dense<0.000000e+00> : vector<1x6xf32>
      %dot_general3A_183 = tpu.matmul %add3A_178, %get3A_181, %dot_general3A_182 {dimension_numbers = #tpu.dot_dimension_numbers<[1], [0], [0], [1], [0, 0, 1, 1], [], []>, transpose_lhs_hint = false} : vector<1x1200xf32>, vector<1200x6xf32>, vector<1x6xf32> -> vector<1x6xf32>
      %get3A_184 = arith.constant 0 : index
      %get3A_185 = arith.constant 0 : index
      %get3A_186 = vector.load %arg7[%get3A_184, %get3A_185] : memref<1x6xf32, #tpu.memory_space<vmem>>, vector<1x6xf32>
      %add3A_187 = arith.addf %dot_general3A_183, %get3A_186 : vector<1x6xf32>
      %reduce_max3A = arith.constant dense<0xFF800000> : vector<1xf32>
      %reduce_max3A_188 = vector.multi_reduction <maximumf>, %add3A_187, %reduce_max3A [1] : vector<1x6xf32> to vector<1xf32>
      %broadcast_in_dim3A = vector.shape_cast %reduce_max3A_188 : vector<1xf32> to vector<1x1xf32>
      %sub3A = vector.broadcast %broadcast_in_dim3A : vector<1x1xf32> to vector<1x6xf32>
      %sub3A_189 = arith.subf %add3A_187, %sub3A : vector<1x6xf32>
      %exp3A = math.exp %sub3A_189 : vector<1x6xf32>
      %reduce_sum3A = arith.constant dense<0.000000e+00> : vector<1xf32>
      %reduce_sum3A_190 = vector.multi_reduction <add>, %exp3A, %reduce_sum3A [1] : vector<1x6xf32> to vector<1xf32>
      %broadcast_in_dim3A_191 = vector.shape_cast %reduce_sum3A_190 : vector<1xf32> to vector<1x1xf32>
      %log3A = math.log %broadcast_in_dim3A_191 : vector<1x1xf32>
      %add3A_192 = arith.addf %log3A, %broadcast_in_dim3A : vector<1x1xf32>
      %sub3A_193 = vector.broadcast %add3A_192 : vector<1x1xf32> to vector<1x6xf32>
      %sub3A_194 = arith.subf %add3A_187, %sub3A_193 : vector<1x6xf32>
      %swap3A_195 = arith.constant 0 : index
      %swap3A_196 = arith.constant 0 : index
      %swap3A_197 = vector.load %arg8[%swap3A_195, %swap3A_196] : memref<1x6xf32, #tpu.memory_space<vmem>>, vector<1x6xf32>
      tpu.vector_store %arg8[%swap3A_195, %swap3A_196], %sub3A_194 {strides = array<i32>} : memref<1x6xf32, #tpu.memory_space<vmem>>, vector<1x6xf32>,
    } else {
    }
    return
  }
  func.func @transform_0(%arg0: i32) -> (i32, i32, i32) {
    %c0_i32 = arith.constant 0 : i32
    %c0_i32_0 = arith.constant 0 : i32
    %c0_i32_1 = arith.constant 0 : i32
    %c0_i32_2 = arith.constant 0 : i32
    return %c0_i32, %c0_i32_0, %c0_i32_1 : i32, i32, i32
  }
  func.func @transform_1(%arg0: i32) -> (i32, i32) {
    %c0_i32 = arith.constant 0 : i32
    %c0_i32_0 = arith.constant 0 : i32
    %c0_i32_1 = arith.constant 0 : i32
    return %c0_i32, %c0_i32_0 : i32, i32
  }
  func.func @transform_2(%arg0: i32) -> (i32, i32) {
    %c0_i32 = arith.constant 0 : i32
    %c0_i32_0 = arith.constant 0 : i32
    %c0_i32_1 = arith.constant 0 : i32
    return %c0_i32, %c0_i32_0 : i32, i32
  }
  func.func @transform_3(%arg0: i32) -> (i32, i32, i32) {
    %c0_i32 = arith.constant 0 : i32
    %c0_i32_0 = arith.constant 0 : i32
    %c0_i32_1 = arith.constant 0 : i32
    return %arg0, %c0_i32, %c0_i32_0 : i32, i32, i32
  }
  func.func @transform_4(%arg0: i32) -> (i32, i32) {
    %c0_i32 = arith.constant 0 : i32
    %c0_i32_0 = arith.constant 0 : i32
    %c0_i32_1 = arith.constant 0 : i32
    return %c0_i32, %c0_i32_0 : i32, i32
  }
  func.func @transform_5(%arg0: i32) -> (i32, i32) {
    %c0_i32 = arith.constant 0 : i32
    %c0_i32_0 = arith.constant 0 : i32
    %c0_i32_1 = arith.constant 0 : i32
    return %c0_i32, %c0_i32_0 : i32, i32
  }
  func.func @transform_6(%arg0: i32) -> (i32, i32) {
    %c0_i32 = arith.constant 0 : i32
    %c0_i32_0 = arith.constant 0 : i32
    %c0_i32_1 = arith.constant 0 : i32
    return %c0_i32, %c0_i32_0 : i32, i32
  }
  func.func @transform_7(%arg0: i32) -> (i32, i32) {
    %c0_i32 = arith.constant 0 : i32
    %c0_i32_0 = arith.constant 0 : i32
    %c0_i32_1 = arith.constant 0 : i32
    return %c0_i32, %c0_i32_0 : i32, i32
  }
}

</mosaic_0001>

<sc_bundles>
// kernel: _impl.6.cloned.1.call-start
scs
__scs_entry_jumppad:
0x0: {  	(pc) =	sbr.rel $0x88, $3  }
0x1: {  	(tag) =	ssettag $0x0;
	lr =	simm.s32 $0x1  }
0x2: {  	[smem:$0x3F99] =	sst lr;
	_ =	strace $0xD0000000  }
0x3: {  	_ = 	snop  }
0x4: {  	_ = 	snop  }
0x5: {  	_ = 	snop  }
0x6: {  	_ = 	snop  }
0x7: {  	_ = 	snop  }
__scs_overlays_trampoline_lowered:
0x8: {  	[smem:$0x3FA8] =	sst s0  }
0x9: {  	[smem:$0x3FA9] =	sst s1  }
0xa: {  	[smem:$0x3FAA] =	sst s2  }
0xb: {  	[smem:$0x3FAB] =	sst s3  }
0xc: {  	[smem:$0x3FAC] =	sst s4  }
0xd: {  	[smem:$0x3FAD] =	sst s5  }
0xe: {  	[smem:$0x3FAE] =	sst s6  }
0xf: {  	[smem:$0x3FAF] =	sst s7  }
0x10: {  	[smem:$0x3FB0] =	sst s8  }
0x11: {  	[smem:$0x3FB1] =	sst s9;
	s0 =	simm.s32 @!p0 $0x0  }
0x12: {  	s1 =	sld [smem:$0x3F97];
	s0 =	simm.s32 @p0 $0x1  }
0x13: {  	[smem:$0x3FB2] =	sst s0;
	s0 =	simm.s32 @!p1 $0x0  }
0x14: {  	s2 =	sld [smem:$0x3F96];
	s0 =	simm.s32 @p1 $0x1  }
0x15: {  	[smem:$0x3FB3] =	sst s0;
	s0 =	simm.s32 @!p2 $0x0  }
0x16: {  	s3 =	sld [smem:$0x3FDB];
	s0 =	simm.s32 @p2 $0x1  }
0x17: {  	s4 =	simm.s32 $0x1BF5;
	[smem:$0x3FB5] =	sst s0  }
0x18: {  	s0 =	sld [smem:$0x3F98];
	_ =	swait.ge [sflag:s4], $0x0  }
0x19: {  	s7 =	sld [smem:$0x3F99]  }
0x1a: {  	s8 =	sadd.s32 $0xFFFFE003, lr  }
0x1b: {  	s9 =	sadd.s32 $0xFFFFFEF7, lr;
	s5 =	simm.s32 $0xFFFFFFFF;
	p2 =	slt.u32 s8, $0xFFFFF086  }
0x1c: {  	p1 =	slt.u32 s9, $0xF7A;
	s5 =	simm.s32 @!p2 $0x0  }
0x1d: {  	s5 =	simm.s32 @p1 $0x1;
	p0 =	seq.s32 s7, s2  }
0x1e: {  	s7 =	smul.u32 @!p0 $0xF7A, s2;
	p2 =	seq.s32 @!p0 s5, $0x0  }
0x1f: {  	s9 =	smul.u32 $0xF7A, s1;
	s8 =	simm.s32 @!p0 $0x1BF5;
	p2 =	por !p2, p0  }
0x20: {  	[sflag:s8] =	ssyncset.s32 @!p0 $0xFFFFF086;
	s6 =	sadd.s32 @!p0 s3, s7;
	s7 =	simm.s32 @!p0 $0x108  }
0x21: {  	s3 =	sadd.s32 s3, s9;
	s6 =	sadd.s32 @!p0 $0x88, s6;
	s7 =	simm.s32 @p2 $0x1082  }
0x22: {  	[simem:s7], [sflag:s8] =	dma.local @!p0 [hbm:s6], $0xF7A  }
0x23: {  	s9 =	sor.u32 $0xD0000000, s2;
	s6 =	simm.s32 $0x108;
	_ =	swait.ge @!p0 [sflag:s8], $0x0  }
0x24: {  	s3 =	sadd.s32 $0x88, s3;
	s6 =	simm.s32 @!p1 $0x1082;
	[sflag:s4] =	ssyncset.s32 $0xFFFFF086  }
0x25: {  	[simem:s6], [sflag:s4] =	dma.local [hbm:s3], $0xF7A  }
0x26: {  	[smem:$0x3F99] =	sst s1;
	(tag) =	ssettag s2;
	_ =	strace s9  }
0x27: {  	s1 =	sld [smem:$0x3FA9]  }
0x28: {  	s2 =	sld [smem:$0x3FAA]  }
0x29: {  	s4 =	sld [smem:$0x3FAC]  }
0x2a: {  	p0 =	seq.s32 s5, $0x0;
	s5 =	sld [smem:$0x3FAD]  }
0x2b: {  	s6 =	sld [smem:$0x3FAE]  }
0x2c: {  	s7 =	sld [smem:$0x3FAF]  }
0x2d: {  	s3 =	simm.s32 $0x108;
	s8 =	sld [smem:$0x3FB0]  }
0x2e: {  	s3 =	simm.s32 @!p0 $0x1082;
	s9 =	sld [smem:$0x3FB1]  }
0x2f: {  	lr =	sadd.s32 s0, s3;
	s0 =	sld [smem:$0x3FA8]  }
0x30: {  	s3 =	sld [smem:$0x3FAB]  }
0x31: {  	[smem:$0x3FB4] =	sst s10  }
0x32: {  	s10 =	sld [smem:$0x3FB2];
	_ =	sdelay $0x3  }
0x33: {  	p0 =	seq.s32 s10, $0x1;
	s10 =	sld [smem:$0x3FB4];
	_ =	sdelay $0x3  }
0x34: {  	[smem:$0x3FB4] =	sst s10  }
0x35: {  	s10 =	sld [smem:$0x3FB3];
	_ =	sdelay $0x3  }
0x36: {  	p1 =	seq.s32 s10, $0x1;
	s10 =	sld [smem:$0x3FB4];
	_ =	sdelay $0x3  }
0x37: {  	[smem:$0x3FB4] =	sst s10  }
0x38: {  	s10 =	sld [smem:$0x3FB5]  }
0x39: {  	_ = 	snop;
	(pc) =	sbr.ind lr, $3  }
0x3a: {  	_ = 	snop  }
0x3b: {  	_ = 	snop  }
0x3c: {  	p2 =	seq.s32 s10, $0x1;
	s10 =	sld [smem:$0x3FB4]  }
0x3d: {  	_ =	shalt  }
0x3e: {  	_ =	shalt  }
0x3f: {  	_ =	shalt  }
0x40: {  	_ =	shalt  }
0x41: {  	_ =	shalt  }
0x42: {  	_ =	shalt  }
0x43: {  	_ =	shalt  }
0x44: {  	_ =	shalt  }
0x45: {  	_ =	shalt  }
0x46: {  	_ =	shalt  }
0x47: {  	_ =	shalt  }
0x48: {  	_ =	shalt  }
0x49: {  	_ =	shalt  }
0x4a: {  	_ =	shalt  }
0x4b: {  	_ =	shalt  }
0x4c: {  	_ =	shalt  }
0x4d: {  	_ =	shalt  }
0x4e: {  	_ =	shalt  }
0x4f: {  	_ =	shalt  }
0x50: {  	_ =	shalt  }
0x51: {  	_ =	shalt  }
0x52: {  	_ =	shalt  }
0x53: {  	_ =	shalt  }
0x54: {  	_ =	shalt  }
0x55: {  	_ =	shalt  }
0x56: {  	_ =	shalt  }
0x57: {  	_ =	shalt  }
0x58: {  	_ =	shalt  }
0x59: {  	_ =	shalt  }
0x5a: {  	_ =	shalt  }
0x5b: {  	_ =	shalt  }
0x5c: {  	_ =	shalt  }
0x5d: {  	_ =	shalt  }
0x5e: {  	_ =	shalt  }
0x5f: {  	_ =	shalt  }
0x60: {  	_ =	shalt  }
0x61: {  	_ =	shalt  }
0x62: {  	_ =	shalt  }
0x63: {  	_ =	shalt  }
0x64: {  	_ =	shalt  }
0x65: {  	_ =	shalt  }
0x66: {  	_ =	shalt  }
0x67: {  	_ =	shalt  }
0x68: {  	_ =	shalt  }
0x69: {  	_ =	shalt  }
0x6a: {  	_ =	shalt  }
0x6b: {  	_ =	shalt  }
0x6c: {  	_ =	shalt  }
0x6d: {  	_ =	shalt  }
0x6e: {  	_ =	shalt  }
0x6f: {  	_ =	shalt  }
0x70: {  	_ =	shalt  }
0x71: {  	_ =	shalt  }
0x72: {  	_ =	shalt  }
0x73: {  	_ =	shalt  }
0x74: {  	_ =	shalt  }
0x75: {  	_ =	shalt  }
0x76: {  	_ =	shalt  }
0x77: {  	_ =	shalt  }
0x78: {  	_ =	shalt  }
0x79: {  	_ =	shalt  }
0x7a: {  	_ =	shalt  }
0x7b: {  	_ =	shalt  }
0x7c: {  	_ =	shalt  }
0x7d: {  	_ =	shalt  }
0x7e: {  	_ =	shalt  }
0x7f: {  	_ =	shalt  }
0x80: {  	_ =	shalt  }
0x81: {  	_ =	shalt  }
0x82: {  	_ =	shalt  }
0x83: {  	_ =	shalt  }
0x84: {  	_ =	shalt  }
0x85: {  	_ =	shalt  }
0x86: {  	_ =	shalt  }
0x87: {  	_ =	shalt  }
.Lfunc_end0:
.L_simem_size_0:
called_computation.1_lowered:
.L_overlay_start_0:
0x88: {  	s2 =	sld [smem:$0x3FD9]  }
0x89: {  	s3 =	sld [smem:$0x3FFE];
	_ =	sdelay $0x1  }
0x8a: {  	s1 =	srdreg.scid  }
0x8b: {  	s0 =	sand.u32 $0x1, s1  }
0x8c: {  	s16 =	sshll.u32 s0, $0xA;
	s2 =	sadd.s32 s3, s2  }
0x8d: {  	s2 =	sadd.s32 s2, s16  }
0x8e: {  	[smem:$0x3FC0] =	sst s2  }
0x8f: {  	_ = 	snop  }
0x90: {  	(tm) =	ssettm $0x1  }
0x91: {  	s17 =	sld [smem:$0x3FFB];
	_ =	sdelay $0x3  }
0x92: {  	_ =	strace s17  }
0x93: {  	s2 =	sld [smem:$0x3FFC];
	_ =	sdelay $0x3  }
0x94: {  	_ =	strace s2  }
0x95: {  	s2 =	sld [smem:$0x3FFD];
	_ =	sdelay $0x3  }
0x96: {  	_ =	strace s2  }
0x97: {  	_ =	strace $0x8FFFFFFF  }
0x98: {  	s18 =	sld [smem:$0x3FDB];
	_ =	sdelay $0x1  }
0x99: {  	s19 =	simm.s32 $_scs_section_size  }
0x9a: {  	s4 =	simm.s32 $_size__tile_overlayer_lowered;
	s5 =	simm.s32 $_tile_overlayer_lowered  }
0x9b: {  	s22 =	simm.s32 $0x1BFF;
	s21 =	sshll.u32 s5, $0x1;
	s2 =	sadd.s32 s19, s18  }
0x9c: {  	s6 =	simm.s32 $0x0;
	s20 =	sshll.u32 s4, $0x1;
	s4 =	sadd.s32 s21, s2  }
0x9d: {  	[timem:s6], [sflag:s22] =	dma.local [hbm:s4], s20  }
0x9e: {  	_ =	swait.ge [sflag:s22], s20  }
0x9f: {  	s3 =	ssub.s32 $0x0, s20;
	[sflag:s22] =	ssyncset.done $0x0  }
0xa0: {  	[sflag:s22] =	ssyncadd.s32 s3;
	_ =	sdelay $0x1  }
0xa1: {  	s23 =	simm.s32 $0x1B8B  }
0xa2: {  	_ =	swait.ge [sflag:s23], $0x1  }
0xa3: {  	[sflag:s23] =	ssyncset.done $0x0  }
0xa4: {  	s25 =	simm.s32 $0x1B8E;
	s24 =	sld [smem:$0x3FFE];
	[sflag:s23] =	ssyncadd.s32 $0xFFFFFFFF  }
0xa5: {  	s26 =	simm.s32 $execute0_lowered;
	[smem:$0x3FD2] =	sst s25  }
0xa6: {  	s4 =	sshll.u32 s26, $0x1;
	_ =	strace $0x80000046;
	[dreg:$0x1] =	wrdreg $0xFFFFFFFF  }
0xa7: {  	s28 =	simm.s32 $_size_execute0_lowered;
	s2 =	sadd.s32 s2, s4;
	[dreg:$0x0] =	wrdreg $0x0  }
0xa8: {  	s4 =	sshll.u32 s28, $0x1;
	[dreg:$0x2] =	wrdreg s2  }
0xa9: {  	[dreg:$0x3] =	wrdreg s4  }
0xaa: {  	[dreg:$0x4] =	wrdreg $0xC0  }
0xab: {  	_ =	task [dreg:s6], $0x5FFFF  }
0xac: {  	[dreg:$0x1] =	wrdreg $0xFFFFFFFF  }
0xad: {  	[dreg:$0x0] =	wrdreg $0x60  }
0xae: {  	[dreg:$0x2] =	wrdreg s24  }
0xaf: {  	[dreg:$0x3] =	wrdreg $0x9  }
0xb0: {  	_ =	task.clear_ibuf [dreg:s6], $0x4FFFF;
	_ =	strace $0x90000046  }
0xb1: {  	s29 =	simm.s32 $0x9;
	_ =	strace $0x80000048  }
0xb2: {  	_ =	swait.ge [sflag:s29], $0x1  }
0xb3: {  	[sflag:s29] =	ssyncadd.s32 $0xFFFFFFFF  }
0xb4: {  	_ =	strace $0x90000048  }
0xb5: {  	_ =	sfence  }
0xb6: {  	s30 =	sld [smem:$0x0];
	_ =	sdelay $0x2  }
0xb7: {  	s31 =	sshll.u32 s1, $0xD;
	s1 =	sshrl.u32 s1, $0x2  }
0xb8: {  	s3 =	sand.u32 $0x4000, s31;
	s1 =	sadd.s32 s1, s30  }
0xb9: {  	s0 =	sor.u32 s3, s0;
	s1 =	sshll.u32 s1, $0x11  }
0xba: {  	s0 =	sor.u32 s1, s0  }
0xbb: {  	s0 =	sadd.s32 $0x8F2B, s0  }
0xbc: {  	[sflag:s0] =	ssyncadd.remote.s32 $0x1  }
0xbd: {  	_ =	sfence.sel $0xFFFF  }
0xbe: {  	[dreg:$0x0] =	wrdreg $0xFFFFFFFF;
	(pc) =	sbr.abs _section_cstart, $3  }
0xbf: {  	[dreg:$0x1] =	wrdreg $0xFFFFFFFF  }
0xc0: {  	_ =	task.clear_ibuf [dreg:s6], $0x2FFFF;
	_ =	strace $0x9FFFFFFF  }
0xc1: {  	(tm) =	ssettm $0x7FFFFFFF  }
tec
execute0_lowered:
.L_overlay_start_1:
0x0: {  	(tag) =	ssettag $0x1  }
0x1: {  	s3 =	rddreg [dreg:$0x0]  }
0x2: {  	s0 =	rddreg [dreg:$0x1]  }
0x3: {  	s2 =	simm.s32 $0x0;
	s4 =	srdreg.scid;
	s1 =	stileid.u32  }
0x4: {  	s8 =	simm.s32 $0x1;
	s9 =	simm.s32 $0x800;
	s10 =	simm.s32 $0x0  }
0x5: {  	[smem:$0x7FF] =	sst s2;
	s4 =	sand.u32 $0x1, s4;
	s5 =	sshll.u32 s1, $0x8  }
0x6: {  	s6 =	sshrl.u32 s1, $0x2;
	s7 =	sshll.u32 s4, $0x7;
	s5 =	sand.u32 $0x300, s5  }
0x7: {  	s28 =	sshll.u32 s6, $0xE;
	s6 =	sshll.u32 s6, $0x11;
	s5 =	sor.u32 s7, s5  }
0x8: {  	_ =	strace $0x80000047;
	s4 =	ssub.s32 $0x2, s4;
	s7 =	sor.u32 s28, s5  }
0x9: {  	s30 =	sshrl.u32 s4, $0x1;
	s5 =	sor.u32 s6, s5;
	s29 =	sshrl.u32 s7, $0x3  }
0xa: {  	s31 =	ssub.s32 s4, s30;
	s5 =	sshrl.u32 s5, $0x3;
	s6 =	sadd.s32 s29, s3  }
0xb: {  	s7 =	simm.s32 $0x400;
	s5 =	sadd.s32 s5, s3;
	s3 =	sadd.s32 $0xE00, s6  }
0xc: {  	v0 =	vimm.f32 $0.0e+00;
	s4 =	sadd.s32 $0x2E00, s5;
	s5 =	smax.u32 s31, $0x1;
	s6 =	simm.s32 $0x80  }
.LBB2_1:
0xd: {  	[tilespmem:s2], [sflag:$0x1] =	stream.strided.gather [hbm4b:s3+s6], $0x800, s7, s6, $0x38;
	[tilespmem:$0x4800] =	vst v63  }
0xe: {  	_ =	swait.ge [sflag:s8], $0x800  }
0xf: {  	[sflag:s8] =	ssyncset.done $0x0  }
0x10: {  	s11 =	simm.s32 $0x0;
	[sflag:s8] =	ssyncadd.s32 $0xFFFFF800  }
.LBB2_2:
0x11: {  	p0 =	sne.s32 s11, $0xFFC0  }
.Ltmp0:
0x12: {  	_ = 	snop;
	(pc) =	sbr.rel @p0 .LBB2_2-.Ltmp0, $3  }
0x13: {  	_ =	sdelay $0x1  }
0x14: {  	s12 =	sshra.s32 s11, $0x2  }
0x15: {  	s11 =	sadd.s32 $0x40, s11;
	[tilespmem:s12+$0x800] =	vst v0  }
0x16: {  	s11 =	simm.s32 $0x0  }
0x17: {  	v1 =	vld [tilespmem:s11+$0x0];
	_ =	sdelay $0x4  }
0x18: {  	v1 =	vshll.u32 v1, $0x6  }
0x19: {  	v1 =	vshra.s32 v1, $0x2  }
0x1a: {  	v1 =	vadd.s32 $0x800, v1  }
0x1b: {  	(v2sf) =	vpush v1, $0x0;
	_ =	sdelay $0x7  }
0x1c: {  	(v2sf) =	vpush v1, $0x1;
	_ =	sdelay $0x6  }
0x1d: {  	s16 =	spop (v2sf)  }
0x1e: {  	(v2sf) =	vpush v1, $0x2;
	v2 =	vld [tilespmem:s16+$0x0];
	_ =	sdelay $0x4  }
0x1f: {  	v2 =	vadd.f32 $1.000000000e+00, v2;
	_ =	sdelay $0x1  }
0x20: {  	s17 =	spop (v2sf);
	[tilespmem:s16+$0x0] =	vst v2  }
0x21: {  	(v2sf) =	vpush v1, $0x3;
	v2 =	vld [tilespmem:s17+$0x0];
	_ =	sdelay $0x4  }
0x22: {  	v2 =	vadd.f32 $1.000000000e+00, v2;
	_ =	sdelay $0x1  }
0x23: {  	s18 =	spop (v2sf);
	[tilespmem:s17+$0x0] =	vst v2  }
0x24: {  	(v2sf) =	vpush v1, $0x4;
	v2 =	vld [tilespmem:s18+$0x0];
	_ =	sdelay $0x4  }
0x25: {  	v2 =	vadd.f32 $1.000000000e+00, v2;
	_ =	sdelay $0x1  }
0x26: {  	s19 =	spop (v2sf);
	[tilespmem:s18+$0x0] =	vst v2  }
0x27: {  	(v2sf) =	vpush v1, $0x5;
	v2 =	vld [tilespmem:s19+$0x0];
	_ =	sdelay $0x4  }
0x28: {  	v2 =	vadd.f32 $1.000000000e+00, v2;
	_ =	sdelay $0x1  }
0x29: {  	s20 =	spop (v2sf);
	[tilespmem:s19+$0x0] =	vst v2  }
0x2a: {  	(v2sf) =	vpush v1, $0x6;
	v2 =	vld [tilespmem:s20+$0x0];
	_ =	sdelay $0x4  }
0x2b: {  	v2 =	vadd.f32 $1.000000000e+00, v2;
	_ =	sdelay $0x1  }
0x2c: {  	s21 =	spop (v2sf);
	[tilespmem:s20+$0x0] =	vst v2  }
0x2d: {  	(v2sf) =	vpush v1, $0x7;
	v2 =	vld [tilespmem:s21+$0x0];
	_ =	sdelay $0x4  }
0x2e: {  	v2 =	vadd.f32 $1.000000000e+00, v2;
	_ =	sdelay $0x1  }
0x2f: {  	s22 =	spop (v2sf);
	[tilespmem:s21+$0x0] =	vst v2  }
0x30: {  	(v2sf) =	vpush v1, $0x8;
	v2 =	vld [tilespmem:s22+$0x0];
	_ =	sdelay $0x4  }
0x31: {  	v2 =	vadd.f32 $1.000000000e+00, v2;
	_ =	sdelay $0x1  }
0x32: {  	s23 =	spop (v2sf);
	[tilespmem:s22+$0x0] =	vst v2  }
0x33: {  	(v2sf) =	vpush v1, $0x9;
	v2 =	vld [tilespmem:s23+$0x0];
	_ =	sdelay $0x4  }
0x34: {  	v2 =	vadd.f32 $1.000000000e+00, v2;
	_ =	sdelay $0x1  }
0x35: {  	s24 =	spop (v2sf);
	[tilespmem:s23+$0x0] =	vst v2  }
0x36: {  	(v2sf) =	vpush v1, $0xA;
	v2 =	vld [tilespmem:s24+$0x0];
	_ =	sdelay $0x4  }
0x37: {  	v2 =	vadd.f32 $1.000000000e+00, v2;
	_ =	sdelay $0x1  }
0x38: {  	s25 =	spop (v2sf);
	[tilespmem:s24+$0x0] =	vst v2  }
0x39: {  	(v2sf) =	vpush v1, $0xB;
	v2 =	vld [tilespmem:s25+$0x0];
	_ =	sdelay $0x4  }
0x3a: {  	v2 =	vadd.f32 $1.000000000e+00, v2;
	_ =	sdelay $0x1  }
0x3b: {  	s26 =	spop (v2sf);
	[tilespmem:s25+$0x0] =	vst v2  }
0x3c: {  	(v2sf) =	vpush v1, $0xC;
	v2 =	vld [tilespmem:s26+$0x0];
	_ =	sdelay $0x4  }
0x3d: {  	v2 =	vadd.f32 $1.000000000e+00, v2;
	_ =	sdelay $0x1  }
0x3e: {  	s28 =	spop (v2sf);
	[tilespmem:s26+$0x0] =	vst v2  }
0x3f: {  	(v2sf) =	vpush v1, $0xD;
	v2 =	vld [tilespmem:s28+$0x0];
	_ =	sdelay $0x4  }
0x40: {  	v2 =	vadd.f32 $1.000000000e+00, v2;
	_ =	sdelay $0x1  }
0x41: {  	s29 =	spop (v2sf);
	[tilespmem:s28+$0x0] =	vst v2  }
0x42: {  	(v2sf) =	vpush v1, $0xE;
	v2 =	vld [tilespmem:s29+$0x0];
	_ =	sdelay $0x4  }
0x43: {  	v2 =	vadd.f32 $1.000000000e+00, v2;
	_ =	sdelay $0x1  }
0x44: {  	s30 =	spop (v2sf);
	[tilespmem:s29+$0x0] =	vst v2  }
0x45: {  	(v2sf) =	vpush v1, $0xF;
	v2 =	vld [tilespmem:s30+$0x0];
	_ =	sdelay $0x4  }
0x46: {  	v1 =	vadd.f32 $1.000000000e+00, v2;
	_ =	sdelay $0x1  }
0x47: {  	s31 =	spop (v2sf);
	[tilespmem:s30+$0x0] =	vst v1  }
0x48: {  	v1 =	vld [tilespmem:s31+$0x0];
	_ =	sdelay $0x4  }
0x49: {  	v1 =	vadd.f32 $1.000000000e+00, v1;
	_ =	sdelay $0x1  }
0x4a: {  	s13 =	spop (v2sf);
	[tilespmem:s31+$0x0] =	vst v1  }
0x4b: {  	v1 =	vld [tilespmem:s13+$0x0];
	_ =	sdelay $0x4  }
0x4c: {  	s12 =	simm.s32 $0x80;
	s11 =	simm.s32 $0x40;
	v1 =	vadd.f32 $1.000000000e+00, v1  }
.LBB2_4:
0x4d: {  	p0 =	sne.s32 s12, $0x1FC0  }
0x4e: {  	s14 =	sshra.s32 s11, $0x2;
	s11 =	smov.u32 s12;
	s12 =	sadd.s32 $0x40, s12;
	[tilespmem:s13+$0x0] =	vst v1  }
0x4f: {  	v1 =	vld [tilespmem:s14+$0x0];
	_ =	sdelay $0x4  }
0x50: {  	v1 =	vshll.u32 v1, $0x6  }
0x51: {  	v1 =	vshra.s32 v1, $0x2  }
0x52: {  	v1 =	vadd.s32 $0x800, v1  }
0x53: {  	(v2sf) =	vpush v1, $0x0;
	_ =	sdelay $0x7  }
0x54: {  	(v2sf) =	vpush v1, $0x1;
	_ =	sdelay $0x6  }
0x55: {  	s13 =	spop (v2sf)  }
0x56: {  	v2 =	vld [tilespmem:s13+$0x0];
	(v2sf) =	vpush v1, $0x2;
	_ =	sdelay $0x4  }
0x57: {  	v2 =	vadd.f32 $1.000000000e+00, v2;
	_ =	sdelay $0x1  }
0x58: {  	[tilespmem:s13+$0x0] =	vst v2;
	s13 =	spop (v2sf)  }
0x59: {  	v2 =	vld [tilespmem:s13+$0x0];
	(v2sf) =	vpush v1, $0x3;
	_ =	sdelay $0x4  }
0x5a: {  	v2 =	vadd.f32 $1.000000000e+00, v2;
	_ =	sdelay $0x1  }
0x5b: {  	[tilespmem:s13+$0x0] =	vst v2;
	s13 =	spop (v2sf)  }
0x5c: {  	v2 =	vld [tilespmem:s13+$0x0];
	(v2sf) =	vpush v1, $0x4;
	_ =	sdelay $0x4  }
0x5d: {  	v2 =	vadd.f32 $1.000000000e+00, v2;
	_ =	sdelay $0x1  }
0x5e: {  	[tilespmem:s13+$0x0] =	vst v2;
	s13 =	spop (v2sf)  }
0x5f: {  	v2 =	vld [tilespmem:s13+$0x0];
	(v2sf) =	vpush v1, $0x5;
	_ =	sdelay $0x4  }
0x60: {  	v2 =	vadd.f32 $1.000000000e+00, v2;
	_ =	sdelay $0x1  }
0x61: {  	[tilespmem:s13+$0x0] =	vst v2;
	s13 =	spop (v2sf)  }
0x62: {  	v2 =	vld [tilespmem:s13+$0x0];
	(v2sf) =	vpush v1, $0x6;
	_ =	sdelay $0x4  }
0x63: {  	v2 =	vadd.f32 $1.000000000e+00, v2;
	_ =	sdelay $0x1  }
0x64: {  	[tilespmem:s13+$0x0] =	vst v2;
	s13 =	spop (v2sf)  }
0x65: {  	v2 =	vld [tilespmem:s13+$0x0];
	(v2sf) =	vpush v1, $0x7;
	_ =	sdelay $0x4  }
0x66: {  	v2 =	vadd.f32 $1.000000000e+00, v2;
	_ =	sdelay $0x1  }
0x67: {  	[tilespmem:s13+$0x0] =	vst v2;
	s13 =	spop (v2sf)  }
0x68: {  	v2 =	vld [tilespmem:s13+$0x0];
	(v2sf) =	vpush v1, $0x8;
	_ =	sdelay $0x4  }
0x69: {  	v2 =	vadd.f32 $1.000000000e+00, v2;
	_ =	sdelay $0x1  }
0x6a: {  	[tilespmem:s13+$0x0] =	vst v2;
	s13 =	spop (v2sf)  }
0x6b: {  	v2 =	vld [tilespmem:s13+$0x0];
	(v2sf) =	vpush v1, $0x9;
	_ =	sdelay $0x4  }
0x6c: {  	v2 =	vadd.f32 $1.000000000e+00, v2;
	_ =	sdelay $0x1  }
0x6d: {  	[tilespmem:s13+$0x0] =	vst v2;
	s13 =	spop (v2sf)  }
0x6e: {  	v2 =	vld [tilespmem:s13+$0x0];
	(v2sf) =	vpush v1, $0xA;
	_ =	sdelay $0x4  }
0x6f: {  	v2 =	vadd.f32 $1.000000000e+00, v2;
	_ =	sdelay $0x1  }
0x70: {  	[tilespmem:s13+$0x0] =	vst v2;
	s13 =	spop (v2sf)  }
0x71: {  	v2 =	vld [tilespmem:s13+$0x0];
	(v2sf) =	vpush v1, $0xB;
	_ =	sdelay $0x4  }
0x72: {  	v2 =	vadd.f32 $1.000000000e+00, v2;
	_ =	sdelay $0x1  }
0x73: {  	[tilespmem:s13+$0x0] =	vst v2;
	s13 =	spop (v2sf)  }
0x74: {  	v2 =	vld [tilespmem:s13+$0x0];
	(v2sf) =	vpush v1, $0xC;
	_ =	sdelay $0x4  }
0x75: {  	v2 =	vadd.f32 $1.000000000e+00, v2;
	_ =	sdelay $0x1  }
0x76: {  	[tilespmem:s13+$0x0] =	vst v2;
	s13 =	spop (v2sf)  }
0x77: {  	v2 =	vld [tilespmem:s13+$0x0];
	(v2sf) =	vpush v1, $0xD;
	_ =	sdelay $0x4  }
0x78: {  	v2 =	vadd.f32 $1.000000000e+00, v2;
	_ =	sdelay $0x1  }
0x79: {  	[tilespmem:s13+$0x0] =	vst v2;
	s13 =	spop (v2sf)  }
0x7a: {  	v2 =	vld [tilespmem:s13+$0x0];
	(v2sf) =	vpush v1, $0xE;
	_ =	sdelay $0x4  }
0x7b: {  	v2 =	vadd.f32 $1.000000000e+00, v2;
	_ =	sdelay $0x1  }
0x7c: {  	[tilespmem:s13+$0x0] =	vst v2;
	s13 =	spop (v2sf)  }
0x7d: {  	v2 =	vld [tilespmem:s13+$0x0];
	(v2sf) =	vpush v1, $0xF;
	_ =	sdelay $0x4  }
0x7e: {  	v1 =	vadd.f32 $1.000000000e+00, v2;
	_ =	sdelay $0x1  }
0x7f: {  	[tilespmem:s13+$0x0] =	vst v1;
	s13 =	spop (v2sf)  }
0x80: {  	v1 =	vld [tilespmem:s13+$0x0];
	_ =	sdelay $0x4  }
0x81: {  	v1 =	vadd.f32 $1.000000000e+00, v1;
	_ =	sdelay $0x1  }
0x82: {  	[tilespmem:s13+$0x0] =	vst v1;
	s13 =	spop (v2sf)  }
0x83: {  	v1 =	vld [tilespmem:s13+$0x0]  }
.Ltmp1:
0x84: {  	(pc) =	sbr.rel @p0 .LBB2_4-.Ltmp1, $2  }
0x85: {  	_ =	sdelay $0x2  }
0x86: {  	v1 =	vadd.f32 $1.000000000e+00, v1  }
0x87: {  	_ = 	snop  }
0x88: {  	s11 =	sshra.s32 s11, $0x2;
	[tilespmem:s13+$0x0] =	vst v1  }
0x89: {  	v1 =	vld [tilespmem:s11+$0x0];
	_ =	sdelay $0x4  }
0x8a: {  	v1 =	vshll.u32 v1, $0x6  }
0x8b: {  	v1 =	vshra.s32 v1, $0x2  }
0x8c: {  	v1 =	vadd.s32 $0x800, v1  }
0x8d: {  	(v2sf) =	vpush v1, $0x0;
	_ =	sdelay $0x7  }
0x8e: {  	(v2sf) =	vpush v1, $0x1;
	_ =	sdelay $0x6  }
0x8f: {  	s15 =	spop (v2sf)  }
0x90: {  	(v2sf) =	vpush v1, $0x2;
	v2 =	vld [tilespmem:s15+$0x0];
	_ =	sdelay $0x4  }
0x91: {  	v2 =	vadd.f32 $1.000000000e+00, v2;
	_ =	sdelay $0x1  }
0x92: {  	s16 =	spop (v2sf);
	[tilespmem:s15+$0x0] =	vst v2  }
0x93: {  	(v2sf) =	vpush v1, $0x3;
	v2 =	vld [tilespmem:s16+$0x0];
	_ =	sdelay $0x4  }
0x94: {  	v2 =	vadd.f32 $1.000000000e+00, v2;
	_ =	sdelay $0x1  }
0x95: {  	s17 =	spop (v2sf);
	[tilespmem:s16+$0x0] =	vst v2  }
0x96: {  	(v2sf) =	vpush v1, $0x4;
	v2 =	vld [tilespmem:s17+$0x0];
	_ =	sdelay $0x4  }
0x97: {  	v2 =	vadd.f32 $1.000000000e+00, v2;
	_ =	sdelay $0x1  }
0x98: {  	s18 =	spop (v2sf);
	[tilespmem:s17+$0x0] =	vst v2  }
0x99: {  	(v2sf) =	vpush v1, $0x5;
	v2 =	vld [tilespmem:s18+$0x0];
	_ =	sdelay $0x4  }
0x9a: {  	v2 =	vadd.f32 $1.000000000e+00, v2;
	_ =	sdelay $0x1  }
0x9b: {  	s19 =	spop (v2sf);
	[tilespmem:s18+$0x0] =	vst v2  }
0x9c: {  	(v2sf) =	vpush v1, $0x6;
	v2 =	vld [tilespmem:s19+$0x0];
	_ =	sdelay $0x4  }
0x9d: {  	v2 =	vadd.f32 $1.000000000e+00, v2;
	_ =	sdelay $0x1  }
0x9e: {  	s20 =	spop (v2sf);
	[tilespmem:s19+$0x0] =	vst v2  }
0x9f: {  	(v2sf) =	vpush v1, $0x7;
	v2 =	vld [tilespmem:s20+$0x0];
	_ =	sdelay $0x4  }
0xa0: {  	v2 =	vadd.f32 $1.000000000e+00, v2;
	_ =	sdelay $0x1  }
0xa1: {  	s21 =	spop (v2sf);
	[tilespmem:s20+$0x0] =	vst v2  }
0xa2: {  	(v2sf) =	vpush v1, $0x8;
	v2 =	vld [tilespmem:s21+$0x0];
	_ =	sdelay $0x4  }
0xa3: {  	v2 =	vadd.f32 $1.000000000e+00, v2;
	_ =	sdelay $0x1  }
0xa4: {  	s22 =	spop (v2sf);
	[tilespmem:s21+$0x0] =	vst v2  }
0xa5: {  	(v2sf) =	vpush v1, $0x9;
	v2 =	vld [tilespmem:s22+$0x0];
	_ =	sdelay $0x4  }
0xa6: {  	v2 =	vadd.f32 $1.000000000e+00, v2;
	_ =	sdelay $0x1  }
0xa7: {  	s23 =	spop (v2sf);
	[tilespmem:s22+$0x0] =	vst v2  }
0xa8: {  	(v2sf) =	vpush v1, $0xA;
	v2 =	vld [tilespmem:s23+$0x0];
	_ =	sdelay $0x4  }
0xa9: {  	v2 =	vadd.f32 $1.000000000e+00, v2;
	_ =	sdelay $0x1  }
0xaa: {  	s24 =	spop (v2sf);
	[tilespmem:s23+$0x0] =	vst v2  }
0xab: {  	(v2sf) =	vpush v1, $0xB;
	v2 =	vld [tilespmem:s24+$0x0];
	_ =	sdelay $0x4  }
0xac: {  	v2 =	vadd.f32 $1.000000000e+00, v2;
	_ =	sdelay $0x1  }
0xad: {  	s25 =	spop (v2sf);
	[tilespmem:s24+$0x0] =	vst v2  }
0xae: {  	(v2sf) =	vpush v1, $0xC;
	v2 =	vld [tilespmem:s25+$0x0];
	_ =	sdelay $0x4  }
0xaf: {  	v2 =	vadd.f32 $1.000000000e+00, v2;
	_ =	sdelay $0x1  }
0xb0: {  	s26 =	spop (v2sf);
	[tilespmem:s25+$0x0] =	vst v2  }
0xb1: {  	(v2sf) =	vpush v1, $0xD;
	v2 =	vld [tilespmem:s26+$0x0];
	_ =	sdelay $0x4  }
0xb2: {  	v2 =	vadd.f32 $1.000000000e+00, v2;
	_ =	sdelay $0x1  }
0xb3: {  	s28 =	spop (v2sf);
	[tilespmem:s26+$0x0] =	vst v2  }
0xb4: {  	(v2sf) =	vpush v1, $0xE;
	v2 =	vld [tilespmem:s28+$0x0];
	_ =	sdelay $0x4  }
0xb5: {  	v2 =	vadd.f32 $1.000000000e+00, v2;
	_ =	sdelay $0x1  }
0xb6: {  	s29 =	spop (v2sf);
	[tilespmem:s28+$0x0] =	vst v2  }
0xb7: {  	(v2sf) =	vpush v1, $0xF;
	v2 =	vld [tilespmem:s29+$0x0];
	_ =	sdelay $0x4  }
0xb8: {  	v1 =	vadd.f32 $1.000000000e+00, v2;
	_ =	sdelay $0x1  }
0xb9: {  	s30 =	spop (v2sf);
	[tilespmem:s29+$0x0] =	vst v1  }
0xba: {  	v1 =	vld [tilespmem:s30+$0x0];
	_ =	sdelay $0x4  }
0xbb: {  	v1 =	vadd.f32 $1.000000000e+00, v1;
	_ =	sdelay $0x1  }
0xbc: {  	s31 =	spop (v2sf);
	[tilespmem:s30+$0x0] =	vst v1  }
0xbd: {  	v1 =	vld [tilespmem:s31+$0x0];
	_ =	sdelay $0x4  }
0xbe: {  	s10 =	sadd.s32 $0x1, s10;
	v1 =	vadd.f32 $1.000000000e+00, v1  }
0xbf: {  	p0 =	sne.s32 s10, s5  }
.Ltmp2:
0xc0: {  	[tilespmem:s31+$0x0] =	vst v1;
	(pc) =	sbr.rel @p0 .LBB2_1-.Ltmp2, $4  }
0xc1: {  	[hbm4b:s4+s6] =	stream.strided.scatter [tilespmem:s9], [sflag:$0x1], $0x4000, s7, s6, $0x38;
	[tilespmem:$0x4800] =	vst v63  }
0xc2: {  	_ =	swait.ge [sflag:s8], $0x4000  }
0xc3: {  	[sflag:s8] =	ssyncset.done $0x0  }
0xc4: {  	[sflag:s8] =	ssyncadd.s32 $0xFFFFC000  }
0xc5: {  	_ =	sfence.sel $0x180000  }
0xc6: {  	[bflag:$0x0] =	sbarrier.arrive $0xFFFF  }
0xc7: {  	p0 =	sne.s32 s1, $0x0;
	_ =	strace $0x90000047  }
0xc8: {  	s0 =	sadd.s32 @!p0 $0x100000, s0;
	[bflag:$0x2] =	sbarrier.arrive $0xFFFF  }
0xc9: {  	[sflag:s0] =	ssyncadd.tile.s32 @!p0 $0x1;
	_ =	shalt  }
.Lfunc_end2:
_tile_overlayer_lowered:
.L_overlay_start_2:
0xca: {  	(tag) =	ssettag $0x2  }
0xcb: {  	s0 =	rddreg [dreg:$0x0];
	s2 =	stileid.u32  }
0xcc: {  	s1 =	rddreg [dreg:$0x1];
	p0 =	sne.s32 s2, $0x0  }
0xcd: {  	s3 =	rddreg [dreg:$0x2];
	[bflag:$0x3] =	sbarrier.arrive $0xFFFF;
	s2 =	simm.s32 @!p0 $0x1C01  }
0xce: {  	[timem:s3], [sflag:s2] =	dma.local @!p0 [hbm:s0], s1  }
0xcf: {  	s0 =	simm.s32 @!p0 $0x1  }
0xd0: {  	_ =	swait.ge @!p0 [sflag:s0], s1  }
0xd1: {  	s1 =	ssub.s32 @!p0 $0x0, s1;
	[sflag:s0] =	ssyncset.done @!p0 $0x0  }
0xd2: {  	[sflag:s0] =	ssyncadd.s32 @!p0 s1  }
0xd3: {  	[bflag:$0x3] =	sbarrier.arrive $0xFFFF  }
0xd4: {  	_ =	shalt  }

// kernel: _impl.9.cloned.1.call-start
scs
__scs_entry_jumppad:
0x0: {  	(pc) =	sbr.rel $0x88, $3  }
0x1: {  	(tag) =	ssettag $0x0;
	lr =	simm.s32 $0x1  }
0x2: {  	[smem:$0x3F99] =	sst lr;
	_ =	strace $0xD0000000  }
0x3: {  	_ = 	snop  }
0x4: {  	_ = 	snop  }
0x5: {  	_ = 	snop  }
0x6: {  	_ = 	snop  }
0x7: {  	_ = 	snop  }
__scs_overlays_trampoline_lowered:
0x8: {  	[smem:$0x3FA8] =	sst s0  }
0x9: {  	[smem:$0x3FA9] =	sst s1  }
0xa: {  	[smem:$0x3FAA] =	sst s2  }
0xb: {  	[smem:$0x3FAB] =	sst s3  }
0xc: {  	[smem:$0x3FAC] =	sst s4  }
0xd: {  	[smem:$0x3FAD] =	sst s5  }
0xe: {  	[smem:$0x3FAE] =	sst s6  }
0xf: {  	[smem:$0x3FAF] =	sst s7  }
0x10: {  	[smem:$0x3FB0] =	sst s8  }
0x11: {  	[smem:$0x3FB1] =	sst s9;
	s0 =	simm.s32 @!p0 $0x0  }
0x12: {  	s1 =	sld [smem:$0x3F97];
	s0 =	simm.s32 @p0 $0x1  }
0x13: {  	[smem:$0x3FB2] =	sst s0;
	s0 =	simm.s32 @!p1 $0x0  }
0x14: {  	s2 =	sld [smem:$0x3F96];
	s0 =	simm.s32 @p1 $0x1  }
0x15: {  	[smem:$0x3FB3] =	sst s0;
	s0 =	simm.s32 @!p2 $0x0  }
0x16: {  	s3 =	sld [smem:$0x3FDB];
	s0 =	simm.s32 @p2 $0x1  }
0x17: {  	s4 =	simm.s32 $0x1BF5;
	[smem:$0x3FB5] =	sst s0  }
0x18: {  	s0 =	sld [smem:$0x3F98];
	_ =	swait.ge [sflag:s4], $0x0  }
0x19: {  	s7 =	sld [smem:$0x3F99]  }
0x1a: {  	s8 =	sadd.s32 $0xFFFFE003, lr  }
0x1b: {  	s9 =	sadd.s32 $0xFFFFFEF7, lr;
	s5 =	simm.s32 $0xFFFFFFFF;
	p2 =	slt.u32 s8, $0xFFFFF086  }
0x1c: {  	p1 =	slt.u32 s9, $0xF7A;
	s5 =	simm.s32 @!p2 $0x0  }
0x1d: {  	s5 =	simm.s32 @p1 $0x1;
	p0 =	seq.s32 s7, s2  }
0x1e: {  	s7 =	smul.u32 @!p0 $0xF7A, s2;
	p2 =	seq.s32 @!p0 s5, $0x0  }
0x1f: {  	s9 =	smul.u32 $0xF7A, s1;
	s8 =	simm.s32 @!p0 $0x1BF5;
	p2 =	por !p2, p0  }
0x20: {  	[sflag:s8] =	ssyncset.s32 @!p0 $0xFFFFF086;
	s6 =	sadd.s32 @!p0 s3, s7;
	s7 =	simm.s32 @!p0 $0x108  }
0x21: {  	s3 =	sadd.s32 s3, s9;
	s6 =	sadd.s32 @!p0 $0x88, s6;
	s7 =	simm.s32 @p2 $0x1082  }
0x22: {  	[simem:s7], [sflag:s8] =	dma.local @!p0 [hbm:s6], $0xF7A  }
0x23: {  	s9 =	sor.u32 $0xD0000000, s2;
	s6 =	simm.s32 $0x108;
	_ =	swait.ge @!p0 [sflag:s8], $0x0  }
0x24: {  	s3 =	sadd.s32 $0x88, s3;
	s6 =	simm.s32 @!p1 $0x1082;
	[sflag:s4] =	ssyncset.s32 $0xFFFFF086  }
0x25: {  	[simem:s6], [sflag:s4] =	dma.local [hbm:s3], $0xF7A  }
0x26: {  	[smem:$0x3F99] =	sst s1;
	(tag) =	ssettag s2;
	_ =	strace s9  }
0x27: {  	s1 =	sld [smem:$0x3FA9]  }
0x28: {  	s2 =	sld [smem:$0x3FAA]  }
0x29: {  	s4 =	sld [smem:$0x3FAC]  }
0x2a: {  	p0 =	seq.s32 s5, $0x0;
	s5 =	sld [smem:$0x3FAD]  }
0x2b: {  	s6 =	sld [smem:$0x3FAE]  }
0x2c: {  	s7 =	sld [smem:$0x3FAF]  }
0x2d: {  	s3 =	simm.s32 $0x108;
	s8 =	sld [smem:$0x3FB0]  }
0x2e: {  	s3 =	simm.s32 @!p0 $0x1082;
	s9 =	sld [smem:$0x3FB1]  }
0x2f: {  	lr =	sadd.s32 s0, s3;
	s0 =	sld [smem:$0x3FA8]  }
0x30: {  	s3 =	sld [smem:$0x3FAB]  }
0x31: {  	[smem:$0x3FB4] =	sst s10  }
0x32: {  	s10 =	sld [smem:$0x3FB2];
	_ =	sdelay $0x3  }
0x33: {  	p0 =	seq.s32 s10, $0x1;
	s10 =	sld [smem:$0x3FB4];
	_ =	sdelay $0x3  }
0x34: {  	[smem:$0x3FB4] =	sst s10  }
0x35: {  	s10 =	sld [smem:$0x3FB3];
	_ =	sdelay $0x3  }
0x36: {  	p1 =	seq.s32 s10, $0x1;
	s10 =	sld [smem:$0x3FB4];
	_ =	sdelay $0x3  }
0x37: {  	[smem:$0x3FB4] =	sst s10  }
0x38: {  	s10 =	sld [smem:$0x3FB5]  }
0x39: {  	_ = 	snop;
	(pc) =	sbr.ind lr, $3  }
0x3a: {  	_ = 	snop  }
0x3b: {  	_ = 	snop  }
0x3c: {  	p2 =	seq.s32 s10, $0x1;
	s10 =	sld [smem:$0x3FB4]  }
0x3d: {  	_ =	shalt  }
0x3e: {  	_ =	shalt  }
0x3f: {  	_ =	shalt  }
0x40: {  	_ =	shalt  }
0x41: {  	_ =	shalt  }
0x42: {  	_ =	shalt  }
0x43: {  	_ =	shalt  }
0x44: {  	_ =	shalt  }
0x45: {  	_ =	shalt  }
0x46: {  	_ =	shalt  }
0x47: {  	_ =	shalt  }
0x48: {  	_ =	shalt  }
0x49: {  	_ =	shalt  }
0x4a: {  	_ =	shalt  }
0x4b: {  	_ =	shalt  }
0x4c: {  	_ =	shalt  }
0x4d: {  	_ =	shalt  }
0x4e: {  	_ =	shalt  }
0x4f: {  	_ =	shalt  }
0x50: {  	_ =	shalt  }
0x51: {  	_ =	shalt  }
0x52: {  	_ =	shalt  }
0x53: {  	_ =	shalt  }
0x54: {  	_ =	shalt  }
0x55: {  	_ =	shalt  }
0x56: {  	_ =	shalt  }
0x57: {  	_ =	shalt  }
0x58: {  	_ =	shalt  }
0x59: {  	_ =	shalt  }
0x5a: {  	_ =	shalt  }
0x5b: {  	_ =	shalt  }
0x5c: {  	_ =	shalt  }
0x5d: {  	_ =	shalt  }
0x5e: {  	_ =	shalt  }
0x5f: {  	_ =	shalt  }
0x60: {  	_ =	shalt  }
0x61: {  	_ =	shalt  }
0x62: {  	_ =	shalt  }
0x63: {  	_ =	shalt  }
0x64: {  	_ =	shalt  }
0x65: {  	_ =	shalt  }
0x66: {  	_ =	shalt  }
0x67: {  	_ =	shalt  }
0x68: {  	_ =	shalt  }
0x69: {  	_ =	shalt  }
0x6a: {  	_ =	shalt  }
0x6b: {  	_ =	shalt  }
0x6c: {  	_ =	shalt  }
0x6d: {  	_ =	shalt  }
0x6e: {  	_ =	shalt  }
0x6f: {  	_ =	shalt  }
0x70: {  	_ =	shalt  }
0x71: {  	_ =	shalt  }
0x72: {  	_ =	shalt  }
0x73: {  	_ =	shalt  }
0x74: {  	_ =	shalt  }
0x75: {  	_ =	shalt  }
0x76: {  	_ =	shalt  }
0x77: {  	_ =	shalt  }
0x78: {  	_ =	shalt  }
0x79: {  	_ =	shalt  }
0x7a: {  	_ =	shalt  }
0x7b: {  	_ =	shalt  }
0x7c: {  	_ =	shalt  }
0x7d: {  	_ =	shalt  }
0x7e: {  	_ =	shalt  }
0x7f: {  	_ =	shalt  }
0x80: {  	_ =	shalt  }
0x81: {  	_ =	shalt  }
0x82: {  	_ =	shalt  }
0x83: {  	_ =	shalt  }
0x84: {  	_ =	shalt  }
0x85: {  	_ =	shalt  }
0x86: {  	_ =	shalt  }
0x87: {  	_ =	shalt  }
.Lfunc_end0:
.L_simem_size_0:
called_computation.2_lowered:
.L_overlay_start_0:
0x88: {  	s2 =	sld [smem:$0x3FD9]  }
0x89: {  	s3 =	sld [smem:$0x3FFE];
	_ =	sdelay $0x1  }
0x8a: {  	s1 =	srdreg.scid  }
0x8b: {  	s0 =	sand.u32 $0x1, s1  }
0x8c: {  	s16 =	sshll.u32 s0, $0xA;
	s2 =	sadd.s32 s3, s2  }
0x8d: {  	s2 =	sadd.s32 s2, s16  }
0x8e: {  	[smem:$0x3FC0] =	sst s2  }
0x8f: {  	_ = 	snop  }
0x90: {  	(tm) =	ssettm $0x1  }
0x91: {  	s17 =	sld [smem:$0x3FFB];
	_ =	sdelay $0x3  }
0x92: {  	_ =	strace s17  }
0x93: {  	s2 =	sld [smem:$0x3FFC];
	_ =	sdelay $0x3  }
0x94: {  	_ =	strace s2  }
0x95: {  	s2 =	sld [smem:$0x3FFD];
	_ =	sdelay $0x3  }
0x96: {  	_ =	strace s2  }
0x97: {  	_ =	strace $0x8FFFFFFF  }
0x98: {  	s18 =	sld [smem:$0x3FDB];
	_ =	sdelay $0x1  }
0x99: {  	s19 =	simm.s32 $_scs_section_size  }
0x9a: {  	s4 =	simm.s32 $_size__tile_overlayer_lowered;
	s5 =	simm.s32 $_tile_overlayer_lowered  }
0x9b: {  	s22 =	simm.s32 $0x1BFF;
	s21 =	sshll.u32 s5, $0x1;
	s2 =	sadd.s32 s19, s18  }
0x9c: {  	s6 =	simm.s32 $0x0;
	s20 =	sshll.u32 s4, $0x1;
	s4 =	sadd.s32 s21, s2  }
0x9d: {  	[timem:s6], [sflag:s22] =	dma.local [hbm:s4], s20  }
0x9e: {  	_ =	swait.ge [sflag:s22], s20  }
0x9f: {  	s3 =	ssub.s32 $0x0, s20;
	[sflag:s22] =	ssyncset.done $0x0  }
0xa0: {  	[sflag:s22] =	ssyncadd.s32 s3;
	_ =	sdelay $0x1  }
0xa1: {  	s23 =	simm.s32 $0x1B8B  }
0xa2: {  	_ =	swait.ge [sflag:s23], $0x1  }
0xa3: {  	[sflag:s23] =	ssyncset.done $0x0  }
0xa4: {  	s25 =	simm.s32 $0x1B8E;
	s24 =	sld [smem:$0x3FFE];
	[sflag:s23] =	ssyncadd.s32 $0xFFFFFFFF  }
0xa5: {  	s26 =	simm.s32 $execute0_lowered;
	[smem:$0x3FD2] =	sst s25  }
0xa6: {  	s4 =	sshll.u32 s26, $0x1;
	_ =	strace $0x80000049;
	[dreg:$0x1] =	wrdreg $0xFFFFFFFF  }
0xa7: {  	s28 =	simm.s32 $_size_execute0_lowered;
	s2 =	sadd.s32 s2, s4;
	[dreg:$0x0] =	wrdreg $0x0  }
0xa8: {  	s4 =	sshll.u32 s28, $0x1;
	[dreg:$0x2] =	wrdreg s2  }
0xa9: {  	[dreg:$0x3] =	wrdreg s4  }
0xaa: {  	[dreg:$0x4] =	wrdreg $0xC0  }
0xab: {  	_ =	task [dreg:s6], $0x5FFFF  }
0xac: {  	[dreg:$0x1] =	wrdreg $0xFFFFFFFF  }
0xad: {  	[dreg:$0x0] =	wrdreg $0x60  }
0xae: {  	[dreg:$0x2] =	wrdreg s24  }
0xaf: {  	[dreg:$0x3] =	wrdreg $0xA  }
0xb0: {  	_ =	task.clear_ibuf [dreg:s6], $0x4FFFF;
	_ =	strace $0x90000049  }
0xb1: {  	s29 =	simm.s32 $0xA;
	_ =	strace $0x8000004B  }
0xb2: {  	_ =	swait.ge [sflag:s29], $0x1  }
0xb3: {  	[sflag:s29] =	ssyncadd.s32 $0xFFFFFFFF  }
0xb4: {  	_ =	strace $0x9000004B  }
0xb5: {  	_ =	sfence  }
0xb6: {  	s30 =	sld [smem:$0x0];
	_ =	sdelay $0x2  }
0xb7: {  	s31 =	sshll.u32 s1, $0xD;
	s1 =	sshrl.u32 s1, $0x2  }
0xb8: {  	s3 =	sand.u32 $0x4000, s31;
	s1 =	sadd.s32 s1, s30  }
0xb9: {  	s0 =	sor.u32 s3, s0;
	s1 =	sshll.u32 s1, $0x11  }
0xba: {  	s0 =	sor.u32 s1, s0  }
0xbb: {  	s0 =	sadd.s32 $0x8F2B, s0  }
0xbc: {  	[sflag:s0] =	ssyncadd.remote.s32 $0x1  }
0xbd: {  	_ =	sfence.sel $0xFFFF  }
0xbe: {  	[dreg:$0x0] =	wrdreg $0xFFFFFFFF;
	(pc) =	sbr.abs _section_cstart, $3  }
0xbf: {  	[dreg:$0x1] =	wrdreg $0xFFFFFFFF  }
0xc0: {  	_ =	task.clear_ibuf [dreg:s6], $0x2FFFF;
	_ =	strace $0x9FFFFFFF  }
0xc1: {  	(tm) =	ssettm $0x7FFFFFFF  }
tec
execute0_lowered:
.L_overlay_start_1:
0x0: {  	(tag) =	ssettag $0x1  }
0x1: {  	s1 =	srdreg.scid  }
0x2: {  	s0 =	stileid.u32;
	s6 =	rddreg [dreg:$0x0]  }
0x3: {  	s12 =	simm.s32 $0x800;
	s13 =	simm.s32 $0x1000;
	s14 =	simm.s32 $0x5000  }
0x4: {  	s15 =	simm.s32 $0x9000;
	s5 =	sand.u32 $0x1, s1;
	s2 =	sshll.u32 s0, $0x8  }
0x5: {  	s1 =	rddreg [dreg:$0x1];
	s4 =	sshrl.u32 s0, $0x2;
	s10 =	sshll.u32 s0, $0xC  }
0x6: {  	s3 =	sshll.u32 s5, $0x7;
	s7 =	sshll.u32 s4, $0xE;
	s4 =	sshll.u32 s4, $0x11  }
0x7: {  	s31 =	ssub.s32 $0x2, s5;
	s11 =	sshll.u32 s5, $0xB;
	s3 =	sor.u32 s3, s2  }
0x8: {  	s2 =	simm.s32 $0x0;
	s9 =	sshrl.u32 s31, $0x1;
	s10 =	sor.u32 s11, s10  }
0x9: {  	s11 =	simm.s32 $0x1;
	s3 =	sand.u32 $0x380, s3;
	[smem:$0x7FF] =	sst s2  }
0xa: {  	s9 =	ssub.s32 s31, s9;
	s10 =	sshrl.u32 s10, $0x2;
	s7 =	sor.u32 s7, s3  }
0xb: {  	_ =	strace $0x8000004A;
	s4 =	sor.u32 s4, s3;
	s16 =	sadd.s32 $0x5000, s10  }
0xc: {  	s3 =	sadd.s32 $0x14E00, s6;
	s17 =	sadd.s32 $0x9000, s10;
	s18 =	sadd.s32 $0x1000, s10;
	v1 =	vmov s16  }
0xd: {  	s10 =	simm.s32 $0x400;
	s7 =	sshrl.u32 s7, $0x3;
	s8 =	sshrl.u32 s4, $0x3  }
0xe: {  	s4 =	sadd.s32 $0x2E00, s6;
	v3 =	vmov s18;
	s16 =	simm.s32 $0x0;
	s7 =	sadd.s32 s7, s6  }
0xf: {  	s8 =	sadd.s32 s8, s6;
	s5 =	sadd.s32 $0x12E00, s7;
	s6 =	sadd.s32 $0xE00, s7  }
0x10: {  	v0 =	vimm.f32 $0.0e+00;
	v2 =	vmov s17;
	s7 =	sadd.s32 $0x15600, s8;
	s8 =	smax.u32 s9, $0x1;
	s9 =	simm.s32 $0x80  }
.LBB2_1:
0x11: {  	[tilespmem:s2], [sflag:$0x1] =	stream.strided.gather [hbm4b:s5+s9], $0x800, s10, s9, $0x38;
	[tilespmem:$0xD000] =	vst v63  }
0x12: {  	_ =	swait.ge [sflag:s11], $0x800  }
0x13: {  	[sflag:s11] =	ssyncset.done $0x0  }
0x14: {  	[sflag:s11] =	ssyncadd.s32 $0xFFFFF800  }
0x15: {  	[tilespmem:s12], [sflag:$0x1] =	stream.strided.gather [hbm4b:s6+s9], $0x800, s10, s9, $0x38;
	[tilespmem:$0xD000] =	vst v63  }
0x16: {  	_ =	swait.ge [sflag:s11], $0x800  }
0x17: {  	[sflag:s11] =	ssyncset.done $0x0  }
0x18: {  	[sflag:s11] =	ssyncadd.s32 $0xFFFFF800  }
0x19: {  	[tilespmem:s13], [sflag:$0x1] =	stream.linear.gather [hbm4b:s3+s2], $0x4000, $0x38;
	[tilespmem:$0xD000] =	vst v63  }
0x1a: {  	_ =	swait.ge [sflag:s11], $0x4000  }
0x1b: {  	[sflag:s11] =	ssyncset.done $0x0  }
0x1c: {  	[sflag:s11] =	ssyncadd.s32 $0xFFFFC000  }
0x1d: {  	[tilespmem:s14], [sflag:$0x1] =	stream.linear.gather [hbm4b:s4+s2], $0x4000, $0x38;
	[tilespmem:$0xD000] =	vst v63  }
0x1e: {  	_ =	swait.ge [sflag:s11], $0x4000  }
0x1f: {  	[sflag:s11] =	ssyncset.done $0x0  }
0x20: {  	s17 =	simm.s32 $0x40;
	s18 =	simm.s32 $0x0;
	[sflag:s11] =	ssyncadd.s32 $0xFFFFC000  }
.LBB2_2:
0x21: {  	p0 =	sne.s32 s17, $0xFFC0;
	[tilespmem:s18+$0x9000] =	vst v0;
	s18 =	smov.u32 s17;
	s17 =	sadd.s32 $0x40, s17  }
.Ltmp0:
0x22: {  	(pc) =	sbr.rel @p0 .LBB2_2-.Ltmp0, $2  }
0x23: {  	_ =	sdelay $0x2  }
0x24: {  	s18 =	sshra.s32 s18, $0x2  }
0x25: {  	[tilespmem:s18+$0x9000] =	vst v0;
	s17 =	simm.s32 $0x0  }
0x26: {  	v4 =	vld [tilespmem:s17+$0x0]  }
0x27: {  	v5 =	vld [tilespmem:s17+$0x800];
	_ =	sdelay $0x3  }
0x28: {  	v4 =	vshll.u32 v4, $0x4  }
0x29: {  	v5 =	vshll.u32 v5, $0x4;
	(v2sf) =	vpush v4, $0x0  }
0x2a: {  	(v2sf) =	vpush v5, $0x0;
	_ =	sdelay $0xb  }
0x2b: {  	(v2sf) =	vpush v4, $0x1  }
0x2c: {  	(v2sf) =	vpush v5, $0x1  }
0x2d: {  	s30 =	spop (v2sf)  }
0x2e: {  	v6 =	vld [tilespmem:s30+$0x5000];
	s31 =	spop (v2sf)  }
0x2f: {  	v7 =	vld [tilespmem:s31+$0x5000];
	_ =	sdelay $0x1  }
0x30: {  	v8 =	vld [tilespmem:s30+$0x1000];
	_ =	sdelay $0x1  }
0x31: {  	v9 =	vld [tilespmem:s31+$0x9000]  }
0x32: {  	v6 =	vmul.f32 v7, v6;
	_ =	sdelay $0x1  }
0x33: {  	v6 =	vmul.f32 v8, v6;
	_ =	sdelay $0x1  }
0x34: {  	(v2sf) =	vpush v4, $0x2;
	v6 =	vadd.f32 v6, v9  }
0x35: {  	(v2sf) =	vpush v5, $0x2  }
0x36: {  	s19 =	spop (v2sf);
	[tilespmem:s31+$0x9000] =	vst v6  }
0x37: {  	s20 =	spop (v2sf);
	v6 =	vld [tilespmem:s19+$0x5000]  }
0x38: {  	v7 =	vld [tilespmem:s20+$0x5000];
	_ =	sdelay $0x1  }
0x39: {  	v8 =	vld [tilespmem:s19+$0x1000];
	_ =	sdelay $0x1  }
0x3a: {  	v52 =	vld [tilespmem:s20+$0x9000]  }
0x3b: {  	v6 =	vmul.f32 v7, v6;
	_ =	sdelay $0x1  }
0x3c: {  	v6 =	vmul.f32 v8, v6;
	_ =	sdelay $0x1  }
0x3d: {  	(v2sf) =	vpush v4, $0x3;
	v6 =	vadd.f32 v6, v52  }
0x3e: {  	(v2sf) =	vpush v5, $0x3  }
0x3f: {  	s21 =	spop (v2sf);
	[tilespmem:s20+$0x9000] =	vst v6  }
0x40: {  	s22 =	spop (v2sf);
	v6 =	vld [tilespmem:s21+$0x5000]  }
0x41: {  	v7 =	vld [tilespmem:s22+$0x5000];
	_ =	sdelay $0x1  }
0x42: {  	v8 =	vld [tilespmem:s21+$0x1000];
	_ =	sdelay $0x1  }
0x43: {  	v53 =	vld [tilespmem:s22+$0x9000]  }
0x44: {  	v6 =	vmul.f32 v7, v6;
	_ =	sdelay $0x1  }
0x45: {  	v6 =	vmul.f32 v8, v6;
	_ =	sdelay $0x1  }
0x46: {  	(v2sf) =	vpush v4, $0x4;
	v6 =	vadd.f32 v6, v53  }
0x47: {  	(v2sf) =	vpush v5, $0x4  }
0x48: {  	s23 =	spop (v2sf);
	[tilespmem:s22+$0x9000] =	vst v6  }
0x49: {  	s24 =	spop (v2sf);
	v6 =	vld [tilespmem:s23+$0x5000]  }
0x4a: {  	v7 =	vld [tilespmem:s24+$0x5000];
	_ =	sdelay $0x1  }
0x4b: {  	v8 =	vld [tilespmem:s23+$0x1000];
	_ =	sdelay $0x1  }
0x4c: {  	v54 =	vld [tilespmem:s24+$0x9000]  }
0x4d: {  	v6 =	vmul.f32 v7, v6;
	_ =	sdelay $0x1  }
0x4e: {  	v6 =	vmul.f32 v8, v6;
	_ =	sdelay $0x1  }
0x4f: {  	(v2sf) =	vpush v4, $0x5;
	v6 =	vadd.f32 v6, v54  }
0x50: {  	(v2sf) =	vpush v5, $0x5  }
0x51: {  	s25 =	spop (v2sf);
	[tilespmem:s24+$0x9000] =	vst v6  }
0x52: {  	s26 =	spop (v2sf);
	v6 =	vld [tilespmem:s25+$0x5000]  }
0x53: {  	v7 =	vld [tilespmem:s26+$0x5000];
	_ =	sdelay $0x1  }
0x54: {  	v8 =	vld [tilespmem:s25+$0x1000];
	_ =	sdelay $0x1  }
0x55: {  	v55 =	vld [tilespmem:s26+$0x9000]  }
0x56: {  	v6 =	vmul.f32 v7, v6;
	_ =	sdelay $0x1  }
0x57: {  	v6 =	vmul.f32 v8, v6;
	_ =	sdelay $0x1  }
0x58: {  	(v2sf) =	vpush v4, $0x6;
	v6 =	vadd.f32 v6, v55  }
0x59: {  	(v2sf) =	vpush v5, $0x6  }
0x5a: {  	s28 =	spop (v2sf);
	[tilespmem:s26+$0x9000] =	vst v6  }
0x5b: {  	s29 =	spop (v2sf);
	v6 =	vld [tilespmem:s28+$0x5000]  }
0x5c: {  	v7 =	vld [tilespmem:s29+$0x5000];
	_ =	sdelay $0x1  }
0x5d: {  	v8 =	vld [tilespmem:s28+$0x1000];
	_ =	sdelay $0x1  }
0x5e: {  	v56 =	vld [tilespmem:s29+$0x9000]  }
0x5f: {  	v6 =	vmul.f32 v7, v6;
	_ =	sdelay $0x1  }
0x60: {  	v6 =	vmul.f32 v8, v6;
	_ =	sdelay $0x1  }
0x61: {  	(v2sf) =	vpush v4, $0x7;
	v6 =	vadd.f32 v6, v56  }
0x62: {  	(v2sf) =	vpush v5, $0x7  }
0x63: {  	s30 =	spop (v2sf);
	[tilespmem:s29+$0x9000] =	vst v6  }
0x64: {  	s31 =	spop (v2sf);
	v6 =	vld [tilespmem:s30+$0x5000]  }
0x65: {  	v7 =	vld [tilespmem:s31+$0x5000];
	_ =	sdelay $0x1  }
0x66: {  	v8 =	vld [tilespmem:s30+$0x1000];
	_ =	sdelay $0x1  }
0x67: {  	v57 =	vld [tilespmem:s31+$0x9000]  }
0x68: {  	v6 =	vmul.f32 v7, v6;
	_ =	sdelay $0x1  }
0x69: {  	v6 =	vmul.f32 v8, v6;
	_ =	sdelay $0x1  }
0x6a: {  	(v2sf) =	vpush v4, $0x8;
	v6 =	vadd.f32 v6, v57  }
0x6b: {  	(v2sf) =	vpush v5, $0x8  }
0x6c: {  	s18 =	spop (v2sf);
	[tilespmem:s31+$0x9000] =	vst v6  }
0x6d: {  	s19 =	spop (v2sf);
	v6 =	vld [tilespmem:s18+$0x5000]  }
0x6e: {  	v7 =	vld [tilespmem:s19+$0x5000];
	_ =	sdelay $0x1  }
0x6f: {  	v8 =	vld [tilespmem:s18+$0x1000];
	_ =	sdelay $0x1  }
0x70: {  	v58 =	vld [tilespmem:s19+$0x9000]  }
0x71: {  	v6 =	vmul.f32 v7, v6;
	_ =	sdelay $0x1  }
0x72: {  	v6 =	vmul.f32 v8, v6;
	_ =	sdelay $0x1  }
0x73: {  	(v2sf) =	vpush v4, $0x9;
	v6 =	vadd.f32 v6, v58  }
0x74: {  	(v2sf) =	vpush v5, $0x9  }
0x75: {  	s20 =	spop (v2sf);
	[tilespmem:s19+$0x9000] =	vst v6  }
0x76: {  	s21 =	spop (v2sf);
	v6 =	vld [tilespmem:s20+$0x5000]  }
0x77: {  	v7 =	vld [tilespmem:s21+$0x5000];
	_ =	sdelay $0x1  }
0x78: {  	v8 =	vld [tilespmem:s20+$0x1000];
	_ =	sdelay $0x1  }
0x79: {  	v59 =	vld [tilespmem:s21+$0x9000]  }
0x7a: {  	v6 =	vmul.f32 v7, v6;
	_ =	sdelay $0x1  }
0x7b: {  	v6 =	vmul.f32 v8, v6;
	_ =	sdelay $0x1  }
0x7c: {  	(v2sf) =	vpush v4, $0xA;
	v6 =	vadd.f32 v6, v59  }
0x7d: {  	(v2sf) =	vpush v5, $0xA  }
0x7e: {  	s22 =	spop (v2sf);
	[tilespmem:s21+$0x9000] =	vst v6  }
0x7f: {  	s23 =	spop (v2sf);
	v6 =	vld [tilespmem:s22+$0x5000]  }
0x80: {  	v7 =	vld [tilespmem:s23+$0x5000];
	_ =	sdelay $0x1  }
0x81: {  	v8 =	vld [tilespmem:s22+$0x1000];
	_ =	sdelay $0x1  }
0x82: {  	v60 =	vld [tilespmem:s23+$0x9000]  }
0x83: {  	v6 =	vmul.f32 v7, v6;
	_ =	sdelay $0x1  }
0x84: {  	v6 =	vmul.f32 v8, v6;
	_ =	sdelay $0x1  }
0x85: {  	(v2sf) =	vpush v4, $0xB;
	v6 =	vadd.f32 v6, v60  }
0x86: {  	(v2sf) =	vpush v5, $0xB  }
0x87: {  	s24 =	spop (v2sf);
	[tilespmem:s23+$0x9000] =	vst v6  }
0x88: {  	s25 =	spop (v2sf);
	v6 =	vld [tilespmem:s24+$0x5000]  }
0x89: {  	v7 =	vld [tilespmem:s25+$0x5000];
	_ =	sdelay $0x1  }
0x8a: {  	v8 =	vld [tilespmem:s24+$0x1000];
	_ =	sdelay $0x1  }
0x8b: {  	v61 =	vld [tilespmem:s25+$0x9000]  }
0x8c: {  	v6 =	vmul.f32 v7, v6;
	_ =	sdelay $0x1  }
0x8d: {  	v6 =	vmul.f32 v8, v6;
	_ =	sdelay $0x1  }
0x8e: {  	(v2sf) =	vpush v4, $0xC;
	v6 =	vadd.f32 v6, v61  }
0x8f: {  	(v2sf) =	vpush v5, $0xC  }
0x90: {  	s26 =	spop (v2sf);
	[tilespmem:s25+$0x9000] =	vst v6  }
0x91: {  	s28 =	spop (v2sf);
	v6 =	vld [tilespmem:s26+$0x5000]  }
0x92: {  	v7 =	vld [tilespmem:s28+$0x5000];
	_ =	sdelay $0x1  }
0x93: {  	v8 =	vld [tilespmem:s26+$0x1000];
	_ =	sdelay $0x1  }
0x94: {  	v62 =	vld [tilespmem:s28+$0x9000]  }
0x95: {  	v6 =	vmul.f32 v7, v6;
	_ =	sdelay $0x1  }
0x96: {  	v6 =	vmul.f32 v8, v6;
	_ =	sdelay $0x1  }
0x97: {  	(v2sf) =	vpush v4, $0xD;
	v6 =	vadd.f32 v6, v62  }
0x98: {  	(v2sf) =	vpush v5, $0xD  }
0x99: {  	s29 =	spop (v2sf);
	[tilespmem:s28+$0x9000] =	vst v6  }
0x9a: {  	s30 =	spop (v2sf);
	v6 =	vld [tilespmem:s29+$0x5000]  }
0x9b: {  	v7 =	vld [tilespmem:s30+$0x5000];
	_ =	sdelay $0x1  }
0x9c: {  	v8 =	vld [tilespmem:s29+$0x1000];
	_ =	sdelay $0x1  }
0x9d: {  	v63 =	vld [tilespmem:s30+$0x9000]  }
0x9e: {  	v6 =	vmul.f32 v7, v6;
	_ =	sdelay $0x1  }
0x9f: {  	v6 =	vmul.f32 v8, v6;
	_ =	sdelay $0x1  }
0xa0: {  	v6 =	vadd.f32 v6, v63  }
0xa1: {  	(v2sf) =	vpush v4, $0xE  }
0xa2: {  	s31 =	spop (v2sf);
	(v2sf) =	vpush v5, $0xE;
	[tilespmem:s30+$0x9000] =	vst v6  }
0xa3: {  	s18 =	spop (v2sf);
	v6 =	vld [tilespmem:s31+$0x5000]  }
0xa4: {  	v7 =	vld [tilespmem:s18+$0x5000];
	_ =	sdelay $0x2  }
0xa5: {  	v8 =	vld [tilespmem:s31+$0x1000];
	_ =	sdelay $0x1  }
0xa6: {  	v7 =	vmul.f32 v7, v6;
	v6 =	vld [tilespmem:s18+$0x9000];
	_ =	sdelay $0x2  }
0xa7: {  	s17 =	simm.s32 $0x40;
	v7 =	vmul.f32 v8, v7  }
.LBB2_4:
0xa8: {  	p0 =	sne.s32 s17, $0x1FC0;
	s19 =	smov.u32 s17;
	s17 =	sadd.s32 $0x40, s17  }
0xa9: {  	v6 =	vadd.f32 v7, v6;
	(v2sf) =	vpush v4, $0xF  }
0xaa: {  	(v2sf) =	vpush v5, $0xF  }
0xab: {  	[tilespmem:s18+$0x9000] =	vst v6;
	s18 =	spop (v2sf)  }
0xac: {  	v4 =	vld [tilespmem:s18+$0x5000];
	s20 =	spop (v2sf)  }
0xad: {  	v5 =	vld [tilespmem:s20+$0x5000]  }
0xae: {  	v6 =	vld [tilespmem:s18+$0x1000]  }
0xaf: {  	v7 =	vld [tilespmem:s20+$0x9000];
	_ =	sdelay $0x2  }
0xb0: {  	v4 =	vmul.f32 v5, v4;
	_ =	sdelay $0x1  }
0xb1: {  	v4 =	vmul.f32 v6, v4;
	_ =	sdelay $0x1  }
0xb2: {  	v4 =	vadd.f32 v4, v7;
	_ =	sdelay $0x1  }
0xb3: {  	s18 =	sshra.s32 s19, $0x2;
	[tilespmem:s20+$0x9000] =	vst v4;
	s19 =	spop (v2sf)  }
0xb4: {  	v4 =	vld [tilespmem:s19+$0x5000];
	s20 =	spop (v2sf)  }
0xb5: {  	v5 =	vld [tilespmem:s20+$0x5000]  }
0xb6: {  	v6 =	vld [tilespmem:s19+$0x1000]  }
0xb7: {  	v7 =	vld [tilespmem:s20+$0x9000];
	_ =	sdelay $0x2  }
0xb8: {  	v4 =	vmul.f32 v5, v4;
	_ =	sdelay $0x1  }
0xb9: {  	v4 =	vmul.f32 v6, v4;
	_ =	sdelay $0x1  }
0xba: {  	v4 =	vadd.f32 v4, v7;
	_ =	sdelay $0x1  }
0xbb: {  	[tilespmem:s20+$0x9000] =	vst v4  }
0xbc: {  	v4 =	vld [tilespmem:s18+$0x0]  }
0xbd: {  	v5 =	vld [tilespmem:s18+$0x800];
	_ =	sdelay $0x3  }
0xbe: {  	v4 =	vshll.u32 v4, $0x4  }
0xbf: {  	v5 =	vshll.u32 v5, $0x4;
	(v2sf) =	vpush v4, $0x0  }
0xc0: {  	(v2sf) =	vpush v5, $0x0;
	_ =	sdelay $0xb  }
0xc1: {  	(v2sf) =	vpush v4, $0x1  }
0xc2: {  	(v2sf) =	vpush v5, $0x1  }
0xc3: {  	s18 =	spop (v2sf)  }
0xc4: {  	v6 =	vld [tilespmem:s18+$0x5000];
	s19 =	spop (v2sf)  }
0xc5: {  	v7 =	vld [tilespmem:s19+$0x5000];
	_ =	sdelay $0x1  }
0xc6: {  	v8 =	vld [tilespmem:s18+$0x1000];
	_ =	sdelay $0x1  }
0xc7: {  	v9 =	vld [tilespmem:s19+$0x9000]  }
0xc8: {  	v6 =	vmul.f32 v7, v6;
	_ =	sdelay $0x1  }
0xc9: {  	v6 =	vmul.f32 v8, v6;
	_ =	sdelay $0x1  }
0xca: {  	v6 =	vadd.f32 v6, v9;
	(v2sf) =	vpush v4, $0x2  }
0xcb: {  	(v2sf) =	vpush v5, $0x2  }
0xcc: {  	[tilespmem:s19+$0x9000] =	vst v6;
	s18 =	spop (v2sf)  }
0xcd: {  	v6 =	vld [tilespmem:s18+$0x5000];
	s19 =	spop (v2sf)  }
0xce: {  	v7 =	vld [tilespmem:s19+$0x5000];
	_ =	sdelay $0x1  }
0xcf: {  	v8 =	vld [tilespmem:s18+$0x1000];
	_ =	sdelay $0x1  }
0xd0: {  	v9 =	vld [tilespmem:s19+$0x9000]  }
0xd1: {  	v6 =	vmul.f32 v7, v6;
	_ =	sdelay $0x1  }
0xd2: {  	v6 =	vmul.f32 v8, v6;
	_ =	sdelay $0x1  }
0xd3: {  	v6 =	vadd.f32 v6, v9;
	(v2sf) =	vpush v4, $0x3  }
0xd4: {  	(v2sf) =	vpush v5, $0x3  }
0xd5: {  	[tilespmem:s19+$0x9000] =	vst v6;
	s18 =	spop (v2sf)  }
0xd6: {  	v6 =	vld [tilespmem:s18+$0x5000];
	s19 =	spop (v2sf)  }
0xd7: {  	v7 =	vld [tilespmem:s19+$0x5000];
	_ =	sdelay $0x1  }
0xd8: {  	v8 =	vld [tilespmem:s18+$0x1000];
	_ =	sdelay $0x1  }
0xd9: {  	v9 =	vld [tilespmem:s19+$0x9000]  }
0xda: {  	v6 =	vmul.f32 v7, v6;
	_ =	sdelay $0x1  }
0xdb: {  	v6 =	vmul.f32 v8, v6;
	_ =	sdelay $0x1  }
0xdc: {  	v6 =	vadd.f32 v6, v9;
	(v2sf) =	vpush v4, $0x4  }
0xdd: {  	(v2sf) =	vpush v5, $0x4  }
0xde: {  	[tilespmem:s19+$0x9000] =	vst v6;
	s18 =	spop (v2sf)  }
0xdf: {  	v6 =	vld [tilespmem:s18+$0x5000];
	s19 =	spop (v2sf)  }
0xe0: {  	v7 =	vld [tilespmem:s19+$0x5000];
	_ =	sdelay $0x1  }
0xe1: {  	v8 =	vld [tilespmem:s18+$0x1000];
	_ =	sdelay $0x1  }
0xe2: {  	v9 =	vld [tilespmem:s19+$0x9000]  }
0xe3: {  	v6 =	vmul.f32 v7, v6;
	_ =	sdelay $0x1  }
0xe4: {  	v6 =	vmul.f32 v8, v6;
	_ =	sdelay $0x1  }
0xe5: {  	v6 =	vadd.f32 v6, v9;
	(v2sf) =	vpush v4, $0x5  }
0xe6: {  	(v2sf) =	vpush v5, $0x5  }
0xe7: {  	[tilespmem:s19+$0x9000] =	vst v6;
	s18 =	spop (v2sf)  }
0xe8: {  	v6 =	vld [tilespmem:s18+$0x5000];
	s19 =	spop (v2sf)  }
0xe9: {  	v7 =	vld [tilespmem:s19+$0x5000];
	_ =	sdelay $0x1  }
0xea: {  	v8 =	vld [tilespmem:s18+$0x1000];
	_ =	sdelay $0x1  }
0xeb: {  	v9 =	vld [tilespmem:s19+$0x9000]  }
0xec: {  	v6 =	vmul.f32 v7, v6;
	_ =	sdelay $0x1  }
0xed: {  	v6 =	vmul.f32 v8, v6;
	_ =	sdelay $0x1  }
0xee: {  	v6 =	vadd.f32 v6, v9;
	(v2sf) =	vpush v4, $0x6  }
0xef: {  	(v2sf) =	vpush v5, $0x6  }
0xf0: {  	[tilespmem:s19+$0x9000] =	vst v6;
	s18 =	spop (v2sf)  }
0xf1: {  	v6 =	vld [tilespmem:s18+$0x5000];
	s19 =	spop (v2sf)  }
0xf2: {  	v7 =	vld [tilespmem:s19+$0x5000]  }
0xf3: {  	v8 =	vld [tilespmem:s19+$0x9000]  }
0xf4: {  	v9 =	vld [tilespmem:s18+$0x1000];
	_ =	sdelay $0x2  }
0xf5: {  	v6 =	vmul.f32 v7, v6;
	_ =	sdelay $0x1  }
0xf6: {  	v6 =	vmul.f32 v9, v6;
	_ =	sdelay $0x1  }
0xf7: {  	v6 =	vadd.f32 v6, v8;
	(v2sf) =	vpush v4, $0x7  }
0xf8: {  	(v2sf) =	vpush v5, $0x7  }
0xf9: {  	[tilespmem:s19+$0x9000] =	vst v6;
	s18 =	spop (v2sf)  }
0xfa: {  	v6 =	vld [tilespmem:s18+$0x5000];
	s19 =	spop (v2sf)  }
0xfb: {  	v7 =	vld [tilespmem:s19+$0x5000]  }
0xfc: {  	v8 =	vld [tilespmem:s19+$0x9000]  }
0xfd: {  	v9 =	vld [tilespmem:s18+$0x1000];
	_ =	sdelay $0x2  }
0xfe: {  	v6 =	vmul.f32 v7, v6;
	_ =	sdelay $0x1  }
0xff: {  	v6 =	vmul.f32 v9, v6;
	_ =	sdelay $0x1  }
0x100: {  	v6 =	vadd.f32 v6, v8;
	(v2sf) =	vpush v4, $0x8  }
0x101: {  	(v2sf) =	vpush v5, $0x8  }
0x102: {  	[tilespmem:s19+$0x9000] =	vst v6;
	s18 =	spop (v2sf)  }
0x103: {  	v6 =	vld [tilespmem:s18+$0x5000];
	s19 =	spop (v2sf)  }
0x104: {  	v7 =	vld [tilespmem:s19+$0x5000]  }
0x105: {  	v8 =	vld [tilespmem:s19+$0x9000]  }
0x106: {  	v9 =	vld [tilespmem:s18+$0x1000];
	_ =	sdelay $0x2  }
0x107: {  	v6 =	vmul.f32 v7, v6;
	_ =	sdelay $0x1  }
0x108: {  	v6 =	vmul.f32 v9, v6;
	_ =	sdelay $0x1  }
0x109: {  	v6 =	vadd.f32 v6, v8;
	(v2sf) =	vpush v4, $0x9  }
0x10a: {  	(v2sf) =	vpush v5, $0x9  }
0x10b: {  	[tilespmem:s19+$0x9000] =	vst v6;
	s18 =	spop (v2sf)  }
0x10c: {  	v6 =	vld [tilespmem:s18+$0x5000];
	s19 =	spop (v2sf)  }
0x10d: {  	v7 =	vld [tilespmem:s19+$0x5000]  }
0x10e: {  	v8 =	vld [tilespmem:s18+$0x1000]  }
0x10f: {  	v9 =	vld [tilespmem:s19+$0x9000];
	_ =	sdelay $0x2  }
0x110: {  	v6 =	vmul.f32 v7, v6;
	_ =	sdelay $0x1  }
0x111: {  	v6 =	vmul.f32 v8, v6;
	_ =	sdelay $0x1  }
0x112: {  	v6 =	vadd.f32 v6, v9;
	(v2sf) =	vpush v4, $0xA  }
0x113: {  	(v2sf) =	vpush v5, $0xA  }
0x114: {  	[tilespmem:s19+$0x9000] =	vst v6;
	s18 =	spop (v2sf)  }
0x115: {  	v6 =	vld [tilespmem:s18+$0x5000];
	s19 =	spop (v2sf)  }
0x116: {  	v7 =	vld [tilespmem:s19+$0x5000]  }
0x117: {  	v8 =	vld [tilespmem:s19+$0x9000]  }
0x118: {  	v9 =	vld [tilespmem:s18+$0x1000];
	_ =	sdelay $0x2  }
0x119: {  	v6 =	vmul.f32 v7, v6;
	_ =	sdelay $0x1  }
0x11a: {  	v6 =	vmul.f32 v9, v6;
	_ =	sdelay $0x1  }
0x11b: {  	v6 =	vadd.f32 v6, v8;
	(v2sf) =	vpush v4, $0xB  }
0x11c: {  	(v2sf) =	vpush v5, $0xB  }
0x11d: {  	[tilespmem:s19+$0x9000] =	vst v6;
	s18 =	spop (v2sf)  }
0x11e: {  	v6 =	vld [tilespmem:s18+$0x5000];
	s19 =	spop (v2sf)  }
0x11f: {  	v7 =	vld [tilespmem:s19+$0x5000]  }
0x120: {  	v8 =	vld [tilespmem:s18+$0x1000]  }
0x121: {  	v9 =	vld [tilespmem:s19+$0x9000];
	_ =	sdelay $0x2  }
0x122: {  	v6 =	vmul.f32 v7, v6;
	_ =	sdelay $0x1  }
0x123: {  	v6 =	vmul.f32 v8, v6;
	_ =	sdelay $0x1  }
0x124: {  	v6 =	vadd.f32 v6, v9;
	(v2sf) =	vpush v4, $0xC  }
0x125: {  	(v2sf) =	vpush v5, $0xC  }
0x126: {  	[tilespmem:s19+$0x9000] =	vst v6;
	s18 =	spop (v2sf)  }
0x127: {  	v6 =	vld [tilespmem:s18+$0x5000];
	s19 =	spop (v2sf)  }
0x128: {  	v7 =	vld [tilespmem:s19+$0x5000]  }
0x129: {  	v8 =	vld [tilespmem:s18+$0x1000]  }
0x12a: {  	v9 =	vld [tilespmem:s19+$0x9000];
	_ =	sdelay $0x2  }
0x12b: {  	v6 =	vmul.f32 v7, v6;
	_ =	sdelay $0x1  }
0x12c: {  	v6 =	vmul.f32 v8, v6;
	_ =	sdelay $0x1  }
0x12d: {  	v6 =	vadd.f32 v6, v9;
	(v2sf) =	vpush v4, $0xD  }
0x12e: {  	(v2sf) =	vpush v5, $0xD  }
0x12f: {  	[tilespmem:s19+$0x9000] =	vst v6;
	s18 =	spop (v2sf)  }
0x130: {  	v6 =	vld [tilespmem:s18+$0x5000];
	s19 =	spop (v2sf)  }
0x131: {  	v7 =	vld [tilespmem:s19+$0x5000]  }
0x132: {  	v8 =	vld [tilespmem:s18+$0x1000]  }
0x133: {  	v9 =	vld [tilespmem:s19+$0x9000];
	_ =	sdelay $0x2  }
0x134: {  	v6 =	vmul.f32 v7, v6;
	_ =	sdelay $0x1  }
0x135: {  	v6 =	vmul.f32 v8, v6;
	_ =	sdelay $0x1  }
0x136: {  	v6 =	vadd.f32 v6, v9;
	(v2sf) =	vpush v4, $0xE  }
0x137: {  	(v2sf) =	vpush v5, $0xE  }
0x138: {  	[tilespmem:s19+$0x9000] =	vst v6;
	s19 =	spop (v2sf)  }
0x139: {  	v7 =	vld [tilespmem:s19+$0x5000];
	s18 =	spop (v2sf)  }
0x13a: {  	v8 =	vld [tilespmem:s18+$0x5000]  }
0x13b: {  	v9 =	vld [tilespmem:s19+$0x1000]  }
0x13c: {  	v6 =	vld [tilespmem:s18+$0x9000]  }
.Ltmp1:
0x13d: {  	(pc) =	sbr.rel @p0 .LBB2_4-.Ltmp1, $3  }
0x13e: {  	_ = 	snop  }
0x13f: {  	v7 =	vmul.f32 v8, v7;
	_ =	sdelay $0x1  }
0x140: {  	v7 =	vmul.f32 v9, v7  }
0x141: {  	_ = 	snop  }
0x142: {  	(v2sf) =	vpush v4, $0xF;
	v6 =	vadd.f32 v7, v6  }
0x143: {  	(v2sf) =	vpush v5, $0xF  }
0x144: {  	[tilespmem:s18+$0x9000] =	vst v6;
	s17 =	spop (v2sf)  }
0x145: {  	v4 =	vld [tilespmem:s17+$0x5000];
	s29 =	spop (v2sf)  }
0x146: {  	v5 =	vld [tilespmem:s29+$0x5000];
	_ =	sdelay $0x1  }
0x147: {  	v6 =	vld [tilespmem:s17+$0x1000];
	_ =	sdelay $0x1  }
0x148: {  	v61 =	vld [tilespmem:s29+$0x9000]  }
0x149: {  	v4 =	vmul.f32 v5, v4;
	_ =	sdelay $0x1  }
0x14a: {  	v4 =	vmul.f32 v6, v4;
	_ =	sdelay $0x1  }
0x14b: {  	v4 =	vadd.f32 v4, v61;
	_ =	sdelay $0x1  }
0x14c: {  	s30 =	spop (v2sf);
	[tilespmem:s29+$0x9000] =	vst v4  }
0x14d: {  	s31 =	spop (v2sf);
	v4 =	vld [tilespmem:s30+$0x5000]  }
0x14e: {  	v5 =	vld [tilespmem:s31+$0x5000];
	_ =	sdelay $0x1  }
0x14f: {  	v62 =	vld [tilespmem:s30+$0x1000];
	_ =	sdelay $0x1  }
0x150: {  	v63 =	vld [tilespmem:s31+$0x9000]  }
0x151: {  	v4 =	vmul.f32 v5, v4;
	_ =	sdelay $0x1  }
0x152: {  	v4 =	vmul.f32 v62, v4;
	_ =	sdelay $0x1  }
0x153: {  	v4 =	vadd.f32 v4, v63;
	_ =	sdelay $0x1  }
0x154: {  	s18 =	simm.s32 $0x40;
	s17 =	simm.s32 $0x0;
	[tilespmem:s31+$0x9000] =	vst v4  }
.LBB2_6:
0x155: {  	p0 =	sne.s32 s18, $0x7C0;
	v4 =	vld.idx.msk [tilespmem:v1+s17+$0x0 ss:$0x1], $0xffff;
	_ =	sdelay $0x1  }
0x156: {  	v5 =	vld.idx.msk [tilespmem:v3+s17+$0x0 ss:$0x1], $0xffff;
	_ =	sdelay $0x1  }
0x157: {  	v6 =	vld.idx.msk [tilespmem:v2+s17+$0x0 ss:$0x1], $0xffff;
	_ =	sdelay $0x1  }
0x158: {  	v4 =	vmul.f32 v4, v4;
	_ =	sdelay $0x1  }
.Ltmp2:
0x159: {  	v4 =	vmul.f32 v5, v4;
	(pc) =	sbr.rel @p0 .LBB2_6-.Ltmp2, $3  }
0x15a: {  	_ = 	snop  }
0x15b: {  	v4 =	vadd.f32 v4, v6;
	_ =	sdelay $0x1  }
0x15c: {  	[tilespmem:v2+s17+$0x0 ss:$0x1] =	vst.idx.msk $0xffff, v4;
	s17 =	sshra.s32 s18, $0x2;
	s18 =	sadd.s32 $0x40, s18  }
0x15d: {  	_ =	sdelay $0x3  }
0x15e: {  	v4 =	vld.idx.msk [tilespmem:v1+s17+$0x0 ss:$0x1], $0xffff;
	_ =	sdelay $0x1  }
0x15f: {  	v5 =	vld.idx.msk [tilespmem:v3+s17+$0x0 ss:$0x1], $0xffff;
	_ =	sdelay $0x1  }
0x160: {  	v6 =	vld.idx.msk [tilespmem:v2+s17+$0x0 ss:$0x1], $0xffff  }
0x161: {  	v4 =	vmul.f32 v4, v4;
	_ =	sdelay $0x1  }
0x162: {  	v4 =	vmul.f32 v5, v4;
	_ =	sdelay $0x1  }
0x163: {  	s16 =	sadd.s32 $0x1, s16;
	v4 =	vadd.f32 v4, v6  }
0x164: {  	p0 =	sne.s32 s16, s8  }
.Ltmp3:
0x165: {  	[tilespmem:v2+s17+$0x0 ss:$0x1] =	vst.idx.msk $0xffff, v4;
	(pc) =	sbr.rel @p0 .LBB2_1-.Ltmp3, $4  }
0x166: {  	[hbm4b:s7+s9] =	stream.strided.scatter [tilespmem:s15], [sflag:$0x1], $0x4000, s10, s9, $0x38;
	[tilespmem:$0xD000] =	vst v63  }
0x167: {  	_ =	swait.ge [sflag:s11], $0x4000  }
0x168: {  	[sflag:s11] =	ssyncset.done $0x0  }
0x169: {  	[sflag:s11] =	ssyncadd.s32 $0xFFFFC000  }
0x16a: {  	_ =	sfence.sel $0x180000  }
0x16b: {  	[bflag:$0x0] =	sbarrier.arrive $0xFFFF  }
0x16c: {  	p0 =	sne.s32 s0, $0x0;
	_ =	strace $0x9000004A  }
0x16d: {  	s0 =	sadd.s32 @!p0 $0x100000, s1;
	[bflag:$0x2] =	sbarrier.arrive $0xFFFF  }
0x16e: {  	[sflag:s0] =	ssyncadd.tile.s32 @!p0 $0x1;
	_ =	shalt  }
.Lfunc_end2:
_tile_overlayer_lowered:
.L_overlay_start_2:
0x16f: {  	(tag) =	ssettag $0x2  }
0x170: {  	s0 =	rddreg [dreg:$0x0];
	s2 =	stileid.u32  }
0x171: {  	s1 =	rddreg [dreg:$0x1];
	p0 =	sne.s32 s2, $0x0  }
0x172: {  	s3 =	rddreg [dreg:$0x2];
	[bflag:$0x3] =	sbarrier.arrive $0xFFFF;
	s2 =	simm.s32 @!p0 $0x1C01  }
0x173: {  	[timem:s3], [sflag:s2] =	dma.local @!p0 [hbm:s0], s1  }
0x174: {  	s0 =	simm.s32 @!p0 $0x1  }
0x175: {  	_ =	swait.ge @!p0 [sflag:s0], s1  }
0x176: {  	s1 =	ssub.s32 @!p0 $0x0, s1;
	[sflag:s0] =	ssyncset.done @!p0 $0x0  }
0x177: {  	[sflag:s0] =	ssyncadd.s32 @!p0 s1  }
0x178: {  	[bflag:$0x3] =	sbarrier.arrive $0xFFFF  }
0x179: {  	_ =	shalt  }

// kernel: sparse-core-data-format-call.cloned.1.call-start
scs
called_computation_lowered:
.L_overlay_start_0:
0x0: {  	s2 =	sld [smem:$0x3FD9]  }
0x1: {  	s3 =	sld [smem:$0x3FFE];
	_ =	sdelay $0x1  }
0x2: {  	s1 =	srdreg.scid  }
0x3: {  	s0 =	sand.u32 $0x1, s1  }
0x4: {  	s18 =	sshll.u32 s0, $0xA;
	s2 =	sadd.s32 s3, s2  }
0x5: {  	s2 =	sadd.s32 s2, s18  }
0x6: {  	[smem:$0x3FC0] =	sst s2  }
0x7: {  	_ = 	snop  }
0x8: {  	(tm) =	ssettm $0x1  }
0x9: {  	s19 =	sld [smem:$0x3FFB];
	_ =	sdelay $0x3  }
0xa: {  	_ =	strace s19  }
0xb: {  	s2 =	sld [smem:$0x3FFC];
	_ =	sdelay $0x3  }
0xc: {  	_ =	strace s2  }
0xd: {  	s2 =	sld [smem:$0x3FFD];
	_ =	sdelay $0x3  }
0xe: {  	_ =	strace s2  }
0xf: {  	_ =	strace $0x8FFFFFFF  }
0x10: {  	s20 =	sld [smem:$0x3FDB];
	_ =	sdelay $0x1  }
0x11: {  	s21 =	simm.s32 $_scs_section_size  }
0x12: {  	s4 =	simm.s32 $_size__tile_overlayer_lowered;
	s5 =	simm.s32 $_tile_overlayer_lowered  }
0x13: {  	s6 =	simm.s32 $0x1BFF;
	s22 =	sshll.u32 s5, $0x1;
	s3 =	sadd.s32 s21, s20  }
0x14: {  	s23 =	simm.s32 $0x0;
	s4 =	sshll.u32 s4, $0x1;
	s5 =	sadd.s32 s22, s3  }
0x15: {  	[timem:s23], [sflag:s6] =	dma.local [hbm:s5], s4  }
0x16: {  	_ =	swait.ge [sflag:s6], s4  }
0x17: {  	s4 =	ssub.s32 $0x0, s4;
	[sflag:s6] =	ssyncset.done $0x0  }
0x18: {  	[sflag:s6] =	ssyncadd.s32 s4;
	_ =	sdelay $0x1  }
0x19: {  	s24 =	simm.s32 $0x1B8B  }
0x1a: {  	_ =	swait.ge [sflag:s24], $0x1  }
0x1b: {  	[sflag:s24] =	ssyncset.done $0x0  }
0x1c: {  	[sflag:s24] =	ssyncadd.s32 $0xFFFFFFFF  }
0x1d: {  	s4 =	sld [smem:$0x0]  }
0x1e: {  	s5 =	sand.u32 $0xFFFFFFFE, s1  }
0x1f: {  	p0 =	sne.s32 s1, s5  }
0x20: {  	s5 =	sshll.u32 @p0 s5, $0xE  }
0x21: {  	s5 =	sadd.s32 @p0 $0x11B8D, s5;
	s6 =	sshll.u32 @p0 s4, $0x11  }
0x22: {  	s5 =	sor.u32 @p0 s6, s5  }
0x23: {  	[sflag:s5] =	ssyncadd.remote.s32 @p0 $0x1;
	_ =	sdelay $0x1  }
0x24: {  	s5 =	simm.s32 @p0 $0x1B8D  }
0x25: {  	_ =	swait.eq @p0 [sflag:s5], $0x1  }
0x26: {  	[sflag:s5] =	ssyncadd.s32 @p0 $0xFFFFFFFF  }
0x27: {  	s6 =	sshll.u32 @!p0 s1, $0xE  }
0x28: {  	s6 =	sor.u32 @!p0 $0x4000, s6;
	s5 =	simm.s32 @!p0 $0x1B8D  }
0x29: {  	s4 =	sshll.u32 @!p0 s4, $0x11;
	s6 =	sadd.s32 @!p0 $0x11B8D, s6;
	_ =	swait.eq @!p0 [sflag:s5], $0x1  }
0x2a: {  	s4 =	sor.u32 @!p0 s4, s6;
	[sflag:s5] =	ssyncadd.s32 @!p0 $0xFFFFFFFF  }
0x2b: {  	s26 =	simm.s32 $0x1B8E;
	s25 =	sld [smem:$0x3FFE];
	[sflag:s4] =	ssyncadd.remote.s32 @!p0 $0x1  }
0x2c: {  	s27 =	simm.s32 $execute0_lowered;
	[smem:$0x3FD2] =	sst s26  }
0x2d: {  	s5 =	sshll.u32 s27, $0x1;
	_ =	strace $0x8000004C;
	[dreg:$0x1] =	wrdreg $0xFFFFFFFF  }
0x2e: {  	s28 =	simm.s32 $_size_execute0_lowered;
	s3 =	sadd.s32 s3, s5;
	[dreg:$0x0] =	wrdreg $0x0  }
0x2f: {  	s5 =	sshll.u32 s28, $0x1;
	[dreg:$0x2] =	wrdreg s3  }
0x30: {  	[dreg:$0x3] =	wrdreg s5  }
0x31: {  	[dreg:$0x4] =	wrdreg $0xC0  }
0x32: {  	_ =	task [dreg:s23], $0x5FFFF  }
0x33: {  	[dreg:$0x1] =	wrdreg $0xFFFFFFFF  }
0x34: {  	[dreg:$0x0] =	wrdreg $0x60  }
0x35: {  	[dreg:$0x2] =	wrdreg s25  }
0x36: {  	[dreg:$0x3] =	wrdreg $0x9  }
0x37: {  	_ =	task.clear_ibuf [dreg:s23], $0x4FFFF;
	_ =	strace $0x9000004C  }
0x38: {  	s29 =	simm.s32 $0x9;
	_ =	strace $0x8000004E  }
0x39: {  	_ =	swait.ge [sflag:s29], $0x1  }
0x3a: {  	[sflag:s29] =	ssyncadd.s32 $0xFFFFFFFF  }
0x3b: {  	_ =	strace $0x9000004E  }
0x3c: {  	_ =	sfence  }
0x3d: {  	s30 =	sld [smem:$0x0];
	_ =	sdelay $0x2  }
0x3e: {  	s31 =	sshll.u32 s1, $0xD;
	s1 =	sshrl.u32 s1, $0x2  }
0x3f: {  	s4 =	sand.u32 $0x4000, s31;
	s1 =	sadd.s32 s1, s30  }
0x40: {  	s0 =	sor.u32 s4, s0;
	s1 =	sshll.u32 s1, $0x11  }
0x41: {  	s0 =	sor.u32 s1, s0  }
0x42: {  	s0 =	sadd.s32 $0x8F2B, s0  }
0x43: {  	[sflag:s0] =	ssyncadd.remote.s32 $0x1  }
0x44: {  	_ =	sfence.sel $0xFFFF  }
0x45: {  	[dreg:$0x0] =	wrdreg $0xFFFFFFFF;
	(pc) =	sbr.abs _section_cstart, $3  }
0x46: {  	[dreg:$0x1] =	wrdreg $0xFFFFFFFF  }
0x47: {  	_ =	task.clear_ibuf [dreg:s23], $0x2FFFF;
	_ =	strace $0x9FFFFFFF  }
0x48: {  	(tm) =	ssettm $0x7FFFFFFF  }
0x49: {  	_ =	shalt  }
tec
execute0_lowered:
.L_overlay_start_1:
0x0: {  	(tag) =	ssettag $0x1  }
0x1: {  	s0 =	srdreg.scid  }
0x2: {  	s1 =	sshll.u32 s0, $0x4  }
0x3: {  	s0 =	stileid.u32;
	s1 =	sand.u32 $0x10, s1  }
0x4: {  	s1 =	sor.u32 s0, s1  }
0x5: {  	s6 =	rddreg [dreg:$0x0];
	s7 =	simm.s32 $0x2;
	s2 =	sshll.u32 s1, $0x8  }
0x6: {  	s12 =	simm.s32 $0x0;
	s8 =	simm.s32 $0x1400;
	s1 =	ssub.s32 $0x1E000, s2  }
0x7: {  	s13 =	simm.s32 $0x0;
	s10 =	simm.s32 $0x0;
	s3 =	sand.u32 $0x1F00, s1  }
0x8: {  	s11 =	simm.s32 $0x0;
	p0 =	sne.s32 s3, $0x0;
	s3 =	simm.s32 $0x1  }
.Ltmp0:
0x9: {  	s4 =	sshrl.u32 s1, $0xD;
	s3 =	simm.s32 @!p0 $0x0;
	(pc) =	sbr.rel .LBB1_1-.Ltmp0, $4  }
0xa: {  	s5 =	sadd.s32 $0x25600, s6;
	s1 =	rddreg [dreg:$0x1];
	s4 =	sadd.s32 s3, s4  }
0xb: {  	_ =	strace $0x8000004D;
	s3 =	simm.s32 $0x1;
	s4 =	smul.u32 $0xA, s4  }
0xc: {  	s6 =	sadd.s32 $0x8EF600, s6;
	s9 =	smov.u32 s2;
	[sflag:s3] =	ssyncpa.u1 $0x0  }
0xd: {  	p0 =	por $0x0, $0x0;
	[sflag:s7] =	ssyncpa.u1 $0x0;
	s7 =	sor.u32 $0x1, s4  }
.LBB1_4:
0xe: {  	s15 =	sshrl.u32 s12, $0x3  }
0xf: {  	s19 =	sshll.u32 s13, $0x3;
	s15 =	smul.u32 $0x2800, s15  }
0x10: {  	s20 =	sshll.u32 s12, $0x7;
	s19 =	sand.u32 $0xFFFFFC00, s19  }
0x11: {  	[tilespmem:s17+$0x1 ss:$0x81] =	vst.msk $0xffff, v12;
	v8 =	vcombine.high v8, v10;
	v6 =	vperm.xlane.i2c.b16 v6;
	v50 =	vld [tilespmem:s16+$0x230];
	s27 =	sshll.u32 s13, $0x1;
	s26 =	sand.u32 $0x300, s20;
	s15 =	sadd.s32 s19, s15  }
0x12: {  	[tilespmem:s17+$0x810 ss:$0x81] =	vst.msk $0xffff, v11;
	v51 =	vcombine.low v7, v9;
	v3 =	vperm.xlane.i2c.b16 v3;
	s28 =	sand.u32 $0x1, s12;
	v52 =	vld [tilespmem:s16+$0x240];
	s13 =	sand.u32 $0xFE, s27;
	s15 =	sor.u32 s26, s15  }
0x13: {  	v53 =	vcombine.high v7, v9;
	v54 =	vld [tilespmem:s16+$0x250];
	v0 =	vcombine.high v0, v1;
	[tilespmem:s17+$0x811 ss:$0x81] =	vst.msk $0xffff, v8;
	s12 =	sor.u32 s28, s13;
	s29 =	smulhi.u32 $0xCCCCCCCD, s15  }
0x14: {  	v4 =	vperm.xlane.i2c.b16 v4;
	v2 =	vperm.xlane.i2c.b16 v2;
	[tilespmem:s17+$0x1020 ss:$0x81] =	vst.msk $0xffff, v51;
	s12 =	sor.u32 s15, s12  }
0x15: {  	v5 =	vperm.xlane.i2c.b16 v5;
	v55 =	vcombine.low v6, v3;
	[tilespmem:s14+$0x3061 ss:$0x81] =	vst.msk $0xffff, v0;
	s15 =	smulhi.u32 $0xCCCCCCCD, s12;
	s13 =	sshrl.u32 s29, $0xA  }
0x16: {  	v3 =	vcombine.high v6, v3;
	v56 =	vcombine.low v4, v2;
	[tilespmem:s17+$0x1021 ss:$0x81] =	vst.msk $0xffff, v53;
	s30 =	smulhi.u32 $0x444445, s13  }
0x17: {  	v2 =	vcombine.high v4, v2;
	[tilespmem:s17+$0x1830 ss:$0x81] =	vst.msk $0xffff, v55;
	v57 =	vperm.xlane.i2c.b16 v50;
	s15 =	sshrl.u32 s15, $0xA  }
0x18: {  	[tilespmem:s17+$0x2040 ss:$0x81] =	vst.msk $0xffff, v56;
	v58 =	vperm.xlane.i2c.b16 v52;
	v60 =	vperm.xlane.i2c.b16 v54;
	s15 =	smul.u32 $0x500, s15;
	s16 =	sshrl.u32 s30, $0x7  }
0x19: {  	[tilespmem:s17+$0x1831 ss:$0x81] =	vst.msk $0xffff, v3;
	v59 =	vcombine.low v5, v57;
	s16 =	smul.u32 $0x1E000, s16  }
0x1a: {  	[tilespmem:s17+$0x2041 ss:$0x81] =	vst.msk $0xffff, v2;
	v62 =	vcombine.low v58, v60  }
0x1b: {  	v61 =	vcombine.high v5, v57;
	[tilespmem:s17+$0x2850 ss:$0x81] =	vst.msk $0xffff, v59;
	s12 =	ssub.s32 s12, s15;
	s13 =	ssub.s32 s13, s16  }
0x1c: {  	v63 =	vcombine.high v58, v60;
	[tilespmem:s17+$0x3060 ss:$0x81] =	vst.msk $0xffff, v62;
	s31 =	sshrl.u32 s12, $0x4;
	s12 =	sshll.u32 s12, $0x11;
	s13 =	smul.u32 $0x50, s13  }
0x1d: {  	[tilespmem:s17+$0x2851 ss:$0x81] =	vst.msk $0xffff, v61;
	s14 =	sadd.s32 s6, s31;
	s12 =	sand.u32 $0x1C0000, s12  }
0x1e: {  	[tilespmem:s17+$0x3061 ss:$0x81] =	vst.msk $0xffff, v63;
	s12 =	sor.u32 $0x200, s12;
	s13 =	sadd.s32 s13, s14  }
0x1f: {  	[hbm4b:s13+s12] =	stream.strided.scatter [tilespmem:s18], [sflag:$0x2], $0x4000, s8, s12, $0x20;
	[tilespmem:$0x10100] =	vst v63  }
.LBB1_5:
0x20: {  	s14 =	sadd.s32 $0x2000, s9  }
0x21: {  	s12 =	sadd.s32 $0x80, s10;
	s16 =	smov.u32 s10;
	p2 =	sgt.s32 s14, $0x1DFFF  }
0x22: {  	s16 =	smov.u32 @p2 s12  }
0x23: {  	s14 =	smov.u32 @p2 s2;
	p2 =	sgt.s32 s16, $0x4AF  }
0x24: {  	s16 =	simm.s32 @p2 $0x0;
	p2 =	sne.s32 s11, s7  }
.Ltmp1:
0x25: {  	p1 =	slt.u32 s11, $0x2;
	(pc) =	sbr.rel @!p2 .LBB1_6-.Ltmp1, $4  }
0x26: {  	s15 =	simm.s32 @!p1 $0x2  }
0x27: {  	s13 =	smov.u32 s10;
	p0 =	por !p0, !p0;
	_ =	swait.ge @!p1 [sflag:s15], $0x4000  }
0x28: {  	s12 =	smov.u32 s9;
	[sflag:s15] =	ssyncset.done @!p1 $0x0;
	s9 =	smov.u32 s14  }
0x29: {  	s11 =	sadd.s32 $0x1, s11;
	[sflag:s15] =	ssyncadd.s32 @!p1 $0xFFFFC000;
	s10 =	smov.u32 s16  }
.LBB1_1:
0x2a: {  	p1 =	sge.u32 s11, s4;
	s19 =	smov.u32 s9  }
0x2b: {  	s14 =	sshrl.u32 @!p1 s10, $0x3;
	s15 =	sand.u32 @!p1 $0x1, s10;
	s16 =	sshll.u32 @!p1 s10, $0x7  }
0x2c: {  	s17 =	sshll.u32 @!p1 s9, $0x3;
	s18 =	sshll.u32 @!p1 s9, $0x1;
	p2 =	sgt.s32 @!p1 s10, $0x430  }
0x2d: {  	s20 =	sshra.s32 @!p1 s9, $0x1F;
	s14 =	smul.u32 @!p1 $0xF0000, s14;
	s16 =	sand.u32 @!p1 $0x300, s16  }
0x2e: {  	s17 =	sand.u32 @!p1 $0xFFFFFC00, s17;
	s18 =	sand.u32 @!p1 $0xFE, s18;
	s15 =	sor.u32 @!p1 s15, s16  }
0x2f: {  	p2 =	por !p2, p1;
	s14 =	sadd.s32 @!p1 s14, s17;
	s15 =	sor.u32 @!p1 s18, s15  }
0x30: {  	s17 =	smov.u32 s10;
	s18 =	sshra.s32 @!p1 s10, $0x1F;
	s15 =	sor.u32 @!p1 s14, s15  }
0x31: {  	s14 =	smulhi.u32 @!p1 $0x88888889, s14;
	s17 =	simm.s32 @p2 $0x430;
	p2 =	sgt.s32 @!p1 s9, $0x1DF00  }
0x32: {  	s18 =	sand.u32 @!p1 s18, s10;
	s16 =	smulhi.u32 @!p1 $0x88888889, s15;
	p2 =	por !p2, p1  }
0x33: {  	s17 =	ssub.s32 @!p1 s17, s18;
	s18 =	sand.u32 @!p1 s20, s9;
	s19 =	simm.s32 @p2 $0x1DF00  }
0x34: {  	s20 =	sshrl.u32 @!p1 s14, $0x14;
	s18 =	ssub.s32 @!p1 s19, s18;
	s19 =	sadd.s32 @!p1 $0xFFFFFBD0, s17  }
0x35: {  	s20 =	smul.u32 @!p1 $0x36A, s20;
	s17 =	ssub.s32 @!p1 $0x4B0, s17;
	s16 =	sshrl.u32 @!p1 s16, $0x10  }
0x36: {  	p2 =	sgt.s32 @!p1 s19, $0x7F;
	s19 =	sadd.s32 @!p1 $0xFFFE2100, s18;
	s18 =	ssub.s32 @!p1 $0x1E000, s18  }
0x37: {  	p3 =	sgt.s32 @!p1 s19, $0xFF;
	p2 =	por !p2, p1;
	s19 =	sshrl.u32 @!p1 s20, $0x10  }
0x38: {  	s17 =	simm.s32 @!p2 $0x0;
	s19 =	smul.u32 @!p1 $0x4B0, s19;
	p2 =	por !p3, p1  }
0x39: {  	s14 =	sshrl.u32 @!p1 s14, $0x10;
	s16 =	smul.u32 @!p1 $0x1E000, s16;
	s18 =	simm.s32 @!p2 $0x0  }
0x3a: {  	s31 =	sadd.s32 $0xFFFFFFFF, s11;
	s14 =	ssub.s32 @!p1 s14, s19;
	s17 =	smul.u32 @!p1 s17, s18  }
0x3b: {  	s15 =	ssub.s32 @!p1 s15, s16;
	s18 =	sxor.u32 @!p1 $0xFFFFFFFF, s11;
	s14 =	sand.u32 @!p1 $0xFFFF, s14  }
0x3c: {  	s16 =	sshrl.u32 @!p1 s17, $0x1;
	s14 =	smul.u32 @!p1 $0x1E00, s14;
	s17 =	sshrl.u32 @!p1 s15, $0x4  }
0x3d: {  	s15 =	sshll.u32 @!p1 s15, $0x11;
	s16 =	sand.u32 @!p1 $0x3FFFFFFF, s16;
	s17 =	sadd.s32 @!p1 s5, s17  }
0x3e: {  	s15 =	sand.u32 @!p1 $0x1C0000, s15;
	s14 =	sadd.s32 @!p1 s14, s17;
	s17 =	sshll.u32 @!p1 s18, $0xE  }
0x3f: {  	s15 =	sor.u32 @!p1 $0x400, s15;
	s18 =	simm.s32 @!p1 $0x78000;
	s17 =	sand.u32 @!p1 $0x4000, s17  }
0x40: {  	[tilespmem:s17], [sflag:$0x1] =	stream.strided.gather @!p1 [hbm4b:s14+s15], s16, s18, s15, $0x38;
	[tilespmem:$0x10100] =	vst v63  }
0x41: {  	p1 =	sge.u32 s31, s4  }
.Ltmp2:
0x42: {  	_ = 	snop;
	(pc) =	sbr.rel @p1 .LBB1_5-.Ltmp2, $1  }
0x43: {  	_ =	sdelay $0x3  }
0x44: {  	p1 =	sgt.s32 s13, $0x430  }
0x45: {  	s14 =	smov.u32 s13;
	s15 =	sshra.s32 s13, $0x1F;
	s16 =	smov.u32 s12  }
0x46: {  	s17 =	sshra.s32 s12, $0x1F;
	s14 =	simm.s32 @!p1 $0x430;
	p1 =	sgt.s32 s12, $0x1DF00  }
0x47: {  	s15 =	sand.u32 s15, s13;
	s25 =	sand.u32 s17, s12;
	s16 =	simm.s32 @!p1 $0x1DF00  }
0x48: {  	s14 =	ssub.s32 s14, s15;
	s15 =	ssub.s32 s16, s25  }
0x49: {  	s26 =	sadd.s32 $0xFFFFFBD0, s14;
	s14 =	ssub.s32 $0x4B0, s14;
	s16 =	sadd.s32 $0xFFFE2100, s15  }
0x4a: {  	p1 =	sgt.s32 s26, $0x7F;
	s15 =	ssub.s32 $0x1E000, s15;
	p2 =	sgt.s32 s16, $0xFF  }
0x4b: {  	s14 =	simm.s32 @p1 $0x0;
	s15 =	simm.s32 @p2 $0x0  }
0x4c: {  	s14 =	smul.u32 s14, s15;
	_ =	sdelay $0x1  }
0x4d: {  	s18 =	simm.s32 $0x0;
	s14 =	sshrl.u32 s14, $0x1  }
0x4e: {  	s27 =	sand.u32 $0x1, s11;
	s29 =	sand.u32 $0x3C00, s18;
	s14 =	sand.u32 $0x3FFFFFFF, s14  }
0x4f: {  	s18 =	sand.u32 $0x180, s18;
	s15 =	sshll.u32 s27, $0xE;
	_ =	swait.ge [sflag:s3], s14  }
0x50: {  	s28 =	ssub.s32 $0x0, s14;
	s14 =	sadd.s32 s29, s15;
	[sflag:s3] =	ssyncset.done $0x0  }
0x51: {  	s18 =	sadd.s32 s18, s14;
	[sflag:s3] =	ssyncadd.s32 s28  }
0x52: {  	v0 =	vld [tilespmem:s18+$0x260]  }
0x53: {  	v1 =	vld [tilespmem:s18+$0x270]  }
0x54: {  	v2 =	vld [tilespmem:s18+$0x0]  }
0x55: {  	v3 =	vld [tilespmem:s18+$0x10]  }
0x56: {  	v4 =	vld [tilespmem:s18+$0x20]  }
0x57: {  	s14 =	simm.s32 $0x1;
	v5 =	vld [tilespmem:s18+$0x30]  }
0x58: {  	s14 =	simm.s32 @!p0 $0x0;
	v6 =	vld [tilespmem:s18+$0x40]  }
0x59: {  	s14 =	smul.u32 $0x10200, s14;
	v7 =	vld [tilespmem:s18+$0x50];
	v1 =	vperm.xlane.i2c.b16 v1;
	v0 =	vperm.xlane.i2c.b16 v0  }
0x5a: {  	v8 =	vld [tilespmem:s18+$0x60];
	v2 =	vperm.xlane.i2c.b16 v2;
	v3 =	vperm.xlane.i2c.b16 v3  }
0x5b: {  	v10 =	vld [tilespmem:s18+$0x70];
	s14 =	sshrl.u32 s14, $0x2;
	v9 =	vcombine.low v0, v1;
	v0 =	vcombine.high v0, v1  }
0x5c: {  	s14 =	sor.u32 $0x8000, s14;
	v1 =	vperm.xlane.i2c.b16 v5;
	v5 =	vld [tilespmem:s18+$0x200];
	v11 =	vcombine.low v2, v3  }
0x5d: {  	v4 =	vperm.xlane.i2c.b16 v4;
	v2 =	vcombine.high v2, v3;
	v3 =	vld [tilespmem:s18+$0x210];
	[tilespmem:s14+$0x3870 ss:$0x81] =	vst.msk $0xffff, v9  }
0x5e: {  	s30 =	simm.s32 $0x100;
	v6 =	vperm.xlane.i2c.b16 v6;
	v7 =	vperm.xlane.i2c.b16 v7;
	v9 =	vld [tilespmem:s18+$0x220];
	[tilespmem:s14+$0x0 ss:$0x81] =	vst.msk $0xffff, v11  }
0x5f: {  	s19 =	simm.s32 $0x80;
	s16 =	sand.u32 $0x3C00, s30;
	[tilespmem:s14+$0x3871 ss:$0x81] =	vst.msk $0xffff, v0;
	v0 =	vcombine.low v4, v1;
	v1 =	vcombine.high v4, v1;
	v4 =	vld [tilespmem:s18+$0x230]  }
0x60: {  	s20 =	sand.u32 $0x180, s19;
	s16 =	sadd.s32 s16, s15;
	[tilespmem:s14+$0x1 ss:$0x81] =	vst.msk $0xffff, v2;
	v2 =	vperm.xlane.i2c.b16 v8;
	v8 =	vperm.xlane.i2c.b16 v10;
	v10 =	vld [tilespmem:s18+$0x240]  }
0x61: {  	s16 =	sadd.s32 s20, s16;
	[tilespmem:s14+$0x810 ss:$0x81] =	vst.msk $0xffff, v0;
	v0 =	vcombine.low v6, v7;
	v6 =	vcombine.high v6, v7;
	v7 =	vld [tilespmem:s18+$0x250]  }
0x62: {  	v11 =	vcombine.low v2, v8;
	v2 =	vcombine.high v2, v8;
	v8 =	vld [tilespmem:s16+$0x0];
	[tilespmem:s14+$0x811 ss:$0x81] =	vst.msk $0xffff, v1  }
0x63: {  	v1 =	vperm.xlane.i2c.b16 v5;
	v5 =	vld [tilespmem:s16+$0x260];
	[tilespmem:s14+$0x1020 ss:$0x81] =	vst.msk $0xffff, v0;
	v0 =	vperm.xlane.i2c.b16 v3  }
0x64: {  	v3 =	vld [tilespmem:s16+$0x270];
	[tilespmem:s14+$0x1021 ss:$0x81] =	vst.msk $0xffff, v6;
	v6 =	vperm.xlane.i2c.b16 v9  }
0x65: {  	[tilespmem:s14+$0x1830 ss:$0x81] =	vst.msk $0xffff, v11;
	v11 =	vld [tilespmem:s16+$0x10];
	v4 =	vperm.xlane.i2c.b16 v4;
	v9 =	vcombine.low v1, v0  }
0x66: {  	v12 =	vcombine.high v1, v0;
	v0 =	vperm.xlane.i2c.b16 v10  }
0x67: {  	[tilespmem:s14+$0x1831 ss:$0x81] =	vst.msk $0xffff, v2;
	v2 =	vld [tilespmem:s16+$0x20];
	v10 =	vcombine.low v6, v4;
	v1 =	vperm.xlane.i2c.b16 v7  }
0x68: {  	v7 =	vld [tilespmem:s16+$0x30];
	v4 =	vcombine.high v6, v4;
	v13 =	vperm.xlane.i2c.b16 v8;
	[tilespmem:s14+$0x2040 ss:$0x81] =	vst.msk $0xffff, v9  }
0x69: {  	v9 =	vld [tilespmem:s16+$0x40];
	v5 =	vperm.xlane.i2c.b16 v5;
	[tilespmem:s14+$0x2041 ss:$0x81] =	vst.msk $0xffff, v12;
	v12 =	vperm.xlane.i2c.b16 v3  }
0x6a: {  	v14 =	vld [tilespmem:s16+$0x50];
	[tilespmem:s14+$0x2850 ss:$0x81] =	vst.msk $0xffff, v10;
	v10 =	vcombine.low v0, v1;
	v11 =	vperm.xlane.i2c.b16 v11  }
0x6b: {  	v6 =	vld [tilespmem:s16+$0x60];
	[tilespmem:s14+$0x2851 ss:$0x81] =	vst.msk $0xffff, v4;
	v15 =	vcombine.low v5, v12  }
0x6c: {  	s31 =	smul.u32 $0x10200, s27;
	s17 =	sadd.s32 $0x2, s14;
	v3 =	vld [tilespmem:s16+$0x70];
	v8 =	vperm.xlane.i2c.b16 v2;
	[tilespmem:s14+$0x3060 ss:$0x81] =	vst.msk $0xffff, v10;
	v16 =	vcombine.low v13, v11  }
0x6d: {  	v4 =	vld [tilespmem:s16+$0x200];
	v5 =	vcombine.high v5, v12;
	v10 =	vperm.xlane.i2c.b16 v7;
	[tilespmem:s17+$0x3870 ss:$0x81] =	vst.msk $0xffff, v15  }
0x6e: {  	s18 =	sshrl.u32 s31, $0x2;
	v2 =	vld [tilespmem:s16+$0x210];
	v12 =	vcombine.high v13, v11;
	v7 =	vperm.xlane.i2c.b16 v9;
	[tilespmem:s17+$0x0 ss:$0x81] =	vst.msk $0xffff, v16  }
0x6f: {  	s21 =	simm.s32 $0x200;
	s20 =	simm.s32 $0x2;
	s18 =	sor.u32 $0x8000, s18;
	v9 =	vperm.xlane.i2c.b16 v14;
	[tilespmem:s17+$0x3871 ss:$0x81] =	vst.msk $0xffff, v5;
	v11 =	vcombine.low v8, v10;
	v5 =	vld [tilespmem:s16+$0x220]  }
.LBB1_3:
0x70: {  	s22 =	sand.u32 $0x3C00, s21;
	[tilespmem:s17+$0x1 ss:$0x81] =	vst.msk $0xffff, v12;
	v8 =	vcombine.high v8, v10;
	v6 =	vperm.xlane.i2c.b16 v6;
	v10 =	vld [tilespmem:s16+$0x230];
	s19 =	sadd.s32 $0x80, s19  }
0x71: {  	v3 =	vperm.xlane.i2c.b16 v3;
	s23 =	sand.u32 $0x180, s19;
	s22 =	sadd.s32 s22, s15;
	[tilespmem:s17+$0x810 ss:$0x81] =	vst.msk $0xffff, v11;
	v11 =	vcombine.low v7, v9;
	v12 =	vld [tilespmem:s16+$0x240]  }
0x72: {  	s20 =	sadd.s32 $0x2, s20;
	v4 =	vperm.xlane.i2c.b16 v4;
	v7 =	vcombine.high v7, v9;
	[tilespmem:s17+$0x811 ss:$0x81] =	vst.msk $0xffff, v8;
	v8 =	vld [tilespmem:s16+$0x250];
	s16 =	sadd.s32 s23, s22  }
0x73: {  	v2 =	vperm.xlane.i2c.b16 v2;
	p1 =	slt.u32 s20, $0x7E;
	v9 =	vld [tilespmem:s16+$0x260];
	[tilespmem:s17+$0x1020 ss:$0x81] =	vst.msk $0xffff, v11;
	v11 =	vcombine.low v6, v3  }
0x74: {  	v5 =	vperm.xlane.i2c.b16 v5;
	v3 =	vcombine.high v6, v3;
	v13 =	vld [tilespmem:s16+$0x270];
	[tilespmem:s17+$0x1021 ss:$0x81] =	vst.msk $0xffff, v7  }
0x75: {  	v7 =	vcombine.low v4, v2;
	v6 =	vld [tilespmem:s16+$0x0];
	[tilespmem:s17+$0x1830 ss:$0x81] =	vst.msk $0xffff, v11;
	v10 =	vperm.xlane.i2c.b16 v10  }
0x76: {  	v2 =	vcombine.high v4, v2;
	v11 =	vld [tilespmem:s16+$0x10];
	[tilespmem:s17+$0x1831 ss:$0x81] =	vst.msk $0xffff, v3;
	v3 =	vperm.xlane.i2c.b16 v12  }
0x77: {  	v4 =	vld [tilespmem:s16+$0x20];
	[tilespmem:s17+$0x2040 ss:$0x81] =	vst.msk $0xffff, v7;
	v7 =	vcombine.low v5, v10;
	v8 =	vperm.xlane.i2c.b16 v8  }
0x78: {  	v12 =	vld [tilespmem:s16+$0x30];
	[tilespmem:s17+$0x2041 ss:$0x81] =	vst.msk $0xffff, v2;
	v2 =	vcombine.high v5, v10;
	v5 =	vcombine.high v0, v1;
	v0 =	vmov v3  }
0x79: {  	v9 =	vperm.xlane.i2c.b16 v9;
	v14 =	vld [tilespmem:s16+$0x40];
	v10 =	vperm.xlane.i2c.b16 v13;
	[tilespmem:s17+$0x2850 ss:$0x81] =	vst.msk $0xffff, v7;
	v1 =	vmov v8  }
0x7a: {  	v7 =	vperm.xlane.i2c.b16 v6;
	v13 =	vld [tilespmem:s16+$0x50];
	[tilespmem:s17+$0x2851 ss:$0x81] =	vst.msk $0xffff, v2;
	v2 =	vcombine.low v0, v1  }
.Ltmp3:
0x7b: {  	v11 =	vperm.xlane.i2c.b16 v11;
	v6 =	vld [tilespmem:s16+$0x60];
	v15 =	vcombine.low v9, v10;
	[tilespmem:s14+$0x3061 ss:$0x81] =	vst.msk $0xffff, v5;
	s14 =	smov.u32 s17;
	(pc) =	sbr.rel @p1 .LBB1_3-.Ltmp3, $4  }
0x7c: {  	v5 =	vcombine.high v9, v10;
	s17 =	sadd.s32 $0x2, s17;
	v8 =	vperm.xlane.i2c.b16 v4;
	v3 =	vld [tilespmem:s16+$0x70];
	[tilespmem:s14+$0x3060 ss:$0x81] =	vst.msk $0xffff, v2  }
0x7d: {  	v9 =	vcombine.low v7, v11;
	v10 =	vperm.xlane.i2c.b16 v12;
	v4 =	vld [tilespmem:s16+$0x200];
	[tilespmem:s17+$0x3870 ss:$0x81] =	vst.msk $0xffff, v15  }
0x7e: {  	v12 =	vcombine.high v7, v11;
	v7 =	vperm.xlane.i2c.b16 v14;
	v2 =	vld [tilespmem:s16+$0x210];
	[tilespmem:s17+$0x3871 ss:$0x81] =	vst.msk $0xffff, v5  }
0x7f: {  	s21 =	sadd.s32 $0x100, s21;
	[tilespmem:s17+$0x0 ss:$0x81] =	vst.msk $0xffff, v9;
	v11 =	vcombine.low v8, v10;
	v9 =	vperm.xlane.i2c.b16 v13;
	v5 =	vld [tilespmem:s16+$0x220]  }
.Ltmp4:
0x80: {  	_ = 	snop;
	(pc) =	sbr.rel .LBB1_4-.Ltmp4, $1  }
0x81: {  	_ =	sdelay $0x3  }
.LBB1_6:
0x82: {  	_ =	sfence.sel $0x180000  }
0x83: {  	s2 =	simm.s32 $0x1;
	[bflag:$0x0] =	sbarrier.arrive $0xFFFF  }
0x84: {  	s31 =	simm.s32 $0x2;
	[sflag:s2] =	ssyncpa.u1 $0x1  }
0x85: {  	[sflag:s31] =	ssyncpa.u1 $0x1  }
0x86: {  	p0 =	sne.s32 s0, $0x0;
	_ =	strace $0x9000004D  }
0x87: {  	s0 =	sadd.s32 @!p0 $0x100000, s1;
	[bflag:$0x2] =	sbarrier.arrive $0xFFFF  }
0x88: {  	[sflag:s0] =	ssyncadd.tile.s32 @!p0 $0x1;
	_ =	shalt  }
.Lfunc_end1:
_tile_overlayer_lowered:
.L_overlay_start_2:
0x89: {  	(tag) =	ssettag $0x2  }
0x8a: {  	s0 =	rddreg [dreg:$0x0];
	s2 =	stileid.u32  }
0x8b: {  	s1 =	rddreg [dreg:$0x1];
	p0 =	sne.s32 s2, $0x0  }
0x8c: {  	s3 =	rddreg [dreg:$0x2];
	[bflag:$0x3] =	sbarrier.arrive $0xFFFF;
	s2 =	simm.s32 @!p0 $0x1C01  }
0x8d: {  	[timem:s3], [sflag:s2] =	dma.local @!p0 [hbm:s0], s1  }
0x8e: {  	s0 =	simm.s32 @!p0 $0x1  }
0x8f: {  	_ =	swait.ge @!p0 [sflag:s0], s1  }
0x90: {  	s1 =	ssub.s32 @!p0 $0x0, s1;
	[sflag:s0] =	ssyncset.done @!p0 $0x0  }
0x91: {  	[sflag:s0] =	ssyncadd.s32 @!p0 s1  }
0x92: {  	[bflag:$0x3] =	sbarrier.arrive $0xFFFF  }
0x93: {  	_ =	shalt  }

</sc_bundles>
